<compile_context>
chip_gen: v7x
topology: tpu7x:2x2x1
jax: 0.10.2.dev20260603
libtpu: 0.0.44.dev20260713+nightly
codegen_flags: <defaults>
</compile_context>

<pallas_src>
import jax
import jax.numpy as jnp
from jax import lax
from jax.experimental import pallas as pl
from jax.experimental.pallas import tpu as pltpu
from jax.experimental.pallas import tpu_sc as plsc

N = 10000
D = 128
E = 320000
NC, NS = 2, 16
NW = NC * NS
B = 128
NBUF = 2
CH = ((-(-E // (NW * B)) + NBUF - 1) // NBUF) * NBUF
PH = CH // 2
EPAD = NW * CH * B
SB = 5
STRIPE = SB * B
NP = NS * STRIPE

_mesh = plsc.VectorSubcoreMesh(
    core_axis_name="c", subcore_axis_name="s", num_cores=NC, num_subcores=NS
)
_f32 = jnp.float32


def _zero_stripe(sh, buf, s):
    for k in range(SB):
        pltpu.sync_copy(buf, sh.at[pl.ds(s * STRIPE + k * B, B)])


def _copy_out_stripe(sh, buf, out, s):
    for k in range(SB):
        so = pl.ds(s * STRIPE + k * B, B)
        pltpu.sync_copy(sh.at[so], buf)
        pltpu.sync_copy(buf, out.at[so])


def _segsum_body(h, srcp2, dstp, zrow, outA0, outA1,
                 srcv, didx0, didx1, r0, r1, s0, s1, t0, t1, A_sh):
    c = lax.axis_index("c")
    s = lax.axis_index("s")
    wid = c * NS + s
    pltpu.sync_copy(zrow, r0)
    _zero_stripe(A_sh, r0, s)
    plsc.subcore_barrier()

    for p in range(CH // PH):
        pbase = wid * CH + p * PH
        pltpu.sync_copy(srcp2.at[pl.ds(pbase, PH)], srcv)

        def outer(it, carry):
            g = it * NBUF
            eb = (pbase + g) * B
            e0 = pltpu.async_copy(dstp.at[pl.ds(eb, B)], didx0, t0)
            e1 = pltpu.async_copy(dstp.at[pl.ds(eb + B, B)], didx1, t1)
            d0 = pltpu.async_copy(h.at[srcv.at[g]], r0, s0)
            d1 = pltpu.async_copy(h.at[srcv.at[g + 1]], r1, s1)
            e0.wait()
            d0.wait()
            pltpu.sync_copy(r0, A_sh.at[didx0], add=True)
            e1.wait()
            d1.wait()
            pltpu.sync_copy(r1, A_sh.at[didx1], add=True)
            return carry

        lax.fori_loop(0, PH // NBUF, outer, 0)
    plsc.subcore_barrier()

    @pl.when(c == 0)
    def _():
        _copy_out_stripe(A_sh, r0, outA0, s)

    @pl.when(c == 1)
    def _():
        _copy_out_stripe(A_sh, r0, outA1, s)


_segsum = pl.kernel(
    _segsum_body,
    out_type=[jax.ShapeDtypeStruct((NP, D), _f32),
              jax.ShapeDtypeStruct((NP, D), _f32)],
    mesh=_mesh,
    scratch_types=[
        pltpu.VMEM((PH, B), jnp.int32),
        pltpu.VMEM((B,), jnp.int32),
        pltpu.VMEM((B,), jnp.int32),
        pltpu.VMEM((B, D), _f32),
        pltpu.VMEM((B, D), _f32),
        pltpu.SemaphoreType.DMA,
        pltpu.SemaphoreType.DMA,
        pltpu.SemaphoreType.DMA,
        pltpu.SemaphoreType.DMA,
        pltpu.VMEM_SHARED((NP, D), _f32),
    ],
)


_RB = 2000


def _pre_body(hin, w, bb, o):
    o[...] = jnp.dot(hin[...], w[...], preferred_element_type=_f32) + bb[...]


def _pre_tc(hin, W, b):
    blk = lambda i: (i, 0)
    fixed = lambda i: (0, 0)
    return pl.pallas_call(
        _pre_body,
        grid=(N // _RB,),
        in_specs=[
            pl.BlockSpec((_RB, D), blk),
            pl.BlockSpec((D, D), fixed),
            pl.BlockSpec((1, D), fixed),
        ],
        out_specs=pl.BlockSpec((_RB, D), blk),
        out_shape=jax.ShapeDtypeStruct((N, D), _f32),
    )(hin, W, b.reshape(1, D))


def _mid_body(a0, a1, w, bb, o):
    h = jnp.maximum(a0[...] + a1[...], 0.0)
    o[...] = jnp.dot(h, w[...], preferred_element_type=_f32) + bb[...]


def _mid_tc(A0, A1, W, b):
    blk = lambda i: (i, 0)
    fixed = lambda i: (0, 0)
    return pl.pallas_call(
        _mid_body,
        grid=(N // _RB,),
        in_specs=[
            pl.BlockSpec((_RB, D), blk),
            pl.BlockSpec((_RB, D), blk),
            pl.BlockSpec((D, D), fixed),
            pl.BlockSpec((1, D), fixed),
        ],
        out_specs=pl.BlockSpec((_RB, D), blk),
        out_shape=jax.ShapeDtypeStruct((N, D), _f32),
    )(A0, A1, W, b.reshape(1, D))


def _final_body(a0, a1, m0, c0, m1, c1, m2, c2, o):
    h = jnp.maximum(a0[...] + a1[...], 0.0)
    y = jnp.maximum(jnp.dot(h, m0[...], preferred_element_type=_f32) + c0[...], 0.0)
    y = jnp.maximum(jnp.dot(y, m1[...], preferred_element_type=_f32) + c1[...], 0.0)
    o[...] = jnp.dot(y, m2[...], preferred_element_type=_f32) + c2[...]


def _final_tc(A0, A1, M0, mb0, M1, mb1, M2, mb2):
    blk = lambda i: (i, 0)
    fixed = lambda i: (0, 0)
    return pl.pallas_call(
        _final_body,
        grid=(N // _RB,),
        in_specs=[
            pl.BlockSpec((_RB, D), blk),
            pl.BlockSpec((_RB, D), blk),
            pl.BlockSpec((D, D), fixed),
            pl.BlockSpec((1, D), fixed),
            pl.BlockSpec((D, D), fixed),
            pl.BlockSpec((1, D), fixed),
            pl.BlockSpec((D, 1), fixed),
            pl.BlockSpec((1, 1), fixed),
        ],
        out_specs=pl.BlockSpec((_RB, 1), blk),
        out_shape=jax.ShapeDtypeStruct((N, 1), _f32),
    )(A0, A1, M0, mb0.reshape(1, D), M1, mb1.reshape(1, D), M2, mb2.reshape(1, 1))


def kernel(x, edge_index, W0, b0, W1, b1, W2, b2, M0, mb0, M1, mb1, M2, mb2):
    src = edge_index[0]
    dst = edge_index[1]
    pad = EPAD - E
    srcp = jnp.concatenate([src, jnp.zeros((pad,), jnp.int32)]).reshape(NW * CH, B)
    dstp = jnp.concatenate([dst, jnp.full((pad,), N, jnp.int32)])
    zrow = jnp.zeros((B, D), _f32)

    G = _pre_tc(x, W0, b0)
    A0, A1 = _segsum(G, srcp, dstp, zrow)
    G = _mid_tc(A0, A1, W1, b1)
    A0, A1 = _segsum(G, srcp, dstp, zrow)
    G = _mid_tc(A0, A1, W2, b2)
    A0, A1 = _segsum(G, srcp, dstp, zrow)
    return _final_tc(A0, A1, M0, mb0, M1, mb1, M2, mb2)

# --- scband reference (transcript-rebuilt; emitter-appended) ---
"""Pipeline reference for scband-conv-gnn-22677427322905 (READ-ONLY COPY).

The authoritative reference and input builder live on the scoring server;
editing this copy changes nothing except your own understanding.
"""

import jax, jax.numpy as jnp
import numpy as np

N = 10000
E = 320000
D = 128   # dim_node_feature
H = 128   # dim_hidden
M = 128   # dim_mlp
P = 1     # dim_pred
NUM_AGGR = 3


def _init_linear(key, fan_in, fan_out):
    k1, k2 = jax.random.split(key)
    lim = 1.0 / np.sqrt(fan_in)
    W = jax.random.uniform(k1, (fan_in, fan_out), minval=-lim, maxval=lim, dtype=jnp.float32)
    b = jax.random.uniform(k2, (fan_out,), minval=-lim, maxval=lim, dtype=jnp.float32)
    return W, b


def setup_inputs(seed: int = 0) -> dict:
    key = jax.random.key(seed)
    ks = jax.random.split(key, 8)
    x = jax.random.normal(ks[0], (N, D), dtype=jnp.float32)
    edge_index = jax.random.randint(ks[1], (2, E), 0, N, dtype=jnp.int32)
    # aggregation (AggConv / conv_sum) layer weights
    W0, b0 = _init_linear(ks[2], D, H)
    W1, b1 = _init_linear(ks[3], H, H)
    W2, b2 = _init_linear(ks[4], H, H)
    # predictor MLP weights (num_fc = 3)
    M0, mb0 = _init_linear(ks[5], H, M)
    M1, mb1 = _init_linear(ks[6], M, M)
    M2, mb2 = _init_linear(ks[7], M, P)
    return {"x": x, "edge_index": edge_index,
            "W0": W0, "b0": b0, "W1": W1, "b1": b1, "W2": W2, "b2": b2,
            "M0": M0, "mb0": mb0, "M1": M1, "mb1": mb1, "M2": M2, "mb2": mb2}


def reference(x, edge_index, W0, b0, W1, b1, W2, b2, M0, mb0, M1, mb1, M2, mb2):
    src = edge_index[0]
    dst = edge_index[1]
    h = x
    # stacked conv_sum (AggConv) layers: linear on source features, scatter-sum to dst
    for (W, b) in ((W0, b0), (W1, b1), (W2, b2)):
        msg = jnp.take(h, src, axis=0) @ W + b          # gather + linear message
        h = jax.ops.segment_sum(msg, dst, num_segments=N)  # scatter-add aggregation
        h = jax.nn.relu(h)
    # predictor MLP (num_fc=3, relu activations, no norm)
    y = jax.nn.relu(h @ M0 + mb0)
    y = jax.nn.relu(y @ M1 + mb1)
    y = y @ M2 + mb2
    return y

if __name__ == "__main__":
    import jax
    _d = setup_inputs()
    print(jax.jit(kernel)(*tuple(_d.values())))

</pallas_src>

<mosaic_0001>
#map = affine_map<(d0, d1) -> (0, 0)>
#map1 = affine_map<(d0, d1) -> (0)>
module attributes {stable_mosaic.version = 14 : i64} {
  func.func @_segsum_body(%arg0: i32, %arg1: i32, %arg2: memref<10000x128xf32, #tpu.memory_space<hbm>>, %arg3: memref<2560x128xi32, #tpu.memory_space<hbm>>, %arg4: memref<327680xi32, #tpu.memory_space<hbm>>, %arg5: memref<128x128xf32, #tpu.memory_space<hbm>>, %arg6: memref<10240x128xf32, #tpu.memory_space<hbm>>, %arg7: memref<10240x128xf32, #tpu.memory_space<hbm>>, %arg8: memref<40x128xi32, #tpu.memory_space<vmem>>, %arg9: memref<128xi32, #tpu.memory_space<vmem>>, %arg10: memref<128xi32, #tpu.memory_space<vmem>>, %arg11: memref<128x128xf32, #tpu.memory_space<vmem>>, %arg12: memref<128x128xf32, #tpu.memory_space<vmem>>, %arg13: memref<!tpu.dma_semaphore, #tpu.memory_space<semaphore_mem>>, %arg14: memref<!tpu.dma_semaphore, #tpu.memory_space<semaphore_mem>>, %arg15: memref<!tpu.dma_semaphore, #tpu.memory_space<semaphore_mem>>, %arg16: memref<!tpu.dma_semaphore, #tpu.memory_space<semaphore_mem>>, %arg17: memref<10240x128xf32, #tpu.memory_space<vmem_shared>>) attributes {dimension_semantics = [#tpu.dimension_semantics<core_parallel>, #tpu.dimension_semantics<subcore_parallel>], iteration_bounds = array<i64: 2, 16>, scalar_prefetch = 0 : i64, scratch_operands = 10 : i64, tpu.core_type = #tpu.core_type<sc_vector_subcore>, window_params = [{transform_indices = #map}, {transform_indices = #map}, {transform_indices = #map1}, {transform_indices = #map}, {transform_indices = #map}, {transform_indices = #map}]} {
    %mul3A = arith.constant 16 : i32
    %mul3A_0 = arith.muli %arg0, %mul3A : i32
    %add3A = arith.addi %mul3A_0, %arg1 : i32
    "tpu.region"() ({
      %run_scoped3A = tpu.sem_alloc : memref<!tpu.dma_semaphore, #tpu.memory_space<semaphore_mem>>
      tpu.enqueue_dma source(%arg5 : memref<128x128xf32, #tpu.memory_space<hbm>>) target(%arg11 : memref<128x128xf32, #tpu.memory_space<vmem>>) target_semaphore(%run_scoped3A : memref<!tpu.dma_semaphore, #tpu.memory_space<semaphore_mem>>)
      tpu.wait_dma2 semaphore(%run_scoped3A : memref<!tpu.dma_semaphore, #tpu.memory_space<semaphore_mem>>) src(%arg5 : memref<128x128xf32, #tpu.memory_space<hbm>>) dst(%arg11 : memref<128x128xf32, #tpu.memory_space<vmem>>)
      tpu.yield
    }) : () -> ()
    %mul3A_1 = arith.constant 640 : i32
    %mul3A_2 = arith.muli %arg1, %mul3A_1 : i32
    %add3A_3 = arith.constant 0 : i32
    %add3A_4 = arith.addi %mul3A_2, %add3A_3 : i32
    "tpu.region"() ({
      %run_scoped3A = tpu.sem_alloc : memref<!tpu.dma_semaphore, #tpu.memory_space<semaphore_mem>>
      %dma_start3A = arith.constant 0 : i32
      %dma_start3A_48 = tpu.memref_slice %arg17[%add3A_4, %dma_start3A] : memref<10240x128xf32, #tpu.memory_space<vmem_shared>> -> memref<128x128xf32, #tpu.memory_space<vmem_shared>>
      %dma_start3A_49 = arith.constant 0 : i32
      %dma_start3A_50 = tpu.memref_slice %arg17[%add3A_4, %dma_start3A_49] : memref<10240x128xf32, #tpu.memory_space<vmem_shared>> -> memref<128x128xf32, #tpu.memory_space<vmem_shared>>
      tpu.enqueue_dma source(%arg11 : memref<128x128xf32, #tpu.memory_space<vmem>>) target(%dma_start3A_50 : memref<128x128xf32, #tpu.memory_space<vmem_shared>>) target_semaphore(%run_scoped3A : memref<!tpu.dma_semaphore, #tpu.memory_space<semaphore_mem>>)
      %dma_wait3A = arith.constant 0 : i32
      %dma_wait3A_51 = tpu.memref_slice %arg17[%add3A_4, %dma_wait3A] : memref<10240x128xf32, #tpu.memory_space<vmem_shared>> -> memref<128x128xf32, #tpu.memory_space<vmem_shared>>
      %dma_wait3A_52 = arith.constant 0 : i32
      %dma_wait3A_53 = tpu.memref_slice %arg17[%add3A_4, %dma_wait3A_52] : memref<10240x128xf32, #tpu.memory_space<vmem_shared>> -> memref<128x128xf32, #tpu.memory_space<vmem_shared>>
      tpu.wait_dma2 semaphore(%run_scoped3A : memref<!tpu.dma_semaphore, #tpu.memory_space<semaphore_mem>>) src(%arg11 : memref<128x128xf32, #tpu.memory_space<vmem>>) dst(%dma_wait3A_53 : memref<128x128xf32, #tpu.memory_space<vmem_shared>>)
      tpu.yield
    }) : () -> ()
    %mul3A_5 = arith.constant 640 : i32
    %mul3A_6 = arith.muli %arg1, %mul3A_5 : i32
    %add3A_7 = arith.constant 128 : i32
    %add3A_8 = arith.addi %mul3A_6, %add3A_7 : i32
    "tpu.region"() ({
      %run_scoped3A = tpu.sem_alloc : memref<!tpu.dma_semaphore, #tpu.memory_space<semaphore_mem>>
      %dma_start3A = arith.constant 0 : i32
      %dma_start3A_48 = tpu.memref_slice %arg17[%add3A_8, %dma_start3A] : memref<10240x128xf32, #tpu.memory_space<vmem_shared>> -> memref<128x128xf32, #tpu.memory_space<vmem_shared>>
      %dma_start3A_49 = arith.constant 0 : i32
      %dma_start3A_50 = tpu.memref_slice %arg17[%add3A_8, %dma_start3A_49] : memref<10240x128xf32, #tpu.memory_space<vmem_shared>> -> memref<128x128xf32, #tpu.memory_space<vmem_shared>>
      tpu.enqueue_dma source(%arg11 : memref<128x128xf32, #tpu.memory_space<vmem>>) target(%dma_start3A_50 : memref<128x128xf32, #tpu.memory_space<vmem_shared>>) target_semaphore(%run_scoped3A : memref<!tpu.dma_semaphore, #tpu.memory_space<semaphore_mem>>)
      %dma_wait3A = arith.constant 0 : i32
      %dma_wait3A_51 = tpu.memref_slice %arg17[%add3A_8, %dma_wait3A] : memref<10240x128xf32, #tpu.memory_space<vmem_shared>> -> memref<128x128xf32, #tpu.memory_space<vmem_shared>>
      %dma_wait3A_52 = arith.constant 0 : i32
      %dma_wait3A_53 = tpu.memref_slice %arg17[%add3A_8, %dma_wait3A_52] : memref<10240x128xf32, #tpu.memory_space<vmem_shared>> -> memref<128x128xf32, #tpu.memory_space<vmem_shared>>
      tpu.wait_dma2 semaphore(%run_scoped3A : memref<!tpu.dma_semaphore, #tpu.memory_space<semaphore_mem>>) src(%arg11 : memref<128x128xf32, #tpu.memory_space<vmem>>) dst(%dma_wait3A_53 : memref<128x128xf32, #tpu.memory_space<vmem_shared>>)
      tpu.yield
    }) : () -> ()
    %mul3A_9 = arith.constant 640 : i32
    %mul3A_10 = arith.muli %arg1, %mul3A_9 : i32
    %add3A_11 = arith.constant 256 : i32
    %add3A_12 = arith.addi %mul3A_10, %add3A_11 : i32
    "tpu.region"() ({
      %run_scoped3A = tpu.sem_alloc : memref<!tpu.dma_semaphore, #tpu.memory_space<semaphore_mem>>
      %dma_start3A = arith.constant 0 : i32
      %dma_start3A_48 = tpu.memref_slice %arg17[%add3A_12, %dma_start3A] : memref<10240x128xf32, #tpu.memory_space<vmem_shared>> -> memref<128x128xf32, #tpu.memory_space<vmem_shared>>
      %dma_start3A_49 = arith.constant 0 : i32
      %dma_start3A_50 = tpu.memref_slice %arg17[%add3A_12, %dma_start3A_49] : memref<10240x128xf32, #tpu.memory_space<vmem_shared>> -> memref<128x128xf32, #tpu.memory_space<vmem_shared>>
      tpu.enqueue_dma source(%arg11 : memref<128x128xf32, #tpu.memory_space<vmem>>) target(%dma_start3A_50 : memref<128x128xf32, #tpu.memory_space<vmem_shared>>) target_semaphore(%run_scoped3A : memref<!tpu.dma_semaphore, #tpu.memory_space<semaphore_mem>>)
      %dma_wait3A = arith.constant 0 : i32
      %dma_wait3A_51 = tpu.memref_slice %arg17[%add3A_12, %dma_wait3A] : memref<10240x128xf32, #tpu.memory_space<vmem_shared>> -> memref<128x128xf32, #tpu.memory_space<vmem_shared>>
      %dma_wait3A_52 = arith.constant 0 : i32
      %dma_wait3A_53 = tpu.memref_slice %arg17[%add3A_12, %dma_wait3A_52] : memref<10240x128xf32, #tpu.memory_space<vmem_shared>> -> memref<128x128xf32, #tpu.memory_space<vmem_shared>>
      tpu.wait_dma2 semaphore(%run_scoped3A : memref<!tpu.dma_semaphore, #tpu.memory_space<semaphore_mem>>) src(%arg11 : memref<128x128xf32, #tpu.memory_space<vmem>>) dst(%dma_wait3A_53 : memref<128x128xf32, #tpu.memory_space<vmem_shared>>)
      tpu.yield
    }) : () -> ()
    %mul3A_13 = arith.constant 640 : i32
    %mul3A_14 = arith.muli %arg1, %mul3A_13 : i32
    %add3A_15 = arith.constant 384 : i32
    %add3A_16 = arith.addi %mul3A_14, %add3A_15 : i32
    "tpu.region"() ({
      %run_scoped3A = tpu.sem_alloc : memref<!tpu.dma_semaphore, #tpu.memory_space<semaphore_mem>>
      %dma_start3A = arith.constant 0 : i32
      %dma_start3A_48 = tpu.memref_slice %arg17[%add3A_16, %dma_start3A] : memref<10240x128xf32, #tpu.memory_space<vmem_shared>> -> memref<128x128xf32, #tpu.memory_space<vmem_shared>>
      %dma_start3A_49 = arith.constant 0 : i32
      %dma_start3A_50 = tpu.memref_slice %arg17[%add3A_16, %dma_start3A_49] : memref<10240x128xf32, #tpu.memory_space<vmem_shared>> -> memref<128x128xf32, #tpu.memory_space<vmem_shared>>
      tpu.enqueue_dma source(%arg11 : memref<128x128xf32, #tpu.memory_space<vmem>>) target(%dma_start3A_50 : memref<128x128xf32, #tpu.memory_space<vmem_shared>>) target_semaphore(%run_scoped3A : memref<!tpu.dma_semaphore, #tpu.memory_space<semaphore_mem>>)
      %dma_wait3A = arith.constant 0 : i32
      %dma_wait3A_51 = tpu.memref_slice %arg17[%add3A_16, %dma_wait3A] : memref<10240x128xf32, #tpu.memory_space<vmem_shared>> -> memref<128x128xf32, #tpu.memory_space<vmem_shared>>
      %dma_wait3A_52 = arith.constant 0 : i32
      %dma_wait3A_53 = tpu.memref_slice %arg17[%add3A_16, %dma_wait3A_52] : memref<10240x128xf32, #tpu.memory_space<vmem_shared>> -> memref<128x128xf32, #tpu.memory_space<vmem_shared>>
      tpu.wait_dma2 semaphore(%run_scoped3A : memref<!tpu.dma_semaphore, #tpu.memory_space<semaphore_mem>>) src(%arg11 : memref<128x128xf32, #tpu.memory_space<vmem>>) dst(%dma_wait3A_53 : memref<128x128xf32, #tpu.memory_space<vmem_shared>>)
      tpu.yield
    }) : () -> ()
    %mul3A_17 = arith.constant 640 : i32
    %mul3A_18 = arith.muli %arg1, %mul3A_17 : i32
    %add3A_19 = arith.constant 512 : i32
    %add3A_20 = arith.addi %mul3A_18, %add3A_19 : i32
    "tpu.region"() ({
      %run_scoped3A = tpu.sem_alloc : memref<!tpu.dma_semaphore, #tpu.memory_space<semaphore_mem>>
      %dma_start3A = arith.constant 0 : i32
      %dma_start3A_48 = tpu.memref_slice %arg17[%add3A_20, %dma_start3A] : memref<10240x128xf32, #tpu.memory_space<vmem_shared>> -> memref<128x128xf32, #tpu.memory_space<vmem_shared>>
      %dma_start3A_49 = arith.constant 0 : i32
      %dma_start3A_50 = tpu.memref_slice %arg17[%add3A_20, %dma_start3A_49] : memref<10240x128xf32, #tpu.memory_space<vmem_shared>> -> memref<128x128xf32, #tpu.memory_space<vmem_shared>>
      tpu.enqueue_dma source(%arg11 : memref<128x128xf32, #tpu.memory_space<vmem>>) target(%dma_start3A_50 : memref<128x128xf32, #tpu.memory_space<vmem_shared>>) target_semaphore(%run_scoped3A : memref<!tpu.dma_semaphore, #tpu.memory_space<semaphore_mem>>)
      %dma_wait3A = arith.constant 0 : i32
      %dma_wait3A_51 = tpu.memref_slice %arg17[%add3A_20, %dma_wait3A] : memref<10240x128xf32, #tpu.memory_space<vmem_shared>> -> memref<128x128xf32, #tpu.memory_space<vmem_shared>>
      %dma_wait3A_52 = arith.constant 0 : i32
      %dma_wait3A_53 = tpu.memref_slice %arg17[%add3A_20, %dma_wait3A_52] : memref<10240x128xf32, #tpu.memory_space<vmem_shared>> -> memref<128x128xf32, #tpu.memory_space<vmem_shared>>
      tpu.wait_dma2 semaphore(%run_scoped3A : memref<!tpu.dma_semaphore, #tpu.memory_space<semaphore_mem>>) src(%arg11 : memref<128x128xf32, #tpu.memory_space<vmem>>) dst(%dma_wait3A_53 : memref<128x128xf32, #tpu.memory_space<vmem_shared>>)
      tpu.yield
    }) : () -> ()
    %barrier3A = arith.constant 0 : index
    tpu.barrier barrier_id(%barrier3A)
    %mul3A_21 = arith.constant 80 : i32
    %mul3A_22 = arith.muli %add3A, %mul3A_21 : i32
    %add3A_23 = arith.constant 0 : i32
    %add3A_24 = arith.addi %mul3A_22, %add3A_23 : i32
    "tpu.region"() ({
      %run_scoped3A = tpu.sem_alloc : memref<!tpu.dma_semaphore, #tpu.memory_space<semaphore_mem>>
      %dma_start3A = arith.constant 0 : i32
      %dma_start3A_48 = tpu.memref_slice %arg3[%add3A_24, %dma_start3A] : memref<2560x128xi32, #tpu.memory_space<hbm>> -> memref<40x128xi32, #tpu.memory_space<hbm>>
      %dma_start3A_49 = arith.constant 0 : i32
      %dma_start3A_50 = tpu.memref_slice %arg3[%add3A_24, %dma_start3A_49] : memref<2560x128xi32, #tpu.memory_space<hbm>> -> memref<40x128xi32, #tpu.memory_space<hbm>>
      tpu.enqueue_dma source(%dma_start3A_50 : memref<40x128xi32, #tpu.memory_space<hbm>>) target(%arg8 : memref<40x128xi32, #tpu.memory_space<vmem>>) target_semaphore(%run_scoped3A : memref<!tpu.dma_semaphore, #tpu.memory_space<semaphore_mem>>)
      %dma_wait3A = arith.constant 0 : i32
      %dma_wait3A_51 = tpu.memref_slice %arg3[%add3A_24, %dma_wait3A] : memref<2560x128xi32, #tpu.memory_space<hbm>> -> memref<40x128xi32, #tpu.memory_space<hbm>>
      %dma_wait3A_52 = arith.constant 0 : i32
      %dma_wait3A_53 = tpu.memref_slice %arg3[%add3A_24, %dma_wait3A_52] : memref<2560x128xi32, #tpu.memory_space<hbm>> -> memref<40x128xi32, #tpu.memory_space<hbm>>
      tpu.wait_dma2 semaphore(%run_scoped3A : memref<!tpu.dma_semaphore, #tpu.memory_space<semaphore_mem>>) src(%dma_wait3A_53 : memref<40x128xi32, #tpu.memory_space<hbm>>) dst(%arg8 : memref<40x128xi32, #tpu.memory_space<vmem>>)
      tpu.yield
    }) : () -> ()
    %scan3A = arith.constant 0 : i32
    %scan3A_25 = arith.constant 0 : i32
    %scan3A_26 = arith.constant 20 : i32
    %scan3A_27 = arith.addi %scan3A_25, %scan3A_26 : i32
    %scan3A_28 = arith.constant 1 : i32
    scf.for %scan3A_48 = %scan3A_25 to %scan3A_27 step %scan3A_28  : i32 {
      %mul3A_49 = arith.constant 2 : i32
      %mul3A_50 = arith.muli %scan3A_48, %mul3A_49 : i32
      %add3A_51 = arith.addi %add3A_24, %mul3A_50 : i32
      %mul3A_52 = arith.constant 128 : i32
      %mul3A_53 = arith.muli %add3A_51, %mul3A_52 : i32
      %dma_start3A = tpu.memref_slice %arg4[%mul3A_53] : memref<327680xi32, #tpu.memory_space<hbm>> -> memref<128xi32, #tpu.memory_space<hbm>>
      %dma_start3A_54 = tpu.memref_slice %arg4[%mul3A_53] : memref<327680xi32, #tpu.memory_space<hbm>> -> memref<128xi32, #tpu.memory_space<hbm>>
      tpu.enqueue_dma source(%dma_start3A_54 : memref<128xi32, #tpu.memory_space<hbm>>) target(%arg9 : memref<128xi32, #tpu.memory_space<vmem>>) target_semaphore(%arg15 : memref<!tpu.dma_semaphore, #tpu.memory_space<semaphore_mem>>)
      %add3A_55 = arith.constant 128 : i32
      %add3A_56 = arith.addi %mul3A_53, %add3A_55 : i32
      %dma_start3A_57 = tpu.memref_slice %arg4[%add3A_56] : memref<327680xi32, #tpu.memory_space<hbm>> -> memref<128xi32, #tpu.memory_space<hbm>>
      %dma_start3A_58 = tpu.memref_slice %arg4[%add3A_56] : memref<327680xi32, #tpu.memory_space<hbm>> -> memref<128xi32, #tpu.memory_space<hbm>>
      tpu.enqueue_dma source(%dma_start3A_58 : memref<128xi32, #tpu.memory_space<hbm>>) target(%arg10 : memref<128xi32, #tpu.memory_space<vmem>>) target_semaphore(%arg16 : memref<!tpu.dma_semaphore, #tpu.memory_space<semaphore_mem>>)
      %dma_start3A_59 = arith.constant 0 : i32
      %dma_start3A_60 = tpu.memref_slice %arg8[%mul3A_50, %dma_start3A_59] : memref<40x128xi32, #tpu.memory_space<vmem>> -> memref<1x128xi32, #tpu.memory_space<vmem>>
      %dma_start3A_61 = tpu.memref_squeeze %dma_start3A_60 : memref<1x128xi32, #tpu.memory_space<vmem>> -> memref<128xi32, #tpu.memory_space<vmem>>
      %dma_start3A_62 = arith.constant 0 : i32
      %dma_start3A_63 = arith.constant 0 : i32
      %dma_start3A_64 = tpu.memref_slice %arg2[%dma_start3A_62, %dma_start3A_63] : memref<10000x128xf32, #tpu.memory_space<hbm>> -> memref<10000x128xf32, #tpu.memory_space<hbm>>
      tpu.enqueue_indirect_dma source(%dma_start3A_64 : memref<10000x128xf32, #tpu.memory_space<hbm>>) target(%arg11 : memref<128x128xf32, #tpu.memory_space<vmem>>) offsets(%dma_start3A_61 : memref<128xi32, #tpu.memory_space<vmem>>) semaphore(%arg13 : memref<!tpu.dma_semaphore, #tpu.memory_space<semaphore_mem>>)
      %add3A_65 = arith.constant 1 : i32
      %add3A_66 = arith.addi %mul3A_50, %add3A_65 : i32
      %dma_start3A_67 = arith.constant 0 : i32
      %dma_start3A_68 = tpu.memref_slice %arg8[%add3A_66, %dma_start3A_67] : memref<40x128xi32, #tpu.memory_space<vmem>> -> memref<1x128xi32, #tpu.memory_space<vmem>>
      %dma_start3A_69 = tpu.memref_squeeze %dma_start3A_68 : memref<1x128xi32, #tpu.memory_space<vmem>> -> memref<128xi32, #tpu.memory_space<vmem>>
      %dma_start3A_70 = arith.constant 0 : i32
      %dma_start3A_71 = arith.constant 0 : i32
      %dma_start3A_72 = tpu.memref_slice %arg2[%dma_start3A_70, %dma_start3A_71] : memref<10000x128xf32, #tpu.memory_space<hbm>> -> memref<10000x128xf32, #tpu.memory_space<hbm>>
      tpu.enqueue_indirect_dma source(%dma_start3A_72 : memref<10000x128xf32, #tpu.memory_space<hbm>>) target(%arg12 : memref<128x128xf32, #tpu.memory_space<vmem>>) offsets(%dma_start3A_69 : memref<128xi32, #tpu.memory_space<vmem>>) semaphore(%arg14 : memref<!tpu.dma_semaphore, #tpu.memory_space<semaphore_mem>>)
      %dma_wait3A = tpu.memref_slice %arg4[%mul3A_53] : memref<327680xi32, #tpu.memory_space<hbm>> -> memref<128xi32, #tpu.memory_space<hbm>>
      %dma_wait3A_73 = tpu.memref_slice %arg4[%mul3A_53] : memref<327680xi32, #tpu.memory_space<hbm>> -> memref<128xi32, #tpu.memory_space<hbm>>
      tpu.wait_dma2 semaphore(%arg15 : memref<!tpu.dma_semaphore, #tpu.memory_space<semaphore_mem>>) src(%dma_wait3A_73 : memref<128xi32, #tpu.memory_space<hbm>>) dst(%arg9 : memref<128xi32, #tpu.memory_space<vmem>>)
      %dma_wait3A_74 = arith.constant 0 : i32
      %dma_wait3A_75 = tpu.memref_slice %arg8[%mul3A_50, %dma_wait3A_74] : memref<40x128xi32, #tpu.memory_space<vmem>> -> memref<1x128xi32, #tpu.memory_space<vmem>>
      %dma_wait3A_76 = tpu.memref_squeeze %dma_wait3A_75 : memref<1x128xi32, #tpu.memory_space<vmem>> -> memref<128xi32, #tpu.memory_space<vmem>>
      %dma_wait3A_77 = arith.constant 0 : i32
      %dma_wait3A_78 = arith.constant 0 : i32
      %dma_wait3A_79 = tpu.memref_slice %arg2[%dma_wait3A_77, %dma_wait3A_78] : memref<10000x128xf32, #tpu.memory_space<hbm>> -> memref<10000x128xf32, #tpu.memory_space<hbm>>
      tpu.wait_indirect_dma semaphore(%arg13 : memref<!tpu.dma_semaphore, #tpu.memory_space<semaphore_mem>>) src(%dma_wait3A_79 : memref<10000x128xf32, #tpu.memory_space<hbm>>) dst(%arg11 : memref<128x128xf32, #tpu.memory_space<vmem>>)
      "tpu.region"() ({
        %run_scoped3A = tpu.sem_alloc : memref<!tpu.dma_semaphore, #tpu.memory_space<semaphore_mem>>
        %dma_start3A_88 = arith.constant 0 : i32
        %dma_start3A_89 = arith.constant 0 : i32
        %dma_start3A_90 = tpu.memref_slice %arg17[%dma_start3A_88, %dma_start3A_89] : memref<10240x128xf32, #tpu.memory_space<vmem_shared>> -> memref<10240x128xf32, #tpu.memory_space<vmem_shared>>
        tpu.enqueue_indirect_dma source(%arg11 : memref<128x128xf32, #tpu.memory_space<vmem>>) target(%dma_start3A_90 : memref<10240x128xf32, #tpu.memory_space<vmem_shared>>) offsets(%arg9 : memref<128xi32, #tpu.memory_space<vmem>>) semaphore(%run_scoped3A : memref<!tpu.dma_semaphore, #tpu.memory_space<semaphore_mem>>) {add = true}
        %dma_wait3A_91 = arith.constant 0 : i32
        %dma_wait3A_92 = arith.constant 0 : i32
        %dma_wait3A_93 = tpu.memref_slice %arg17[%dma_wait3A_91, %dma_wait3A_92] : memref<10240x128xf32, #tpu.memory_space<vmem_shared>> -> memref<10240x128xf32, #tpu.memory_space<vmem_shared>>
        tpu.wait_indirect_dma semaphore(%run_scoped3A : memref<!tpu.dma_semaphore, #tpu.memory_space<semaphore_mem>>) src(%arg11 : memref<128x128xf32, #tpu.memory_space<vmem>>) dst(%dma_wait3A_93 : memref<10240x128xf32, #tpu.memory_space<vmem_shared>>)
        tpu.yield
      }) : () -> ()
      %dma_wait3A_80 = tpu.memref_slice %arg4[%add3A_56] : memref<327680xi32, #tpu.memory_space<hbm>> -> memref<128xi32, #tpu.memory_space<hbm>>
      %dma_wait3A_81 = tpu.memref_slice %arg4[%add3A_56] : memref<327680xi32, #tpu.memory_space<hbm>> -> memref<128xi32, #tpu.memory_space<hbm>>
      tpu.wait_dma2 semaphore(%arg16 : memref<!tpu.dma_semaphore, #tpu.memory_space<semaphore_mem>>) src(%dma_wait3A_81 : memref<128xi32, #tpu.memory_space<hbm>>) dst(%arg10 : memref<128xi32, #tpu.memory_space<vmem>>)
      %dma_wait3A_82 = arith.constant 0 : i32
      %dma_wait3A_83 = tpu.memref_slice %arg8[%add3A_66, %dma_wait3A_82] : memref<40x128xi32, #tpu.memory_space<vmem>> -> memref<1x128xi32, #tpu.memory_space<vmem>>
      %dma_wait3A_84 = tpu.memref_squeeze %dma_wait3A_83 : memref<1x128xi32, #tpu.memory_space<vmem>> -> memref<128xi32, #tpu.memory_space<vmem>>
      %dma_wait3A_85 = arith.constant 0 : i32
      %dma_wait3A_86 = arith.constant 0 : i32
      %dma_wait3A_87 = tpu.memref_slice %arg2[%dma_wait3A_85, %dma_wait3A_86] : memref<10000x128xf32, #tpu.memory_space<hbm>> -> memref<10000x128xf32, #tpu.memory_space<hbm>>
      tpu.wait_indirect_dma semaphore(%arg14 : memref<!tpu.dma_semaphore, #tpu.memory_space<semaphore_mem>>) src(%dma_wait3A_87 : memref<10000x128xf32, #tpu.memory_space<hbm>>) dst(%arg12 : memref<128x128xf32, #tpu.memory_space<vmem>>)
      "tpu.region"() ({
        %run_scoped3A = tpu.sem_alloc : memref<!tpu.dma_semaphore, #tpu.memory_space<semaphore_mem>>
        %dma_start3A_88 = arith.constant 0 : i32
        %dma_start3A_89 = arith.constant 0 : i32
        %dma_start3A_90 = tpu.memref_slice %arg17[%dma_start3A_88, %dma_start3A_89] : memref<10240x128xf32, #tpu.memory_space<vmem_shared>> -> memref<10240x128xf32, #tpu.memory_space<vmem_shared>>
        tpu.enqueue_indirect_dma source(%arg12 : memref<128x128xf32, #tpu.memory_space<vmem>>) target(%dma_start3A_90 : memref<10240x128xf32, #tpu.memory_space<vmem_shared>>) offsets(%arg10 : memref<128xi32, #tpu.memory_space<vmem>>) semaphore(%run_scoped3A : memref<!tpu.dma_semaphore, #tpu.memory_space<semaphore_mem>>) {add = true}
        %dma_wait3A_91 = arith.constant 0 : i32
        %dma_wait3A_92 = arith.constant 0 : i32
        %dma_wait3A_93 = tpu.memref_slice %arg17[%dma_wait3A_91, %dma_wait3A_92] : memref<10240x128xf32, #tpu.memory_space<vmem_shared>> -> memref<10240x128xf32, #tpu.memory_space<vmem_shared>>
        tpu.wait_indirect_dma semaphore(%run_scoped3A : memref<!tpu.dma_semaphore, #tpu.memory_space<semaphore_mem>>) src(%arg12 : memref<128x128xf32, #tpu.memory_space<vmem>>) dst(%dma_wait3A_93 : memref<10240x128xf32, #tpu.memory_space<vmem_shared>>)
        tpu.yield
      }) : () -> ()
    }
    %scan3A_29 = arith.constant 20 : i32
    %mul3A_30 = arith.constant 80 : i32
    %mul3A_31 = arith.muli %add3A, %mul3A_30 : i32
    %add3A_32 = arith.constant 40 : i32
    %add3A_33 = arith.addi %mul3A_31, %add3A_32 : i32
    "tpu.region"() ({
      %run_scoped3A = tpu.sem_alloc : memref<!tpu.dma_semaphore, #tpu.memory_space<semaphore_mem>>
      %dma_start3A = arith.constant 0 : i32
      %dma_start3A_48 = tpu.memref_slice %arg3[%add3A_33, %dma_start3A] : memref<2560x128xi32, #tpu.memory_space<hbm>> -> memref<40x128xi32, #tpu.memory_space<hbm>>
      %dma_start3A_49 = arith.constant 0 : i32
      %dma_start3A_50 = tpu.memref_slice %arg3[%add3A_33, %dma_start3A_49] : memref<2560x128xi32, #tpu.memory_space<hbm>> -> memref<40x128xi32, #tpu.memory_space<hbm>>
      tpu.enqueue_dma source(%dma_start3A_50 : memref<40x128xi32, #tpu.memory_space<hbm>>) target(%arg8 : memref<40x128xi32, #tpu.memory_space<vmem>>) target_semaphore(%run_scoped3A : memref<!tpu.dma_semaphore, #tpu.memory_space<semaphore_mem>>)
      %dma_wait3A = arith.constant 0 : i32
      %dma_wait3A_51 = tpu.memref_slice %arg3[%add3A_33, %dma_wait3A] : memref<2560x128xi32, #tpu.memory_space<hbm>> -> memref<40x128xi32, #tpu.memory_space<hbm>>
      %dma_wait3A_52 = arith.constant 0 : i32
      %dma_wait3A_53 = tpu.memref_slice %arg3[%add3A_33, %dma_wait3A_52] : memref<2560x128xi32, #tpu.memory_space<hbm>> -> memref<40x128xi32, #tpu.memory_space<hbm>>
      tpu.wait_dma2 semaphore(%run_scoped3A : memref<!tpu.dma_semaphore, #tpu.memory_space<semaphore_mem>>) src(%dma_wait3A_53 : memref<40x128xi32, #tpu.memory_space<hbm>>) dst(%arg8 : memref<40x128xi32, #tpu.memory_space<vmem>>)
      tpu.yield
    }) : () -> ()
    %scan3A_34 = arith.constant 0 : i32
    %scan3A_35 = arith.constant 0 : i32
    %scan3A_36 = arith.constant 20 : i32
    %scan3A_37 = arith.addi %scan3A_35, %scan3A_36 : i32
    %scan3A_38 = arith.constant 1 : i32
    scf.for %scan3A_48 = %scan3A_35 to %scan3A_37 step %scan3A_38  : i32 {
      %mul3A_49 = arith.constant 2 : i32
      %mul3A_50 = arith.muli %scan3A_48, %mul3A_49 : i32
      %add3A_51 = arith.addi %add3A_33, %mul3A_50 : i32
      %mul3A_52 = arith.constant 128 : i32
      %mul3A_53 = arith.muli %add3A_51, %mul3A_52 : i32
      %dma_start3A = tpu.memref_slice %arg4[%mul3A_53] : memref<327680xi32, #tpu.memory_space<hbm>> -> memref<128xi32, #tpu.memory_space<hbm>>
      %dma_start3A_54 = tpu.memref_slice %arg4[%mul3A_53] : memref<327680xi32, #tpu.memory_space<hbm>> -> memref<128xi32, #tpu.memory_space<hbm>>
      tpu.enqueue_dma source(%dma_start3A_54 : memref<128xi32, #tpu.memory_space<hbm>>) target(%arg9 : memref<128xi32, #tpu.memory_space<vmem>>) target_semaphore(%arg15 : memref<!tpu.dma_semaphore, #tpu.memory_space<semaphore_mem>>)
      %add3A_55 = arith.constant 128 : i32
      %add3A_56 = arith.addi %mul3A_53, %add3A_55 : i32
      %dma_start3A_57 = tpu.memref_slice %arg4[%add3A_56] : memref<327680xi32, #tpu.memory_space<hbm>> -> memref<128xi32, #tpu.memory_space<hbm>>
      %dma_start3A_58 = tpu.memref_slice %arg4[%add3A_56] : memref<327680xi32, #tpu.memory_space<hbm>> -> memref<128xi32, #tpu.memory_space<hbm>>
      tpu.enqueue_dma source(%dma_start3A_58 : memref<128xi32, #tpu.memory_space<hbm>>) target(%arg10 : memref<128xi32, #tpu.memory_space<vmem>>) target_semaphore(%arg16 : memref<!tpu.dma_semaphore, #tpu.memory_space<semaphore_mem>>)
      %dma_start3A_59 = arith.constant 0 : i32
      %dma_start3A_60 = tpu.memref_slice %arg8[%mul3A_50, %dma_start3A_59] : memref<40x128xi32, #tpu.memory_space<vmem>> -> memref<1x128xi32, #tpu.memory_space<vmem>>
      %dma_start3A_61 = tpu.memref_squeeze %dma_start3A_60 : memref<1x128xi32, #tpu.memory_space<vmem>> -> memref<128xi32, #tpu.memory_space<vmem>>
      %dma_start3A_62 = arith.constant 0 : i32
      %dma_start3A_63 = arith.constant 0 : i32
      %dma_start3A_64 = tpu.memref_slice %arg2[%dma_start3A_62, %dma_start3A_63] : memref<10000x128xf32, #tpu.memory_space<hbm>> -> memref<10000x128xf32, #tpu.memory_space<hbm>>
      tpu.enqueue_indirect_dma source(%dma_start3A_64 : memref<10000x128xf32, #tpu.memory_space<hbm>>) target(%arg11 : memref<128x128xf32, #tpu.memory_space<vmem>>) offsets(%dma_start3A_61 : memref<128xi32, #tpu.memory_space<vmem>>) semaphore(%arg13 : memref<!tpu.dma_semaphore, #tpu.memory_space<semaphore_mem>>)
      %add3A_65 = arith.constant 1 : i32
      %add3A_66 = arith.addi %mul3A_50, %add3A_65 : i32
      %dma_start3A_67 = arith.constant 0 : i32
      %dma_start3A_68 = tpu.memref_slice %arg8[%add3A_66, %dma_start3A_67] : memref<40x128xi32, #tpu.memory_space<vmem>> -> memref<1x128xi32, #tpu.memory_space<vmem>>
      %dma_start3A_69 = tpu.memref_squeeze %dma_start3A_68 : memref<1x128xi32, #tpu.memory_space<vmem>> -> memref<128xi32, #tpu.memory_space<vmem>>
      %dma_start3A_70 = arith.constant 0 : i32
      %dma_start3A_71 = arith.constant 0 : i32
      %dma_start3A_72 = tpu.memref_slice %arg2[%dma_start3A_70, %dma_start3A_71] : memref<10000x128xf32, #tpu.memory_space<hbm>> -> memref<10000x128xf32, #tpu.memory_space<hbm>>
      tpu.enqueue_indirect_dma source(%dma_start3A_72 : memref<10000x128xf32, #tpu.memory_space<hbm>>) target(%arg12 : memref<128x128xf32, #tpu.memory_space<vmem>>) offsets(%dma_start3A_69 : memref<128xi32, #tpu.memory_space<vmem>>) semaphore(%arg14 : memref<!tpu.dma_semaphore, #tpu.memory_space<semaphore_mem>>)
      %dma_wait3A = tpu.memref_slice %arg4[%mul3A_53] : memref<327680xi32, #tpu.memory_space<hbm>> -> memref<128xi32, #tpu.memory_space<hbm>>
      %dma_wait3A_73 = tpu.memref_slice %arg4[%mul3A_53] : memref<327680xi32, #tpu.memory_space<hbm>> -> memref<128xi32, #tpu.memory_space<hbm>>
      tpu.wait_dma2 semaphore(%arg15 : memref<!tpu.dma_semaphore, #tpu.memory_space<semaphore_mem>>) src(%dma_wait3A_73 : memref<128xi32, #tpu.memory_space<hbm>>) dst(%arg9 : memref<128xi32, #tpu.memory_space<vmem>>)
      %dma_wait3A_74 = arith.constant 0 : i32
      %dma_wait3A_75 = tpu.memref_slice %arg8[%mul3A_50, %dma_wait3A_74] : memref<40x128xi32, #tpu.memory_space<vmem>> -> memref<1x128xi32, #tpu.memory_space<vmem>>
      %dma_wait3A_76 = tpu.memref_squeeze %dma_wait3A_75 : memref<1x128xi32, #tpu.memory_space<vmem>> -> memref<128xi32, #tpu.memory_space<vmem>>
      %dma_wait3A_77 = arith.constant 0 : i32
      %dma_wait3A_78 = arith.constant 0 : i32
      %dma_wait3A_79 = tpu.memref_slice %arg2[%dma_wait3A_77, %dma_wait3A_78] : memref<10000x128xf32, #tpu.memory_space<hbm>> -> memref<10000x128xf32, #tpu.memory_space<hbm>>
      tpu.wait_indirect_dma semaphore(%arg13 : memref<!tpu.dma_semaphore, #tpu.memory_space<semaphore_mem>>) src(%dma_wait3A_79 : memref<10000x128xf32, #tpu.memory_space<hbm>>) dst(%arg11 : memref<128x128xf32, #tpu.memory_space<vmem>>)
      "tpu.region"() ({
        %run_scoped3A = tpu.sem_alloc : memref<!tpu.dma_semaphore, #tpu.memory_space<semaphore_mem>>
        %dma_start3A_88 = arith.constant 0 : i32
        %dma_start3A_89 = arith.constant 0 : i32
        %dma_start3A_90 = tpu.memref_slice %arg17[%dma_start3A_88, %dma_start3A_89] : memref<10240x128xf32, #tpu.memory_space<vmem_shared>> -> memref<10240x128xf32, #tpu.memory_space<vmem_shared>>
        tpu.enqueue_indirect_dma source(%arg11 : memref<128x128xf32, #tpu.memory_space<vmem>>) target(%dma_start3A_90 : memref<10240x128xf32, #tpu.memory_space<vmem_shared>>) offsets(%arg9 : memref<128xi32, #tpu.memory_space<vmem>>) semaphore(%run_scoped3A : memref<!tpu.dma_semaphore, #tpu.memory_space<semaphore_mem>>) {add = true}
        %dma_wait3A_91 = arith.constant 0 : i32
        %dma_wait3A_92 = arith.constant 0 : i32
        %dma_wait3A_93 = tpu.memref_slice %arg17[%dma_wait3A_91, %dma_wait3A_92] : memref<10240x128xf32, #tpu.memory_space<vmem_shared>> -> memref<10240x128xf32, #tpu.memory_space<vmem_shared>>
        tpu.wait_indirect_dma semaphore(%run_scoped3A : memref<!tpu.dma_semaphore, #tpu.memory_space<semaphore_mem>>) src(%arg11 : memref<128x128xf32, #tpu.memory_space<vmem>>) dst(%dma_wait3A_93 : memref<10240x128xf32, #tpu.memory_space<vmem_shared>>)
        tpu.yield
      }) : () -> ()
      %dma_wait3A_80 = tpu.memref_slice %arg4[%add3A_56] : memref<327680xi32, #tpu.memory_space<hbm>> -> memref<128xi32, #tpu.memory_space<hbm>>
      %dma_wait3A_81 = tpu.memref_slice %arg4[%add3A_56] : memref<327680xi32, #tpu.memory_space<hbm>> -> memref<128xi32, #tpu.memory_space<hbm>>
      tpu.wait_dma2 semaphore(%arg16 : memref<!tpu.dma_semaphore, #tpu.memory_space<semaphore_mem>>) src(%dma_wait3A_81 : memref<128xi32, #tpu.memory_space<hbm>>) dst(%arg10 : memref<128xi32, #tpu.memory_space<vmem>>)
      %dma_wait3A_82 = arith.constant 0 : i32
      %dma_wait3A_83 = tpu.memref_slice %arg8[%add3A_66, %dma_wait3A_82] : memref<40x128xi32, #tpu.memory_space<vmem>> -> memref<1x128xi32, #tpu.memory_space<vmem>>
      %dma_wait3A_84 = tpu.memref_squeeze %dma_wait3A_83 : memref<1x128xi32, #tpu.memory_space<vmem>> -> memref<128xi32, #tpu.memory_space<vmem>>
      %dma_wait3A_85 = arith.constant 0 : i32
      %dma_wait3A_86 = arith.constant 0 : i32
      %dma_wait3A_87 = tpu.memref_slice %arg2[%dma_wait3A_85, %dma_wait3A_86] : memref<10000x128xf32, #tpu.memory_space<hbm>> -> memref<10000x128xf32, #tpu.memory_space<hbm>>
      tpu.wait_indirect_dma semaphore(%arg14 : memref<!tpu.dma_semaphore, #tpu.memory_space<semaphore_mem>>) src(%dma_wait3A_87 : memref<10000x128xf32, #tpu.memory_space<hbm>>) dst(%arg12 : memref<128x128xf32, #tpu.memory_space<vmem>>)
      "tpu.region"() ({
        %run_scoped3A = tpu.sem_alloc : memref<!tpu.dma_semaphore, #tpu.memory_space<semaphore_mem>>
        %dma_start3A_88 = arith.constant 0 : i32
        %dma_start3A_89 = arith.constant 0 : i32
        %dma_start3A_90 = tpu.memref_slice %arg17[%dma_start3A_88, %dma_start3A_89] : memref<10240x128xf32, #tpu.memory_space<vmem_shared>> -> memref<10240x128xf32, #tpu.memory_space<vmem_shared>>
        tpu.enqueue_indirect_dma source(%arg12 : memref<128x128xf32, #tpu.memory_space<vmem>>) target(%dma_start3A_90 : memref<10240x128xf32, #tpu.memory_space<vmem_shared>>) offsets(%arg10 : memref<128xi32, #tpu.memory_space<vmem>>) semaphore(%run_scoped3A : memref<!tpu.dma_semaphore, #tpu.memory_space<semaphore_mem>>) {add = true}
        %dma_wait3A_91 = arith.constant 0 : i32
        %dma_wait3A_92 = arith.constant 0 : i32
        %dma_wait3A_93 = tpu.memref_slice %arg17[%dma_wait3A_91, %dma_wait3A_92] : memref<10240x128xf32, #tpu.memory_space<vmem_shared>> -> memref<10240x128xf32, #tpu.memory_space<vmem_shared>>
        tpu.wait_indirect_dma semaphore(%run_scoped3A : memref<!tpu.dma_semaphore, #tpu.memory_space<semaphore_mem>>) src(%arg12 : memref<128x128xf32, #tpu.memory_space<vmem>>) dst(%dma_wait3A_93 : memref<10240x128xf32, #tpu.memory_space<vmem_shared>>)
        tpu.yield
      }) : () -> ()
    }
    %scan3A_39 = arith.constant 20 : i32
    %barrier3A_40 = arith.constant 0 : index
    tpu.barrier barrier_id(%barrier3A_40)
    %eq3A = arith.constant 0 : i32
    %eq3A_41 = arith.cmpi eq, %arg0, %eq3A : i32
    %convert_element_type3A = arith.extui %eq3A_41 : i1 to i32
    %cond3A = arith.constant 0 : i32
    %cond3A_42 = arith.cmpi ne, %convert_element_type3A, %cond3A : i32
    scf.if %cond3A_42 {
      %mul3A_48 = arith.constant 640 : i32
      %mul3A_49 = arith.muli %arg1, %mul3A_48 : i32
      %add3A_50 = arith.constant 0 : i32
      %add3A_51 = arith.addi %mul3A_49, %add3A_50 : i32
      "tpu.region"() ({
        %run_scoped3A = tpu.sem_alloc : memref<!tpu.dma_semaphore, #tpu.memory_space<semaphore_mem>>
        %dma_start3A = arith.constant 0 : i32
        %dma_start3A_68 = tpu.memref_slice %arg17[%add3A_51, %dma_start3A] : memref<10240x128xf32, #tpu.memory_space<vmem_shared>> -> memref<128x128xf32, #tpu.memory_space<vmem_shared>>
        %dma_start3A_69 = arith.constant 0 : i32
        %dma_start3A_70 = tpu.memref_slice %arg17[%add3A_51, %dma_start3A_69] : memref<10240x128xf32, #tpu.memory_space<vmem_shared>> -> memref<128x128xf32, #tpu.memory_space<vmem_shared>>
        tpu.enqueue_dma source(%dma_start3A_70 : memref<128x128xf32, #tpu.memory_space<vmem_shared>>) target(%arg11 : memref<128x128xf32, #tpu.memory_space<vmem>>) target_semaphore(%run_scoped3A : memref<!tpu.dma_semaphore, #tpu.memory_space<semaphore_mem>>)
        %dma_wait3A = arith.constant 0 : i32
        %dma_wait3A_71 = tpu.memref_slice %arg17[%add3A_51, %dma_wait3A] : memref<10240x128xf32, #tpu.memory_space<vmem_shared>> -> memref<128x128xf32, #tpu.memory_space<vmem_shared>>
        %dma_wait3A_72 = arith.constant 0 : i32
        %dma_wait3A_73 = tpu.memref_slice %arg17[%add3A_51, %dma_wait3A_72] : memref<10240x128xf32, #tpu.memory_space<vmem_shared>> -> memref<128x128xf32, #tpu.memory_space<vmem_shared>>
        tpu.wait_dma2 semaphore(%run_scoped3A : memref<!tpu.dma_semaphore, #tpu.memory_space<semaphore_mem>>) src(%dma_wait3A_73 : memref<128x128xf32, #tpu.memory_space<vmem_shared>>) dst(%arg11 : memref<128x128xf32, #tpu.memory_space<vmem>>)
        tpu.yield
      }) : () -> ()
      "tpu.region"() ({
        %run_scoped3A = tpu.sem_alloc : memref<!tpu.dma_semaphore, #tpu.memory_space<semaphore_mem>>
        %dma_start3A = arith.constant 0 : i32
        %dma_start3A_68 = tpu.memref_slice %arg6[%add3A_51, %dma_start3A] : memref<10240x128xf32, #tpu.memory_space<hbm>> -> memref<128x128xf32, #tpu.memory_space<hbm>>
        %dma_start3A_69 = arith.constant 0 : i32
        %dma_start3A_70 = tpu.memref_slice %arg6[%add3A_51, %dma_start3A_69] : memref<10240x128xf32, #tpu.memory_space<hbm>> -> memref<128x128xf32, #tpu.memory_space<hbm>>
        tpu.enqueue_dma source(%arg11 : memref<128x128xf32, #tpu.memory_space<vmem>>) target(%dma_start3A_70 : memref<128x128xf32, #tpu.memory_space<hbm>>) target_semaphore(%run_scoped3A : memref<!tpu.dma_semaphore, #tpu.memory_space<semaphore_mem>>)
        %dma_wait3A = arith.constant 0 : i32
        %dma_wait3A_71 = tpu.memref_slice %arg6[%add3A_51, %dma_wait3A] : memref<10240x128xf32, #tpu.memory_space<hbm>> -> memref<128x128xf32, #tpu.memory_space<hbm>>
        %dma_wait3A_72 = arith.constant 0 : i32
        %dma_wait3A_73 = tpu.memref_slice %arg6[%add3A_51, %dma_wait3A_72] : memref<10240x128xf32, #tpu.memory_space<hbm>> -> memref<128x128xf32, #tpu.memory_space<hbm>>
        tpu.wait_dma2 semaphore(%run_scoped3A : memref<!tpu.dma_semaphore, #tpu.memory_space<semaphore_mem>>) src(%arg11 : memref<128x128xf32, #tpu.memory_space<vmem>>) dst(%dma_wait3A_73 : memref<128x128xf32, #tpu.memory_space<hbm>>)
        tpu.yield
      }) : () -> ()
      %mul3A_52 = arith.constant 640 : i32
      %mul3A_53 = arith.muli %arg1, %mul3A_52 : i32
      %add3A_54 = arith.constant 128 : i32
      %add3A_55 = arith.addi %mul3A_53, %add3A_54 : i32
      "tpu.region"() ({
        %run_scoped3A = tpu.sem_alloc : memref<!tpu.dma_semaphore, #tpu.memory_space<semaphore_mem>>
        %dma_start3A = arith.constant 0 : i32
        %dma_start3A_68 = tpu.memref_slice %arg17[%add3A_55, %dma_start3A] : memref<10240x128xf32, #tpu.memory_space<vmem_shared>> -> memref<128x128xf32, #tpu.memory_space<vmem_shared>>
        %dma_start3A_69 = arith.constant 0 : i32
        %dma_start3A_70 = tpu.memref_slice %arg17[%add3A_55, %dma_start3A_69] : memref<10240x128xf32, #tpu.memory_space<vmem_shared>> -> memref<128x128xf32, #tpu.memory_space<vmem_shared>>
        tpu.enqueue_dma source(%dma_start3A_70 : memref<128x128xf32, #tpu.memory_space<vmem_shared>>) target(%arg11 : memref<128x128xf32, #tpu.memory_space<vmem>>) target_semaphore(%run_scoped3A : memref<!tpu.dma_semaphore, #tpu.memory_space<semaphore_mem>>)
        %dma_wait3A = arith.constant 0 : i32
        %dma_wait3A_71 = tpu.memref_slice %arg17[%add3A_55, %dma_wait3A] : memref<10240x128xf32, #tpu.memory_space<vmem_shared>> -> memref<128x128xf32, #tpu.memory_space<vmem_shared>>
        %dma_wait3A_72 = arith.constant 0 : i32
        %dma_wait3A_73 = tpu.memref_slice %arg17[%add3A_55, %dma_wait3A_72] : memref<10240x128xf32, #tpu.memory_space<vmem_shared>> -> memref<128x128xf32, #tpu.memory_space<vmem_shared>>
        tpu.wait_dma2 semaphore(%run_scoped3A : memref<!tpu.dma_semaphore, #tpu.memory_space<semaphore_mem>>) src(%dma_wait3A_73 : memref<128x128xf32, #tpu.memory_space<vmem_shared>>) dst(%arg11 : memref<128x128xf32, #tpu.memory_space<vmem>>)
        tpu.yield
      }) : () -> ()
      "tpu.region"() ({
        %run_scoped3A = tpu.sem_alloc : memref<!tpu.dma_semaphore, #tpu.memory_space<semaphore_mem>>
        %dma_start3A = arith.constant 0 : i32
        %dma_start3A_68 = tpu.memref_slice %arg6[%add3A_55, %dma_start3A] : memref<10240x128xf32, #tpu.memory_space<hbm>> -> memref<128x128xf32, #tpu.memory_space<hbm>>
        %dma_start3A_69 = arith.constant 0 : i32
        %dma_start3A_70 = tpu.memref_slice %arg6[%add3A_55, %dma_start3A_69] : memref<10240x128xf32, #tpu.memory_space<hbm>> -> memref<128x128xf32, #tpu.memory_space<hbm>>
        tpu.enqueue_dma source(%arg11 : memref<128x128xf32, #tpu.memory_space<vmem>>) target(%dma_start3A_70 : memref<128x128xf32, #tpu.memory_space<hbm>>) target_semaphore(%run_scoped3A : memref<!tpu.dma_semaphore, #tpu.memory_space<semaphore_mem>>)
        %dma_wait3A = arith.constant 0 : i32
        %dma_wait3A_71 = tpu.memref_slice %arg6[%add3A_55, %dma_wait3A] : memref<10240x128xf32, #tpu.memory_space<hbm>> -> memref<128x128xf32, #tpu.memory_space<hbm>>
        %dma_wait3A_72 = arith.constant 0 : i32
        %dma_wait3A_73 = tpu.memref_slice %arg6[%add3A_55, %dma_wait3A_72] : memref<10240x128xf32, #tpu.memory_space<hbm>> -> memref<128x128xf32, #tpu.memory_space<hbm>>
        tpu.wait_dma2 semaphore(%run_scoped3A : memref<!tpu.dma_semaphore, #tpu.memory_space<semaphore_mem>>) src(%arg11 : memref<128x128xf32, #tpu.memory_space<vmem>>) dst(%dma_wait3A_73 : memref<128x128xf32, #tpu.memory_space<hbm>>)
        tpu.yield
      }) : () -> ()
      %mul3A_56 = arith.constant 640 : i32
      %mul3A_57 = arith.muli %arg1, %mul3A_56 : i32
      %add3A_58 = arith.constant 256 : i32
      %add3A_59 = arith.addi %mul3A_57, %add3A_58 : i32
      "tpu.region"() ({
        %run_scoped3A = tpu.sem_alloc : memref<!tpu.dma_semaphore, #tpu.memory_space<semaphore_mem>>
        %dma_start3A = arith.constant 0 : i32
        %dma_start3A_68 = tpu.memref_slice %arg17[%add3A_59, %dma_start3A] : memref<10240x128xf32, #tpu.memory_space<vmem_shared>> -> memref<128x128xf32, #tpu.memory_space<vmem_shared>>
        %dma_start3A_69 = arith.constant 0 : i32
        %dma_start3A_70 = tpu.memref_slice %arg17[%add3A_59, %dma_start3A_69] : memref<10240x128xf32, #tpu.memory_space<vmem_shared>> -> memref<128x128xf32, #tpu.memory_space<vmem_shared>>
        tpu.enqueue_dma source(%dma_start3A_70 : memref<128x128xf32, #tpu.memory_space<vmem_shared>>) target(%arg11 : memref<128x128xf32, #tpu.memory_space<vmem>>) target_semaphore(%run_scoped3A : memref<!tpu.dma_semaphore, #tpu.memory_space<semaphore_mem>>)
        %dma_wait3A = arith.constant 0 : i32
        %dma_wait3A_71 = tpu.memref_slice %arg17[%add3A_59, %dma_wait3A] : memref<10240x128xf32, #tpu.memory_space<vmem_shared>> -> memref<128x128xf32, #tpu.memory_space<vmem_shared>>
        %dma_wait3A_72 = arith.constant 0 : i32
        %dma_wait3A_73 = tpu.memref_slice %arg17[%add3A_59, %dma_wait3A_72] : memref<10240x128xf32, #tpu.memory_space<vmem_shared>> -> memref<128x128xf32, #tpu.memory_space<vmem_shared>>
        tpu.wait_dma2 semaphore(%run_scoped3A : memref<!tpu.dma_semaphore, #tpu.memory_space<semaphore_mem>>) src(%dma_wait3A_73 : memref<128x128xf32, #tpu.memory_space<vmem_shared>>) dst(%arg11 : memref<128x128xf32, #tpu.memory_space<vmem>>)
        tpu.yield
      }) : () -> ()
      "tpu.region"() ({
        %run_scoped3A = tpu.sem_alloc : memref<!tpu.dma_semaphore, #tpu.memory_space<semaphore_mem>>
        %dma_start3A = arith.constant 0 : i32
        %dma_start3A_68 = tpu.memref_slice %arg6[%add3A_59, %dma_start3A] : memref<10240x128xf32, #tpu.memory_space<hbm>> -> memref<128x128xf32, #tpu.memory_space<hbm>>
        %dma_start3A_69 = arith.constant 0 : i32
        %dma_start3A_70 = tpu.memref_slice %arg6[%add3A_59, %dma_start3A_69] : memref<10240x128xf32, #tpu.memory_space<hbm>> -> memref<128x128xf32, #tpu.memory_space<hbm>>
        tpu.enqueue_dma source(%arg11 : memref<128x128xf32, #tpu.memory_space<vmem>>) target(%dma_start3A_70 : memref<128x128xf32, #tpu.memory_space<hbm>>) target_semaphore(%run_scoped3A : memref<!tpu.dma_semaphore, #tpu.memory_space<semaphore_mem>>)
        %dma_wait3A = arith.constant 0 : i32
        %dma_wait3A_71 = tpu.memref_slice %arg6[%add3A_59, %dma_wait3A] : memref<10240x128xf32, #tpu.memory_space<hbm>> -> memref<128x128xf32, #tpu.memory_space<hbm>>
        %dma_wait3A_72 = arith.constant 0 : i32
        %dma_wait3A_73 = tpu.memref_slice %arg6[%add3A_59, %dma_wait3A_72] : memref<10240x128xf32, #tpu.memory_space<hbm>> -> memref<128x128xf32, #tpu.memory_space<hbm>>
        tpu.wait_dma2 semaphore(%run_scoped3A : memref<!tpu.dma_semaphore, #tpu.memory_space<semaphore_mem>>) src(%arg11 : memref<128x128xf32, #tpu.memory_space<vmem>>) dst(%dma_wait3A_73 : memref<128x128xf32, #tpu.memory_space<hbm>>)
        tpu.yield
      }) : () -> ()
      %mul3A_60 = arith.constant 640 : i32
      %mul3A_61 = arith.muli %arg1, %mul3A_60 : i32
      %add3A_62 = arith.constant 384 : i32
      %add3A_63 = arith.addi %mul3A_61, %add3A_62 : i32
      "tpu.region"() ({
        %run_scoped3A = tpu.sem_alloc : memref<!tpu.dma_semaphore, #tpu.memory_space<semaphore_mem>>
        %dma_start3A = arith.constant 0 : i32
        %dma_start3A_68 = tpu.memref_slice %arg17[%add3A_63, %dma_start3A] : memref<10240x128xf32, #tpu.memory_space<vmem_shared>> -> memref<128x128xf32, #tpu.memory_space<vmem_shared>>
        %dma_start3A_69 = arith.constant 0 : i32
        %dma_start3A_70 = tpu.memref_slice %arg17[%add3A_63, %dma_start3A_69] : memref<10240x128xf32, #tpu.memory_space<vmem_shared>> -> memref<128x128xf32, #tpu.memory_space<vmem_shared>>
        tpu.enqueue_dma source(%dma_start3A_70 : memref<128x128xf32, #tpu.memory_space<vmem_shared>>) target(%arg11 : memref<128x128xf32, #tpu.memory_space<vmem>>) target_semaphore(%run_scoped3A : memref<!tpu.dma_semaphore, #tpu.memory_space<semaphore_mem>>)
        %dma_wait3A = arith.constant 0 : i32
        %dma_wait3A_71 = tpu.memref_slice %arg17[%add3A_63, %dma_wait3A] : memref<10240x128xf32, #tpu.memory_space<vmem_shared>> -> memref<128x128xf32, #tpu.memory_space<vmem_shared>>
        %dma_wait3A_72 = arith.constant 0 : i32
        %dma_wait3A_73 = tpu.memref_slice %arg17[%add3A_63, %dma_wait3A_72] : memref<10240x128xf32, #tpu.memory_space<vmem_shared>> -> memref<128x128xf32, #tpu.memory_space<vmem_shared>>
        tpu.wait_dma2 semaphore(%run_scoped3A : memref<!tpu.dma_semaphore, #tpu.memory_space<semaphore_mem>>) src(%dma_wait3A_73 : memref<128x128xf32, #tpu.memory_space<vmem_shared>>) dst(%arg11 : memref<128x128xf32, #tpu.memory_space<vmem>>)
        tpu.yield
      }) : () -> ()
      "tpu.region"() ({
        %run_scoped3A = tpu.sem_alloc : memref<!tpu.dma_semaphore, #tpu.memory_space<semaphore_mem>>
        %dma_start3A = arith.constant 0 : i32
        %dma_start3A_68 = tpu.memref_slice %arg6[%add3A_63, %dma_start3A] : memref<10240x128xf32, #tpu.memory_space<hbm>> -> memref<128x128xf32, #tpu.memory_space<hbm>>
        %dma_start3A_69 = arith.constant 0 : i32
        %dma_start3A_70 = tpu.memref_slice %arg6[%add3A_63, %dma_start3A_69] : memref<10240x128xf32, #tpu.memory_space<hbm>> -> memref<128x128xf32, #tpu.memory_space<hbm>>
        tpu.enqueue_dma source(%arg11 : memref<128x128xf32, #tpu.memory_space<vmem>>) target(%dma_start3A_70 : memref<128x128xf32, #tpu.memory_space<hbm>>) target_semaphore(%run_scoped3A : memref<!tpu.dma_semaphore, #tpu.memory_space<semaphore_mem>>)
        %dma_wait3A = arith.constant 0 : i32
        %dma_wait3A_71 = tpu.memref_slice %arg6[%add3A_63, %dma_wait3A] : memref<10240x128xf32, #tpu.memory_space<hbm>> -> memref<128x128xf32, #tpu.memory_space<hbm>>
        %dma_wait3A_72 = arith.constant 0 : i32
        %dma_wait3A_73 = tpu.memref_slice %arg6[%add3A_63, %dma_wait3A_72] : memref<10240x128xf32, #tpu.memory_space<hbm>> -> memref<128x128xf32, #tpu.memory_space<hbm>>
        tpu.wait_dma2 semaphore(%run_scoped3A : memref<!tpu.dma_semaphore, #tpu.memory_space<semaphore_mem>>) src(%arg11 : memref<128x128xf32, #tpu.memory_space<vmem>>) dst(%dma_wait3A_73 : memref<128x128xf32, #tpu.memory_space<hbm>>)
        tpu.yield
      }) : () -> ()
      %mul3A_64 = arith.constant 640 : i32
      %mul3A_65 = arith.muli %arg1, %mul3A_64 : i32
      %add3A_66 = arith.constant 512 : i32
      %add3A_67 = arith.addi %mul3A_65, %add3A_66 : i32
      "tpu.region"() ({
        %run_scoped3A = tpu.sem_alloc : memref<!tpu.dma_semaphore, #tpu.memory_space<semaphore_mem>>
        %dma_start3A = arith.constant 0 : i32
        %dma_start3A_68 = tpu.memref_slice %arg17[%add3A_67, %dma_start3A] : memref<10240x128xf32, #tpu.memory_space<vmem_shared>> -> memref<128x128xf32, #tpu.memory_space<vmem_shared>>
        %dma_start3A_69 = arith.constant 0 : i32
        %dma_start3A_70 = tpu.memref_slice %arg17[%add3A_67, %dma_start3A_69] : memref<10240x128xf32, #tpu.memory_space<vmem_shared>> -> memref<128x128xf32, #tpu.memory_space<vmem_shared>>
        tpu.enqueue_dma source(%dma_start3A_70 : memref<128x128xf32, #tpu.memory_space<vmem_shared>>) target(%arg11 : memref<128x128xf32, #tpu.memory_space<vmem>>) target_semaphore(%run_scoped3A : memref<!tpu.dma_semaphore, #tpu.memory_space<semaphore_mem>>)
        %dma_wait3A = arith.constant 0 : i32
        %dma_wait3A_71 = tpu.memref_slice %arg17[%add3A_67, %dma_wait3A] : memref<10240x128xf32, #tpu.memory_space<vmem_shared>> -> memref<128x128xf32, #tpu.memory_space<vmem_shared>>
        %dma_wait3A_72 = arith.constant 0 : i32
        %dma_wait3A_73 = tpu.memref_slice %arg17[%add3A_67, %dma_wait3A_72] : memref<10240x128xf32, #tpu.memory_space<vmem_shared>> -> memref<128x128xf32, #tpu.memory_space<vmem_shared>>
        tpu.wait_dma2 semaphore(%run_scoped3A : memref<!tpu.dma_semaphore, #tpu.memory_space<semaphore_mem>>) src(%dma_wait3A_73 : memref<128x128xf32, #tpu.memory_space<vmem_shared>>) dst(%arg11 : memref<128x128xf32, #tpu.memory_space<vmem>>)
        tpu.yield
      }) : () -> ()
      "tpu.region"() ({
        %run_scoped3A = tpu.sem_alloc : memref<!tpu.dma_semaphore, #tpu.memory_space<semaphore_mem>>
        %dma_start3A = arith.constant 0 : i32
        %dma_start3A_68 = tpu.memref_slice %arg6[%add3A_67, %dma_start3A] : memref<10240x128xf32, #tpu.memory_space<hbm>> -> memref<128x128xf32, #tpu.memory_space<hbm>>
        %dma_start3A_69 = arith.constant 0 : i32
        %dma_start3A_70 = tpu.memref_slice %arg6[%add3A_67, %dma_start3A_69] : memref<10240x128xf32, #tpu.memory_space<hbm>> -> memref<128x128xf32, #tpu.memory_space<hbm>>
        tpu.enqueue_dma source(%arg11 : memref<128x128xf32, #tpu.memory_space<vmem>>) target(%dma_start3A_70 : memref<128x128xf32, #tpu.memory_space<hbm>>) target_semaphore(%run_scoped3A : memref<!tpu.dma_semaphore, #tpu.memory_space<semaphore_mem>>)
        %dma_wait3A = arith.constant 0 : i32
        %dma_wait3A_71 = tpu.memref_slice %arg6[%add3A_67, %dma_wait3A] : memref<10240x128xf32, #tpu.memory_space<hbm>> -> memref<128x128xf32, #tpu.memory_space<hbm>>
        %dma_wait3A_72 = arith.constant 0 : i32
        %dma_wait3A_73 = tpu.memref_slice %arg6[%add3A_67, %dma_wait3A_72] : memref<10240x128xf32, #tpu.memory_space<hbm>> -> memref<128x128xf32, #tpu.memory_space<hbm>>
        tpu.wait_dma2 semaphore(%run_scoped3A : memref<!tpu.dma_semaphore, #tpu.memory_space<semaphore_mem>>) src(%arg11 : memref<128x128xf32, #tpu.memory_space<vmem>>) dst(%dma_wait3A_73 : memref<128x128xf32, #tpu.memory_space<hbm>>)
        tpu.yield
      }) : () -> ()
    } else {
    }
    %eq3A_43 = arith.constant 1 : i32
    %eq3A_44 = arith.cmpi eq, %arg0, %eq3A_43 : i32
    %convert_element_type3A_45 = arith.extui %eq3A_44 : i1 to i32
    %cond3A_46 = arith.constant 0 : i32
    %cond3A_47 = arith.cmpi ne, %convert_element_type3A_45, %cond3A_46 : i32
    scf.if %cond3A_47 {
      %mul3A_48 = arith.constant 640 : i32
      %mul3A_49 = arith.muli %arg1, %mul3A_48 : i32
      %add3A_50 = arith.constant 0 : i32
      %add3A_51 = arith.addi %mul3A_49, %add3A_50 : i32
      "tpu.region"() ({
        %run_scoped3A = tpu.sem_alloc : memref<!tpu.dma_semaphore, #tpu.memory_space<semaphore_mem>>
        %dma_start3A = arith.constant 0 : i32
        %dma_start3A_68 = tpu.memref_slice %arg17[%add3A_51, %dma_start3A] : memref<10240x128xf32, #tpu.memory_space<vmem_shared>> -> memref<128x128xf32, #tpu.memory_space<vmem_shared>>
        %dma_start3A_69 = arith.constant 0 : i32
        %dma_start3A_70 = tpu.memref_slice %arg17[%add3A_51, %dma_start3A_69] : memref<10240x128xf32, #tpu.memory_space<vmem_shared>> -> memref<128x128xf32, #tpu.memory_space<vmem_shared>>
        tpu.enqueue_dma source(%dma_start3A_70 : memref<128x128xf32, #tpu.memory_space<vmem_shared>>) target(%arg11 : memref<128x128xf32, #tpu.memory_space<vmem>>) target_semaphore(%run_scoped3A : memref<!tpu.dma_semaphore, #tpu.memory_space<semaphore_mem>>)
        %dma_wait3A = arith.constant 0 : i32
        %dma_wait3A_71 = tpu.memref_slice %arg17[%add3A_51, %dma_wait3A] : memref<10240x128xf32, #tpu.memory_space<vmem_shared>> -> memref<128x128xf32, #tpu.memory_space<vmem_shared>>
        %dma_wait3A_72 = arith.constant 0 : i32
        %dma_wait3A_73 = tpu.memref_slice %arg17[%add3A_51, %dma_wait3A_72] : memref<10240x128xf32, #tpu.memory_space<vmem_shared>> -> memref<128x128xf32, #tpu.memory_space<vmem_shared>>
        tpu.wait_dma2 semaphore(%run_scoped3A : memref<!tpu.dma_semaphore, #tpu.memory_space<semaphore_mem>>) src(%dma_wait3A_73 : memref<128x128xf32, #tpu.memory_space<vmem_shared>>) dst(%arg11 : memref<128x128xf32, #tpu.memory_space<vmem>>)
        tpu.yield
      }) : () -> ()
      "tpu.region"() ({
        %run_scoped3A = tpu.sem_alloc : memref<!tpu.dma_semaphore, #tpu.memory_space<semaphore_mem>>
        %dma_start3A = arith.constant 0 : i32
        %dma_start3A_68 = tpu.memref_slice %arg7[%add3A_51, %dma_start3A] : memref<10240x128xf32, #tpu.memory_space<hbm>> -> memref<128x128xf32, #tpu.memory_space<hbm>>
        %dma_start3A_69 = arith.constant 0 : i32
        %dma_start3A_70 = tpu.memref_slice %arg7[%add3A_51, %dma_start3A_69] : memref<10240x128xf32, #tpu.memory_space<hbm>> -> memref<128x128xf32, #tpu.memory_space<hbm>>
        tpu.enqueue_dma source(%arg11 : memref<128x128xf32, #tpu.memory_space<vmem>>) target(%dma_start3A_70 : memref<128x128xf32, #tpu.memory_space<hbm>>) target_semaphore(%run_scoped3A : memref<!tpu.dma_semaphore, #tpu.memory_space<semaphore_mem>>)
        %dma_wait3A = arith.constant 0 : i32
        %dma_wait3A_71 = tpu.memref_slice %arg7[%add3A_51, %dma_wait3A] : memref<10240x128xf32, #tpu.memory_space<hbm>> -> memref<128x128xf32, #tpu.memory_space<hbm>>
        %dma_wait3A_72 = arith.constant 0 : i32
        %dma_wait3A_73 = tpu.memref_slice %arg7[%add3A_51, %dma_wait3A_72] : memref<10240x128xf32, #tpu.memory_space<hbm>> -> memref<128x128xf32, #tpu.memory_space<hbm>>
        tpu.wait_dma2 semaphore(%run_scoped3A : memref<!tpu.dma_semaphore, #tpu.memory_space<semaphore_mem>>) src(%arg11 : memref<128x128xf32, #tpu.memory_space<vmem>>) dst(%dma_wait3A_73 : memref<128x128xf32, #tpu.memory_space<hbm>>)
        tpu.yield
      }) : () -> ()
      %mul3A_52 = arith.constant 640 : i32
      %mul3A_53 = arith.muli %arg1, %mul3A_52 : i32
      %add3A_54 = arith.constant 128 : i32
      %add3A_55 = arith.addi %mul3A_53, %add3A_54 : i32
      "tpu.region"() ({
        %run_scoped3A = tpu.sem_alloc : memref<!tpu.dma_semaphore, #tpu.memory_space<semaphore_mem>>
        %dma_start3A = arith.constant 0 : i32
        %dma_start3A_68 = tpu.memref_slice %arg17[%add3A_55, %dma_start3A] : memref<10240x128xf32, #tpu.memory_space<vmem_shared>> -> memref<128x128xf32, #tpu.memory_space<vmem_shared>>
        %dma_start3A_69 = arith.constant 0 : i32
        %dma_start3A_70 = tpu.memref_slice %arg17[%add3A_55, %dma_start3A_69] : memref<10240x128xf32, #tpu.memory_space<vmem_shared>> -> memref<128x128xf32, #tpu.memory_space<vmem_shared>>
        tpu.enqueue_dma source(%dma_start3A_70 : memref<128x128xf32, #tpu.memory_space<vmem_shared>>) target(%arg11 : memref<128x128xf32, #tpu.memory_space<vmem>>) target_semaphore(%run_scoped3A : memref<!tpu.dma_semaphore, #tpu.memory_space<semaphore_mem>>)
        %dma_wait3A = arith.constant 0 : i32
        %dma_wait3A_71 = tpu.memref_slice %arg17[%add3A_55, %dma_wait3A] : memref<10240x128xf32, #tpu.memory_space<vmem_shared>> -> memref<128x128xf32, #tpu.memory_space<vmem_shared>>
        %dma_wait3A_72 = arith.constant 0 : i32
        %dma_wait3A_73 = tpu.memref_slice %arg17[%add3A_55, %dma_wait3A_72] : memref<10240x128xf32, #tpu.memory_space<vmem_shared>> -> memref<128x128xf32, #tpu.memory_space<vmem_shared>>
        tpu.wait_dma2 semaphore(%run_scoped3A : memref<!tpu.dma_semaphore, #tpu.memory_space<semaphore_mem>>) src(%dma_wait3A_73 : memref<128x128xf32, #tpu.memory_space<vmem_shared>>) dst(%arg11 : memref<128x128xf32, #tpu.memory_space<vmem>>)
        tpu.yield
      }) : () -> ()
      "tpu.region"() ({
        %run_scoped3A = tpu.sem_alloc : memref<!tpu.dma_semaphore, #tpu.memory_space<semaphore_mem>>
        %dma_start3A = arith.constant 0 : i32
        %dma_start3A_68 = tpu.memref_slice %arg7[%add3A_55, %dma_start3A] : memref<10240x128xf32, #tpu.memory_space<hbm>> -> memref<128x128xf32, #tpu.memory_space<hbm>>
        %dma_start3A_69 = arith.constant 0 : i32
        %dma_start3A_70 = tpu.memref_slice %arg7[%add3A_55, %dma_start3A_69] : memref<10240x128xf32, #tpu.memory_space<hbm>> -> memref<128x128xf32, #tpu.memory_space<hbm>>
        tpu.enqueue_dma source(%arg11 : memref<128x128xf32, #tpu.memory_space<vmem>>) target(%dma_start3A_70 : memref<128x128xf32, #tpu.memory_space<hbm>>) target_semaphore(%run_scoped3A : memref<!tpu.dma_semaphore, #tpu.memory_space<semaphore_mem>>)
        %dma_wait3A = arith.constant 0 : i32
        %dma_wait3A_71 = tpu.memref_slice %arg7[%add3A_55, %dma_wait3A] : memref<10240x128xf32, #tpu.memory_space<hbm>> -> memref<128x128xf32, #tpu.memory_space<hbm>>
        %dma_wait3A_72 = arith.constant 0 : i32
        %dma_wait3A_73 = tpu.memref_slice %arg7[%add3A_55, %dma_wait3A_72] : memref<10240x128xf32, #tpu.memory_space<hbm>> -> memref<128x128xf32, #tpu.memory_space<hbm>>
        tpu.wait_dma2 semaphore(%run_scoped3A : memref<!tpu.dma_semaphore, #tpu.memory_space<semaphore_mem>>) src(%arg11 : memref<128x128xf32, #tpu.memory_space<vmem>>) dst(%dma_wait3A_73 : memref<128x128xf32, #tpu.memory_space<hbm>>)
        tpu.yield
      }) : () -> ()
      %mul3A_56 = arith.constant 640 : i32
      %mul3A_57 = arith.muli %arg1, %mul3A_56 : i32
      %add3A_58 = arith.constant 256 : i32
      %add3A_59 = arith.addi %mul3A_57, %add3A_58 : i32
      "tpu.region"() ({
        %run_scoped3A = tpu.sem_alloc : memref<!tpu.dma_semaphore, #tpu.memory_space<semaphore_mem>>
        %dma_start3A = arith.constant 0 : i32
        %dma_start3A_68 = tpu.memref_slice %arg17[%add3A_59, %dma_start3A] : memref<10240x128xf32, #tpu.memory_space<vmem_shared>> -> memref<128x128xf32, #tpu.memory_space<vmem_shared>>
        %dma_start3A_69 = arith.constant 0 : i32
        %dma_start3A_70 = tpu.memref_slice %arg17[%add3A_59, %dma_start3A_69] : memref<10240x128xf32, #tpu.memory_space<vmem_shared>> -> memref<128x128xf32, #tpu.memory_space<vmem_shared>>
        tpu.enqueue_dma source(%dma_start3A_70 : memref<128x128xf32, #tpu.memory_space<vmem_shared>>) target(%arg11 : memref<128x128xf32, #tpu.memory_space<vmem>>) target_semaphore(%run_scoped3A : memref<!tpu.dma_semaphore, #tpu.memory_space<semaphore_mem>>)
        %dma_wait3A = arith.constant 0 : i32
        %dma_wait3A_71 = tpu.memref_slice %arg17[%add3A_59, %dma_wait3A] : memref<10240x128xf32, #tpu.memory_space<vmem_shared>> -> memref<128x128xf32, #tpu.memory_space<vmem_shared>>
        %dma_wait3A_72 = arith.constant 0 : i32
        %dma_wait3A_73 = tpu.memref_slice %arg17[%add3A_59, %dma_wait3A_72] : memref<10240x128xf32, #tpu.memory_space<vmem_shared>> -> memref<128x128xf32, #tpu.memory_space<vmem_shared>>
        tpu.wait_dma2 semaphore(%run_scoped3A : memref<!tpu.dma_semaphore, #tpu.memory_space<semaphore_mem>>) src(%dma_wait3A_73 : memref<128x128xf32, #tpu.memory_space<vmem_shared>>) dst(%arg11 : memref<128x128xf32, #tpu.memory_space<vmem>>)
        tpu.yield
      }) : () -> ()
      "tpu.region"() ({
        %run_scoped3A = tpu.sem_alloc : memref<!tpu.dma_semaphore, #tpu.memory_space<semaphore_mem>>
        %dma_start3A = arith.constant 0 : i32
        %dma_start3A_68 = tpu.memref_slice %arg7[%add3A_59, %dma_start3A] : memref<10240x128xf32, #tpu.memory_space<hbm>> -> memref<128x128xf32, #tpu.memory_space<hbm>>
        %dma_start3A_69 = arith.constant 0 : i32
        %dma_start3A_70 = tpu.memref_slice %arg7[%add3A_59, %dma_start3A_69] : memref<10240x128xf32, #tpu.memory_space<hbm>> -> memref<128x128xf32, #tpu.memory_space<hbm>>
        tpu.enqueue_dma source(%arg11 : memref<128x128xf32, #tpu.memory_space<vmem>>) target(%dma_start3A_70 : memref<128x128xf32, #tpu.memory_space<hbm>>) target_semaphore(%run_scoped3A : memref<!tpu.dma_semaphore, #tpu.memory_space<semaphore_mem>>)
        %dma_wait3A = arith.constant 0 : i32
        %dma_wait3A_71 = tpu.memref_slice %arg7[%add3A_59, %dma_wait3A] : memref<10240x128xf32, #tpu.memory_space<hbm>> -> memref<128x128xf32, #tpu.memory_space<hbm>>
        %dma_wait3A_72 = arith.constant 0 : i32
        %dma_wait3A_73 = tpu.memref_slice %arg7[%add3A_59, %dma_wait3A_72] : memref<10240x128xf32, #tpu.memory_space<hbm>> -> memref<128x128xf32, #tpu.memory_space<hbm>>
        tpu.wait_dma2 semaphore(%run_scoped3A : memref<!tpu.dma_semaphore, #tpu.memory_space<semaphore_mem>>) src(%arg11 : memref<128x128xf32, #tpu.memory_space<vmem>>) dst(%dma_wait3A_73 : memref<128x128xf32, #tpu.memory_space<hbm>>)
        tpu.yield
      }) : () -> ()
      %mul3A_60 = arith.constant 640 : i32
      %mul3A_61 = arith.muli %arg1, %mul3A_60 : i32
      %add3A_62 = arith.constant 384 : i32
      %add3A_63 = arith.addi %mul3A_61, %add3A_62 : i32
      "tpu.region"() ({
        %run_scoped3A = tpu.sem_alloc : memref<!tpu.dma_semaphore, #tpu.memory_space<semaphore_mem>>
        %dma_start3A = arith.constant 0 : i32
        %dma_start3A_68 = tpu.memref_slice %arg17[%add3A_63, %dma_start3A] : memref<10240x128xf32, #tpu.memory_space<vmem_shared>> -> memref<128x128xf32, #tpu.memory_space<vmem_shared>>
        %dma_start3A_69 = arith.constant 0 : i32
        %dma_start3A_70 = tpu.memref_slice %arg17[%add3A_63, %dma_start3A_69] : memref<10240x128xf32, #tpu.memory_space<vmem_shared>> -> memref<128x128xf32, #tpu.memory_space<vmem_shared>>
        tpu.enqueue_dma source(%dma_start3A_70 : memref<128x128xf32, #tpu.memory_space<vmem_shared>>) target(%arg11 : memref<128x128xf32, #tpu.memory_space<vmem>>) target_semaphore(%run_scoped3A : memref<!tpu.dma_semaphore, #tpu.memory_space<semaphore_mem>>)
        %dma_wait3A = arith.constant 0 : i32
        %dma_wait3A_71 = tpu.memref_slice %arg17[%add3A_63, %dma_wait3A] : memref<10240x128xf32, #tpu.memory_space<vmem_shared>> -> memref<128x128xf32, #tpu.memory_space<vmem_shared>>
        %dma_wait3A_72 = arith.constant 0 : i32
        %dma_wait3A_73 = tpu.memref_slice %arg17[%add3A_63, %dma_wait3A_72] : memref<10240x128xf32, #tpu.memory_space<vmem_shared>> -> memref<128x128xf32, #tpu.memory_space<vmem_shared>>
        tpu.wait_dma2 semaphore(%run_scoped3A : memref<!tpu.dma_semaphore, #tpu.memory_space<semaphore_mem>>) src(%dma_wait3A_73 : memref<128x128xf32, #tpu.memory_space<vmem_shared>>) dst(%arg11 : memref<128x128xf32, #tpu.memory_space<vmem>>)
        tpu.yield
      }) : () -> ()
      "tpu.region"() ({
        %run_scoped3A = tpu.sem_alloc : memref<!tpu.dma_semaphore, #tpu.memory_space<semaphore_mem>>
        %dma_start3A = arith.constant 0 : i32
        %dma_start3A_68 = tpu.memref_slice %arg7[%add3A_63, %dma_start3A] : memref<10240x128xf32, #tpu.memory_space<hbm>> -> memref<128x128xf32, #tpu.memory_space<hbm>>
        %dma_start3A_69 = arith.constant 0 : i32
        %dma_start3A_70 = tpu.memref_slice %arg7[%add3A_63, %dma_start3A_69] : memref<10240x128xf32, #tpu.memory_space<hbm>> -> memref<128x128xf32, #tpu.memory_space<hbm>>
        tpu.enqueue_dma source(%arg11 : memref<128x128xf32, #tpu.memory_space<vmem>>) target(%dma_start3A_70 : memref<128x128xf32, #tpu.memory_space<hbm>>) target_semaphore(%run_scoped3A : memref<!tpu.dma_semaphore, #tpu.memory_space<semaphore_mem>>)
        %dma_wait3A = arith.constant 0 : i32
        %dma_wait3A_71 = tpu.memref_slice %arg7[%add3A_63, %dma_wait3A] : memref<10240x128xf32, #tpu.memory_space<hbm>> -> memref<128x128xf32, #tpu.memory_space<hbm>>
        %dma_wait3A_72 = arith.constant 0 : i32
        %dma_wait3A_73 = tpu.memref_slice %arg7[%add3A_63, %dma_wait3A_72] : memref<10240x128xf32, #tpu.memory_space<hbm>> -> memref<128x128xf32, #tpu.memory_space<hbm>>
        tpu.wait_dma2 semaphore(%run_scoped3A : memref<!tpu.dma_semaphore, #tpu.memory_space<semaphore_mem>>) src(%arg11 : memref<128x128xf32, #tpu.memory_space<vmem>>) dst(%dma_wait3A_73 : memref<128x128xf32, #tpu.memory_space<hbm>>)
        tpu.yield
      }) : () -> ()
      %mul3A_64 = arith.constant 640 : i32
      %mul3A_65 = arith.muli %arg1, %mul3A_64 : i32
      %add3A_66 = arith.constant 512 : i32
      %add3A_67 = arith.addi %mul3A_65, %add3A_66 : i32
      "tpu.region"() ({
        %run_scoped3A = tpu.sem_alloc : memref<!tpu.dma_semaphore, #tpu.memory_space<semaphore_mem>>
        %dma_start3A = arith.constant 0 : i32
        %dma_start3A_68 = tpu.memref_slice %arg17[%add3A_67, %dma_start3A] : memref<10240x128xf32, #tpu.memory_space<vmem_shared>> -> memref<128x128xf32, #tpu.memory_space<vmem_shared>>
        %dma_start3A_69 = arith.constant 0 : i32
        %dma_start3A_70 = tpu.memref_slice %arg17[%add3A_67, %dma_start3A_69] : memref<10240x128xf32, #tpu.memory_space<vmem_shared>> -> memref<128x128xf32, #tpu.memory_space<vmem_shared>>
        tpu.enqueue_dma source(%dma_start3A_70 : memref<128x128xf32, #tpu.memory_space<vmem_shared>>) target(%arg11 : memref<128x128xf32, #tpu.memory_space<vmem>>) target_semaphore(%run_scoped3A : memref<!tpu.dma_semaphore, #tpu.memory_space<semaphore_mem>>)
        %dma_wait3A = arith.constant 0 : i32
        %dma_wait3A_71 = tpu.memref_slice %arg17[%add3A_67, %dma_wait3A] : memref<10240x128xf32, #tpu.memory_space<vmem_shared>> -> memref<128x128xf32, #tpu.memory_space<vmem_shared>>
        %dma_wait3A_72 = arith.constant 0 : i32
        %dma_wait3A_73 = tpu.memref_slice %arg17[%add3A_67, %dma_wait3A_72] : memref<10240x128xf32, #tpu.memory_space<vmem_shared>> -> memref<128x128xf32, #tpu.memory_space<vmem_shared>>
        tpu.wait_dma2 semaphore(%run_scoped3A : memref<!tpu.dma_semaphore, #tpu.memory_space<semaphore_mem>>) src(%dma_wait3A_73 : memref<128x128xf32, #tpu.memory_space<vmem_shared>>) dst(%arg11 : memref<128x128xf32, #tpu.memory_space<vmem>>)
        tpu.yield
      }) : () -> ()
      "tpu.region"() ({
        %run_scoped3A = tpu.sem_alloc : memref<!tpu.dma_semaphore, #tpu.memory_space<semaphore_mem>>
        %dma_start3A = arith.constant 0 : i32
        %dma_start3A_68 = tpu.memref_slice %arg7[%add3A_67, %dma_start3A] : memref<10240x128xf32, #tpu.memory_space<hbm>> -> memref<128x128xf32, #tpu.memory_space<hbm>>
        %dma_start3A_69 = arith.constant 0 : i32
        %dma_start3A_70 = tpu.memref_slice %arg7[%add3A_67, %dma_start3A_69] : memref<10240x128xf32, #tpu.memory_space<hbm>> -> memref<128x128xf32, #tpu.memory_space<hbm>>
        tpu.enqueue_dma source(%arg11 : memref<128x128xf32, #tpu.memory_space<vmem>>) target(%dma_start3A_70 : memref<128x128xf32, #tpu.memory_space<hbm>>) target_semaphore(%run_scoped3A : memref<!tpu.dma_semaphore, #tpu.memory_space<semaphore_mem>>)
        %dma_wait3A = arith.constant 0 : i32
        %dma_wait3A_71 = tpu.memref_slice %arg7[%add3A_67, %dma_wait3A] : memref<10240x128xf32, #tpu.memory_space<hbm>> -> memref<128x128xf32, #tpu.memory_space<hbm>>
        %dma_wait3A_72 = arith.constant 0 : i32
        %dma_wait3A_73 = tpu.memref_slice %arg7[%add3A_67, %dma_wait3A_72] : memref<10240x128xf32, #tpu.memory_space<hbm>> -> memref<128x128xf32, #tpu.memory_space<hbm>>
        tpu.wait_dma2 semaphore(%run_scoped3A : memref<!tpu.dma_semaphore, #tpu.memory_space<semaphore_mem>>) src(%arg11 : memref<128x128xf32, #tpu.memory_space<vmem>>) dst(%dma_wait3A_73 : memref<128x128xf32, #tpu.memory_space<hbm>>)
        tpu.yield
      }) : () -> ()
    } else {
    }
    return
  }
}

#map = affine_map<(d0, d1) -> (0, 0)>
#map1 = affine_map<(d0, d1) -> (0)>
module attributes {stable_mosaic.version = 14 : i64} {
  func.func @_segsum_body(%arg0: i32, %arg1: i32, %arg2: memref<10000x128xf32, #tpu.memory_space<hbm>>, %arg3: memref<2560x128xi32, #tpu.memory_space<hbm>>, %arg4: memref<327680xi32, #tpu.memory_space<hbm>>, %arg5: memref<128x128xf32, #tpu.memory_space<hbm>>, %arg6: memref<10240x128xf32, #tpu.memory_space<hbm>>, %arg7: memref<10240x128xf32, #tpu.memory_space<hbm>>, %arg8: memref<40x128xi32, #tpu.memory_space<vmem>>, %arg9: memref<128xi32, #tpu.memory_space<vmem>>, %arg10: memref<128xi32, #tpu.memory_space<vmem>>, %arg11: memref<128x128xf32, #tpu.memory_space<vmem>>, %arg12: memref<128x128xf32, #tpu.memory_space<vmem>>, %arg13: memref<!tpu.dma_semaphore, #tpu.memory_space<semaphore_mem>>, %arg14: memref<!tpu.dma_semaphore, #tpu.memory_space<semaphore_mem>>, %arg15: memref<!tpu.dma_semaphore, #tpu.memory_space<semaphore_mem>>, %arg16: memref<!tpu.dma_semaphore, #tpu.memory_space<semaphore_mem>>, %arg17: memref<10240x128xf32, #tpu.memory_space<vmem_shared>>) attributes {dimension_semantics = [#tpu.dimension_semantics<core_parallel>, #tpu.dimension_semantics<subcore_parallel>], iteration_bounds = array<i64: 2, 16>, scalar_prefetch = 0 : i64, scratch_operands = 10 : i64, tpu.core_type = #tpu.core_type<sc_vector_subcore>, window_params = [{transform_indices = #map}, {transform_indices = #map}, {transform_indices = #map1}, {transform_indices = #map}, {transform_indices = #map}, {transform_indices = #map}]} {
    %mul3A = arith.constant 16 : i32
    %mul3A_0 = arith.muli %arg0, %mul3A : i32
    %add3A = arith.addi %mul3A_0, %arg1 : i32
    "tpu.region"() ({
      %run_scoped3A = tpu.sem_alloc : memref<!tpu.dma_semaphore, #tpu.memory_space<semaphore_mem>>
      tpu.enqueue_dma source(%arg5 : memref<128x128xf32, #tpu.memory_space<hbm>>) target(%arg11 : memref<128x128xf32, #tpu.memory_space<vmem>>) target_semaphore(%run_scoped3A : memref<!tpu.dma_semaphore, #tpu.memory_space<semaphore_mem>>)
      tpu.wait_dma2 semaphore(%run_scoped3A : memref<!tpu.dma_semaphore, #tpu.memory_space<semaphore_mem>>) src(%arg5 : memref<128x128xf32, #tpu.memory_space<hbm>>) dst(%arg11 : memref<128x128xf32, #tpu.memory_space<vmem>>)
      tpu.yield
    }) : () -> ()
    %mul3A_1 = arith.constant 640 : i32
    %mul3A_2 = arith.muli %arg1, %mul3A_1 : i32
    %add3A_3 = arith.constant 0 : i32
    %add3A_4 = arith.addi %mul3A_2, %add3A_3 : i32
    "tpu.region"() ({
      %run_scoped3A = tpu.sem_alloc : memref<!tpu.dma_semaphore, #tpu.memory_space<semaphore_mem>>
      %dma_start3A = arith.constant 0 : i32
      %dma_start3A_48 = tpu.memref_slice %arg17[%add3A_4, %dma_start3A] : memref<10240x128xf32, #tpu.memory_space<vmem_shared>> -> memref<128x128xf32, #tpu.memory_space<vmem_shared>>
      %dma_start3A_49 = arith.constant 0 : i32
      %dma_start3A_50 = tpu.memref_slice %arg17[%add3A_4, %dma_start3A_49] : memref<10240x128xf32, #tpu.memory_space<vmem_shared>> -> memref<128x128xf32, #tpu.memory_space<vmem_shared>>
      tpu.enqueue_dma source(%arg11 : memref<128x128xf32, #tpu.memory_space<vmem>>) target(%dma_start3A_50 : memref<128x128xf32, #tpu.memory_space<vmem_shared>>) target_semaphore(%run_scoped3A : memref<!tpu.dma_semaphore, #tpu.memory_space<semaphore_mem>>)
      %dma_wait3A = arith.constant 0 : i32
      %dma_wait3A_51 = tpu.memref_slice %arg17[%add3A_4, %dma_wait3A] : memref<10240x128xf32, #tpu.memory_space<vmem_shared>> -> memref<128x128xf32, #tpu.memory_space<vmem_shared>>
      %dma_wait3A_52 = arith.constant 0 : i32
      %dma_wait3A_53 = tpu.memref_slice %arg17[%add3A_4, %dma_wait3A_52] : memref<10240x128xf32, #tpu.memory_space<vmem_shared>> -> memref<128x128xf32, #tpu.memory_space<vmem_shared>>
      tpu.wait_dma2 semaphore(%run_scoped3A : memref<!tpu.dma_semaphore, #tpu.memory_space<semaphore_mem>>) src(%arg11 : memref<128x128xf32, #tpu.memory_space<vmem>>) dst(%dma_wait3A_53 : memref<128x128xf32, #tpu.memory_space<vmem_shared>>)
      tpu.yield
    }) : () -> ()
    %mul3A_5 = arith.constant 640 : i32
    %mul3A_6 = arith.muli %arg1, %mul3A_5 : i32
    %add3A_7 = arith.constant 128 : i32
    %add3A_8 = arith.addi %mul3A_6, %add3A_7 : i32
    "tpu.region"() ({
      %run_scoped3A = tpu.sem_alloc : memref<!tpu.dma_semaphore, #tpu.memory_space<semaphore_mem>>
      %dma_start3A = arith.constant 0 : i32
      %dma_start3A_48 = tpu.memref_slice %arg17[%add3A_8, %dma_start3A] : memref<10240x128xf32, #tpu.memory_space<vmem_shared>> -> memref<128x128xf32, #tpu.memory_space<vmem_shared>>
      %dma_start3A_49 = arith.constant 0 : i32
      %dma_start3A_50 = tpu.memref_slice %arg17[%add3A_8, %dma_start3A_49] : memref<10240x128xf32, #tpu.memory_space<vmem_shared>> -> memref<128x128xf32, #tpu.memory_space<vmem_shared>>
      tpu.enqueue_dma source(%arg11 : memref<128x128xf32, #tpu.memory_space<vmem>>) target(%dma_start3A_50 : memref<128x128xf32, #tpu.memory_space<vmem_shared>>) target_semaphore(%run_scoped3A : memref<!tpu.dma_semaphore, #tpu.memory_space<semaphore_mem>>)
      %dma_wait3A = arith.constant 0 : i32
      %dma_wait3A_51 = tpu.memref_slice %arg17[%add3A_8, %dma_wait3A] : memref<10240x128xf32, #tpu.memory_space<vmem_shared>> -> memref<128x128xf32, #tpu.memory_space<vmem_shared>>
      %dma_wait3A_52 = arith.constant 0 : i32
      %dma_wait3A_53 = tpu.memref_slice %arg17[%add3A_8, %dma_wait3A_52] : memref<10240x128xf32, #tpu.memory_space<vmem_shared>> -> memref<128x128xf32, #tpu.memory_space<vmem_shared>>
      tpu.wait_dma2 semaphore(%run_scoped3A : memref<!tpu.dma_semaphore, #tpu.memory_space<semaphore_mem>>) src(%arg11 : memref<128x128xf32, #tpu.memory_space<vmem>>) dst(%dma_wait3A_53 : memref<128x128xf32, #tpu.memory_space<vmem_shared>>)
      tpu.yield
    }) : () -> ()
    %mul3A_9 = arith.constant 640 : i32
    %mul3A_10 = arith.muli %arg1, %mul3A_9 : i32
    %add3A_11 = arith.constant 256 : i32
    %add3A_12 = arith.addi %mul3A_10, %add3A_11 : i32
    "tpu.region"() ({
      %run_scoped3A = tpu.sem_alloc : memref<!tpu.dma_semaphore, #tpu.memory_space<semaphore_mem>>
      %dma_start3A = arith.constant 0 : i32
      %dma_start3A_48 = tpu.memref_slice %arg17[%add3A_12, %dma_start3A] : memref<10240x128xf32, #tpu.memory_space<vmem_shared>> -> memref<128x128xf32, #tpu.memory_space<vmem_shared>>
      %dma_start3A_49 = arith.constant 0 : i32
      %dma_start3A_50 = tpu.memref_slice %arg17[%add3A_12, %dma_start3A_49] : memref<10240x128xf32, #tpu.memory_space<vmem_shared>> -> memref<128x128xf32, #tpu.memory_space<vmem_shared>>
      tpu.enqueue_dma source(%arg11 : memref<128x128xf32, #tpu.memory_space<vmem>>) target(%dma_start3A_50 : memref<128x128xf32, #tpu.memory_space<vmem_shared>>) target_semaphore(%run_scoped3A : memref<!tpu.dma_semaphore, #tpu.memory_space<semaphore_mem>>)
      %dma_wait3A = arith.constant 0 : i32
      %dma_wait3A_51 = tpu.memref_slice %arg17[%add3A_12, %dma_wait3A] : memref<10240x128xf32, #tpu.memory_space<vmem_shared>> -> memref<128x128xf32, #tpu.memory_space<vmem_shared>>
      %dma_wait3A_52 = arith.constant 0 : i32
      %dma_wait3A_53 = tpu.memref_slice %arg17[%add3A_12, %dma_wait3A_52] : memref<10240x128xf32, #tpu.memory_space<vmem_shared>> -> memref<128x128xf32, #tpu.memory_space<vmem_shared>>
      tpu.wait_dma2 semaphore(%run_scoped3A : memref<!tpu.dma_semaphore, #tpu.memory_space<semaphore_mem>>) src(%arg11 : memref<128x128xf32, #tpu.memory_space<vmem>>) dst(%dma_wait3A_53 : memref<128x128xf32, #tpu.memory_space<vmem_shared>>)
      tpu.yield
    }) : () -> ()
    %mul3A_13 = arith.constant 640 : i32
    %mul3A_14 = arith.muli %arg1, %mul3A_13 : i32
    %add3A_15 = arith.constant 384 : i32
    %add3A_16 = arith.addi %mul3A_14, %add3A_15 : i32
    "tpu.region"() ({
      %run_scoped3A = tpu.sem_alloc : memref<!tpu.dma_semaphore, #tpu.memory_space<semaphore_mem>>
      %dma_start3A = arith.constant 0 : i32
      %dma_start3A_48 = tpu.memref_slice %arg17[%add3A_16, %dma_start3A] : memref<10240x128xf32, #tpu.memory_space<vmem_shared>> -> memref<128x128xf32, #tpu.memory_space<vmem_shared>>
      %dma_start3A_49 = arith.constant 0 : i32
      %dma_start3A_50 = tpu.memref_slice %arg17[%add3A_16, %dma_start3A_49] : memref<10240x128xf32, #tpu.memory_space<vmem_shared>> -> memref<128x128xf32, #tpu.memory_space<vmem_shared>>
      tpu.enqueue_dma source(%arg11 : memref<128x128xf32, #tpu.memory_space<vmem>>) target(%dma_start3A_50 : memref<128x128xf32, #tpu.memory_space<vmem_shared>>) target_semaphore(%run_scoped3A : memref<!tpu.dma_semaphore, #tpu.memory_space<semaphore_mem>>)
      %dma_wait3A = arith.constant 0 : i32
      %dma_wait3A_51 = tpu.memref_slice %arg17[%add3A_16, %dma_wait3A] : memref<10240x128xf32, #tpu.memory_space<vmem_shared>> -> memref<128x128xf32, #tpu.memory_space<vmem_shared>>
      %dma_wait3A_52 = arith.constant 0 : i32
      %dma_wait3A_53 = tpu.memref_slice %arg17[%add3A_16, %dma_wait3A_52] : memref<10240x128xf32, #tpu.memory_space<vmem_shared>> -> memref<128x128xf32, #tpu.memory_space<vmem_shared>>
      tpu.wait_dma2 semaphore(%run_scoped3A : memref<!tpu.dma_semaphore, #tpu.memory_space<semaphore_mem>>) src(%arg11 : memref<128x128xf32, #tpu.memory_space<vmem>>) dst(%dma_wait3A_53 : memref<128x128xf32, #tpu.memory_space<vmem_shared>>)
      tpu.yield
    }) : () -> ()
    %mul3A_17 = arith.constant 640 : i32
    %mul3A_18 = arith.muli %arg1, %mul3A_17 : i32
    %add3A_19 = arith.constant 512 : i32
    %add3A_20 = arith.addi %mul3A_18, %add3A_19 : i32
    "tpu.region"() ({
      %run_scoped3A = tpu.sem_alloc : memref<!tpu.dma_semaphore, #tpu.memory_space<semaphore_mem>>
      %dma_start3A = arith.constant 0 : i32
      %dma_start3A_48 = tpu.memref_slice %arg17[%add3A_20, %dma_start3A] : memref<10240x128xf32, #tpu.memory_space<vmem_shared>> -> memref<128x128xf32, #tpu.memory_space<vmem_shared>>
      %dma_start3A_49 = arith.constant 0 : i32
      %dma_start3A_50 = tpu.memref_slice %arg17[%add3A_20, %dma_start3A_49] : memref<10240x128xf32, #tpu.memory_space<vmem_shared>> -> memref<128x128xf32, #tpu.memory_space<vmem_shared>>
      tpu.enqueue_dma source(%arg11 : memref<128x128xf32, #tpu.memory_space<vmem>>) target(%dma_start3A_50 : memref<128x128xf32, #tpu.memory_space<vmem_shared>>) target_semaphore(%run_scoped3A : memref<!tpu.dma_semaphore, #tpu.memory_space<semaphore_mem>>)
      %dma_wait3A = arith.constant 0 : i32
      %dma_wait3A_51 = tpu.memref_slice %arg17[%add3A_20, %dma_wait3A] : memref<10240x128xf32, #tpu.memory_space<vmem_shared>> -> memref<128x128xf32, #tpu.memory_space<vmem_shared>>
      %dma_wait3A_52 = arith.constant 0 : i32
      %dma_wait3A_53 = tpu.memref_slice %arg17[%add3A_20, %dma_wait3A_52] : memref<10240x128xf32, #tpu.memory_space<vmem_shared>> -> memref<128x128xf32, #tpu.memory_space<vmem_shared>>
      tpu.wait_dma2 semaphore(%run_scoped3A : memref<!tpu.dma_semaphore, #tpu.memory_space<semaphore_mem>>) src(%arg11 : memref<128x128xf32, #tpu.memory_space<vmem>>) dst(%dma_wait3A_53 : memref<128x128xf32, #tpu.memory_space<vmem_shared>>)
      tpu.yield
    }) : () -> ()
    %barrier3A = arith.constant 0 : index
    tpu.barrier barrier_id(%barrier3A)
    %mul3A_21 = arith.constant 80 : i32
    %mul3A_22 = arith.muli %add3A, %mul3A_21 : i32
    %add3A_23 = arith.constant 0 : i32
    %add3A_24 = arith.addi %mul3A_22, %add3A_23 : i32
    "tpu.region"() ({
      %run_scoped3A = tpu.sem_alloc : memref<!tpu.dma_semaphore, #tpu.memory_space<semaphore_mem>>
      %dma_start3A = arith.constant 0 : i32
      %dma_start3A_48 = tpu.memref_slice %arg3[%add3A_24, %dma_start3A] : memref<2560x128xi32, #tpu.memory_space<hbm>> -> memref<40x128xi32, #tpu.memory_space<hbm>>
      %dma_start3A_49 = arith.constant 0 : i32
      %dma_start3A_50 = tpu.memref_slice %arg3[%add3A_24, %dma_start3A_49] : memref<2560x128xi32, #tpu.memory_space<hbm>> -> memref<40x128xi32, #tpu.memory_space<hbm>>
      tpu.enqueue_dma source(%dma_start3A_50 : memref<40x128xi32, #tpu.memory_space<hbm>>) target(%arg8 : memref<40x128xi32, #tpu.memory_space<vmem>>) target_semaphore(%run_scoped3A : memref<!tpu.dma_semaphore, #tpu.memory_space<semaphore_mem>>)
      %dma_wait3A = arith.constant 0 : i32
      %dma_wait3A_51 = tpu.memref_slice %arg3[%add3A_24, %dma_wait3A] : memref<2560x128xi32, #tpu.memory_space<hbm>> -> memref<40x128xi32, #tpu.memory_space<hbm>>
      %dma_wait3A_52 = arith.constant 0 : i32
      %dma_wait3A_53 = tpu.memref_slice %arg3[%add3A_24, %dma_wait3A_52] : memref<2560x128xi32, #tpu.memory_space<hbm>> -> memref<40x128xi32, #tpu.memory_space<hbm>>
      tpu.wait_dma2 semaphore(%run_scoped3A : memref<!tpu.dma_semaphore, #tpu.memory_space<semaphore_mem>>) src(%dma_wait3A_53 : memref<40x128xi32, #tpu.memory_space<hbm>>) dst(%arg8 : memref<40x128xi32, #tpu.memory_space<vmem>>)
      tpu.yield
    }) : () -> ()
    %scan3A = arith.constant 0 : i32
    %scan3A_25 = arith.constant 0 : i32
    %scan3A_26 = arith.constant 20 : i32
    %scan3A_27 = arith.addi %scan3A_25, %scan3A_26 : i32
    %scan3A_28 = arith.constant 1 : i32
    scf.for %scan3A_48 = %scan3A_25 to %scan3A_27 step %scan3A_28  : i32 {
      %mul3A_49 = arith.constant 2 : i32
      %mul3A_50 = arith.muli %scan3A_48, %mul3A_49 : i32
      %add3A_51 = arith.addi %add3A_24, %mul3A_50 : i32
      %mul3A_52 = arith.constant 128 : i32
      %mul3A_53 = arith.muli %add3A_51, %mul3A_52 : i32
      %dma_start3A = tpu.memref_slice %arg4[%mul3A_53] : memref<327680xi32, #tpu.memory_space<hbm>> -> memref<128xi32, #tpu.memory_space<hbm>>
      %dma_start3A_54 = tpu.memref_slice %arg4[%mul3A_53] : memref<327680xi32, #tpu.memory_space<hbm>> -> memref<128xi32, #tpu.memory_space<hbm>>
      tpu.enqueue_dma source(%dma_start3A_54 : memref<128xi32, #tpu.memory_space<hbm>>) target(%arg9 : memref<128xi32, #tpu.memory_space<vmem>>) target_semaphore(%arg15 : memref<!tpu.dma_semaphore, #tpu.memory_space<semaphore_mem>>)
      %add3A_55 = arith.constant 128 : i32
      %add3A_56 = arith.addi %mul3A_53, %add3A_55 : i32
      %dma_start3A_57 = tpu.memref_slice %arg4[%add3A_56] : memref<327680xi32, #tpu.memory_space<hbm>> -> memref<128xi32, #tpu.memory_space<hbm>>
      %dma_start3A_58 = tpu.memref_slice %arg4[%add3A_56] : memref<327680xi32, #tpu.memory_space<hbm>> -> memref<128xi32, #tpu.memory_space<hbm>>
      tpu.enqueue_dma source(%dma_start3A_58 : memref<128xi32, #tpu.memory_space<hbm>>) target(%arg10 : memref<128xi32, #tpu.memory_space<vmem>>) target_semaphore(%arg16 : memref<!tpu.dma_semaphore, #tpu.memory_space<semaphore_mem>>)
      %dma_start3A_59 = arith.constant 0 : i32
      %dma_start3A_60 = tpu.memref_slice %arg8[%mul3A_50, %dma_start3A_59] : memref<40x128xi32, #tpu.memory_space<vmem>> -> memref<1x128xi32, #tpu.memory_space<vmem>>
      %dma_start3A_61 = tpu.memref_squeeze %dma_start3A_60 : memref<1x128xi32, #tpu.memory_space<vmem>> -> memref<128xi32, #tpu.memory_space<vmem>>
      %dma_start3A_62 = arith.constant 0 : i32
      %dma_start3A_63 = arith.constant 0 : i32
      %dma_start3A_64 = tpu.memref_slice %arg2[%dma_start3A_62, %dma_start3A_63] : memref<10000x128xf32, #tpu.memory_space<hbm>> -> memref<10000x128xf32, #tpu.memory_space<hbm>>
      tpu.enqueue_indirect_dma source(%dma_start3A_64 : memref<10000x128xf32, #tpu.memory_space<hbm>>) target(%arg11 : memref<128x128xf32, #tpu.memory_space<vmem>>) offsets(%dma_start3A_61 : memref<128xi32, #tpu.memory_space<vmem>>) semaphore(%arg13 : memref<!tpu.dma_semaphore, #tpu.memory_space<semaphore_mem>>)
      %add3A_65 = arith.constant 1 : i32
      %add3A_66 = arith.addi %mul3A_50, %add3A_65 : i32
      %dma_start3A_67 = arith.constant 0 : i32
      %dma_start3A_68 = tpu.memref_slice %arg8[%add3A_66, %dma_start3A_67] : memref<40x128xi32, #tpu.memory_space<vmem>> -> memref<1x128xi32, #tpu.memory_space<vmem>>
      %dma_start3A_69 = tpu.memref_squeeze %dma_start3A_68 : memref<1x128xi32, #tpu.memory_space<vmem>> -> memref<128xi32, #tpu.memory_space<vmem>>
      %dma_start3A_70 = arith.constant 0 : i32
      %dma_start3A_71 = arith.constant 0 : i32
      %dma_start3A_72 = tpu.memref_slice %arg2[%dma_start3A_70, %dma_start3A_71] : memref<10000x128xf32, #tpu.memory_space<hbm>> -> memref<10000x128xf32, #tpu.memory_space<hbm>>
      tpu.enqueue_indirect_dma source(%dma_start3A_72 : memref<10000x128xf32, #tpu.memory_space<hbm>>) target(%arg12 : memref<128x128xf32, #tpu.memory_space<vmem>>) offsets(%dma_start3A_69 : memref<128xi32, #tpu.memory_space<vmem>>) semaphore(%arg14 : memref<!tpu.dma_semaphore, #tpu.memory_space<semaphore_mem>>)
      %dma_wait3A = tpu.memref_slice %arg4[%mul3A_53] : memref<327680xi32, #tpu.memory_space<hbm>> -> memref<128xi32, #tpu.memory_space<hbm>>
      %dma_wait3A_73 = tpu.memref_slice %arg4[%mul3A_53] : memref<327680xi32, #tpu.memory_space<hbm>> -> memref<128xi32, #tpu.memory_space<hbm>>
      tpu.wait_dma2 semaphore(%arg15 : memref<!tpu.dma_semaphore, #tpu.memory_space<semaphore_mem>>) src(%dma_wait3A_73 : memref<128xi32, #tpu.memory_space<hbm>>) dst(%arg9 : memref<128xi32, #tpu.memory_space<vmem>>)
      %dma_wait3A_74 = arith.constant 0 : i32
      %dma_wait3A_75 = tpu.memref_slice %arg8[%mul3A_50, %dma_wait3A_74] : memref<40x128xi32, #tpu.memory_space<vmem>> -> memref<1x128xi32, #tpu.memory_space<vmem>>
      %dma_wait3A_76 = tpu.memref_squeeze %dma_wait3A_75 : memref<1x128xi32, #tpu.memory_space<vmem>> -> memref<128xi32, #tpu.memory_space<vmem>>
      %dma_wait3A_77 = arith.constant 0 : i32
      %dma_wait3A_78 = arith.constant 0 : i32
      %dma_wait3A_79 = tpu.memref_slice %arg2[%dma_wait3A_77, %dma_wait3A_78] : memref<10000x128xf32, #tpu.memory_space<hbm>> -> memref<10000x128xf32, #tpu.memory_space<hbm>>
      tpu.wait_indirect_dma semaphore(%arg13 : memref<!tpu.dma_semaphore, #tpu.memory_space<semaphore_mem>>) src(%dma_wait3A_79 : memref<10000x128xf32, #tpu.memory_space<hbm>>) dst(%arg11 : memref<128x128xf32, #tpu.memory_space<vmem>>)
      "tpu.region"() ({
        %run_scoped3A = tpu.sem_alloc : memref<!tpu.dma_semaphore, #tpu.memory_space<semaphore_mem>>
        %dma_start3A_88 = arith.constant 0 : i32
        %dma_start3A_89 = arith.constant 0 : i32
        %dma_start3A_90 = tpu.memref_slice %arg17[%dma_start3A_88, %dma_start3A_89] : memref<10240x128xf32, #tpu.memory_space<vmem_shared>> -> memref<10240x128xf32, #tpu.memory_space<vmem_shared>>
        tpu.enqueue_indirect_dma source(%arg11 : memref<128x128xf32, #tpu.memory_space<vmem>>) target(%dma_start3A_90 : memref<10240x128xf32, #tpu.memory_space<vmem_shared>>) offsets(%arg9 : memref<128xi32, #tpu.memory_space<vmem>>) semaphore(%run_scoped3A : memref<!tpu.dma_semaphore, #tpu.memory_space<semaphore_mem>>) {add = true}
        %dma_wait3A_91 = arith.constant 0 : i32
        %dma_wait3A_92 = arith.constant 0 : i32
        %dma_wait3A_93 = tpu.memref_slice %arg17[%dma_wait3A_91, %dma_wait3A_92] : memref<10240x128xf32, #tpu.memory_space<vmem_shared>> -> memref<10240x128xf32, #tpu.memory_space<vmem_shared>>
        tpu.wait_indirect_dma semaphore(%run_scoped3A : memref<!tpu.dma_semaphore, #tpu.memory_space<semaphore_mem>>) src(%arg11 : memref<128x128xf32, #tpu.memory_space<vmem>>) dst(%dma_wait3A_93 : memref<10240x128xf32, #tpu.memory_space<vmem_shared>>)
        tpu.yield
      }) : () -> ()
      %dma_wait3A_80 = tpu.memref_slice %arg4[%add3A_56] : memref<327680xi32, #tpu.memory_space<hbm>> -> memref<128xi32, #tpu.memory_space<hbm>>
      %dma_wait3A_81 = tpu.memref_slice %arg4[%add3A_56] : memref<327680xi32, #tpu.memory_space<hbm>> -> memref<128xi32, #tpu.memory_space<hbm>>
      tpu.wait_dma2 semaphore(%arg16 : memref<!tpu.dma_semaphore, #tpu.memory_space<semaphore_mem>>) src(%dma_wait3A_81 : memref<128xi32, #tpu.memory_space<hbm>>) dst(%arg10 : memref<128xi32, #tpu.memory_space<vmem>>)
      %dma_wait3A_82 = arith.constant 0 : i32
      %dma_wait3A_83 = tpu.memref_slice %arg8[%add3A_66, %dma_wait3A_82] : memref<40x128xi32, #tpu.memory_space<vmem>> -> memref<1x128xi32, #tpu.memory_space<vmem>>
      %dma_wait3A_84 = tpu.memref_squeeze %dma_wait3A_83 : memref<1x128xi32, #tpu.memory_space<vmem>> -> memref<128xi32, #tpu.memory_space<vmem>>
      %dma_wait3A_85 = arith.constant 0 : i32
      %dma_wait3A_86 = arith.constant 0 : i32
      %dma_wait3A_87 = tpu.memref_slice %arg2[%dma_wait3A_85, %dma_wait3A_86] : memref<10000x128xf32, #tpu.memory_space<hbm>> -> memref<10000x128xf32, #tpu.memory_space<hbm>>
      tpu.wait_indirect_dma semaphore(%arg14 : memref<!tpu.dma_semaphore, #tpu.memory_space<semaphore_mem>>) src(%dma_wait3A_87 : memref<10000x128xf32, #tpu.memory_space<hbm>>) dst(%arg12 : memref<128x128xf32, #tpu.memory_space<vmem>>)
      "tpu.region"() ({
        %run_scoped3A = tpu.sem_alloc : memref<!tpu.dma_semaphore, #tpu.memory_space<semaphore_mem>>
        %dma_start3A_88 = arith.constant 0 : i32
        %dma_start3A_89 = arith.constant 0 : i32
        %dma_start3A_90 = tpu.memref_slice %arg17[%dma_start3A_88, %dma_start3A_89] : memref<10240x128xf32, #tpu.memory_space<vmem_shared>> -> memref<10240x128xf32, #tpu.memory_space<vmem_shared>>
        tpu.enqueue_indirect_dma source(%arg12 : memref<128x128xf32, #tpu.memory_space<vmem>>) target(%dma_start3A_90 : memref<10240x128xf32, #tpu.memory_space<vmem_shared>>) offsets(%arg10 : memref<128xi32, #tpu.memory_space<vmem>>) semaphore(%run_scoped3A : memref<!tpu.dma_semaphore, #tpu.memory_space<semaphore_mem>>) {add = true}
        %dma_wait3A_91 = arith.constant 0 : i32
        %dma_wait3A_92 = arith.constant 0 : i32
        %dma_wait3A_93 = tpu.memref_slice %arg17[%dma_wait3A_91, %dma_wait3A_92] : memref<10240x128xf32, #tpu.memory_space<vmem_shared>> -> memref<10240x128xf32, #tpu.memory_space<vmem_shared>>
        tpu.wait_indirect_dma semaphore(%run_scoped3A : memref<!tpu.dma_semaphore, #tpu.memory_space<semaphore_mem>>) src(%arg12 : memref<128x128xf32, #tpu.memory_space<vmem>>) dst(%dma_wait3A_93 : memref<10240x128xf32, #tpu.memory_space<vmem_shared>>)
        tpu.yield
      }) : () -> ()
    }
    %scan3A_29 = arith.constant 20 : i32
    %mul3A_30 = arith.constant 80 : i32
    %mul3A_31 = arith.muli %add3A, %mul3A_30 : i32
    %add3A_32 = arith.constant 40 : i32
    %add3A_33 = arith.addi %mul3A_31, %add3A_32 : i32
    "tpu.region"() ({
      %run_scoped3A = tpu.sem_alloc : memref<!tpu.dma_semaphore, #tpu.memory_space<semaphore_mem>>
      %dma_start3A = arith.constant 0 : i32
      %dma_start3A_48 = tpu.memref_slice %arg3[%add3A_33, %dma_start3A] : memref<2560x128xi32, #tpu.memory_space<hbm>> -> memref<40x128xi32, #tpu.memory_space<hbm>>
      %dma_start3A_49 = arith.constant 0 : i32
      %dma_start3A_50 = tpu.memref_slice %arg3[%add3A_33, %dma_start3A_49] : memref<2560x128xi32, #tpu.memory_space<hbm>> -> memref<40x128xi32, #tpu.memory_space<hbm>>
      tpu.enqueue_dma source(%dma_start3A_50 : memref<40x128xi32, #tpu.memory_space<hbm>>) target(%arg8 : memref<40x128xi32, #tpu.memory_space<vmem>>) target_semaphore(%run_scoped3A : memref<!tpu.dma_semaphore, #tpu.memory_space<semaphore_mem>>)
      %dma_wait3A = arith.constant 0 : i32
      %dma_wait3A_51 = tpu.memref_slice %arg3[%add3A_33, %dma_wait3A] : memref<2560x128xi32, #tpu.memory_space<hbm>> -> memref<40x128xi32, #tpu.memory_space<hbm>>
      %dma_wait3A_52 = arith.constant 0 : i32
      %dma_wait3A_53 = tpu.memref_slice %arg3[%add3A_33, %dma_wait3A_52] : memref<2560x128xi32, #tpu.memory_space<hbm>> -> memref<40x128xi32, #tpu.memory_space<hbm>>
      tpu.wait_dma2 semaphore(%run_scoped3A : memref<!tpu.dma_semaphore, #tpu.memory_space<semaphore_mem>>) src(%dma_wait3A_53 : memref<40x128xi32, #tpu.memory_space<hbm>>) dst(%arg8 : memref<40x128xi32, #tpu.memory_space<vmem>>)
      tpu.yield
    }) : () -> ()
    %scan3A_34 = arith.constant 0 : i32
    %scan3A_35 = arith.constant 0 : i32
    %scan3A_36 = arith.constant 20 : i32
    %scan3A_37 = arith.addi %scan3A_35, %scan3A_36 : i32
    %scan3A_38 = arith.constant 1 : i32
    scf.for %scan3A_48 = %scan3A_35 to %scan3A_37 step %scan3A_38  : i32 {
      %mul3A_49 = arith.constant 2 : i32
      %mul3A_50 = arith.muli %scan3A_48, %mul3A_49 : i32
      %add3A_51 = arith.addi %add3A_33, %mul3A_50 : i32
      %mul3A_52 = arith.constant 128 : i32
      %mul3A_53 = arith.muli %add3A_51, %mul3A_52 : i32
      %dma_start3A = tpu.memref_slice %arg4[%mul3A_53] : memref<327680xi32, #tpu.memory_space<hbm>> -> memref<128xi32, #tpu.memory_space<hbm>>
      %dma_start3A_54 = tpu.memref_slice %arg4[%mul3A_53] : memref<327680xi32, #tpu.memory_space<hbm>> -> memref<128xi32, #tpu.memory_space<hbm>>
      tpu.enqueue_dma source(%dma_start3A_54 : memref<128xi32, #tpu.memory_space<hbm>>) target(%arg9 : memref<128xi32, #tpu.memory_space<vmem>>) target_semaphore(%arg15 : memref<!tpu.dma_semaphore, #tpu.memory_space<semaphore_mem>>)
      %add3A_55 = arith.constant 128 : i32
      %add3A_56 = arith.addi %mul3A_53, %add3A_55 : i32
      %dma_start3A_57 = tpu.memref_slice %arg4[%add3A_56] : memref<327680xi32, #tpu.memory_space<hbm>> -> memref<128xi32, #tpu.memory_space<hbm>>
      %dma_start3A_58 = tpu.memref_slice %arg4[%add3A_56] : memref<327680xi32, #tpu.memory_space<hbm>> -> memref<128xi32, #tpu.memory_space<hbm>>
      tpu.enqueue_dma source(%dma_start3A_58 : memref<128xi32, #tpu.memory_space<hbm>>) target(%arg10 : memref<128xi32, #tpu.memory_space<vmem>>) target_semaphore(%arg16 : memref<!tpu.dma_semaphore, #tpu.memory_space<semaphore_mem>>)
      %dma_start3A_59 = arith.constant 0 : i32
      %dma_start3A_60 = tpu.memref_slice %arg8[%mul3A_50, %dma_start3A_59] : memref<40x128xi32, #tpu.memory_space<vmem>> -> memref<1x128xi32, #tpu.memory_space<vmem>>
      %dma_start3A_61 = tpu.memref_squeeze %dma_start3A_60 : memref<1x128xi32, #tpu.memory_space<vmem>> -> memref<128xi32, #tpu.memory_space<vmem>>
      %dma_start3A_62 = arith.constant 0 : i32
      %dma_start3A_63 = arith.constant 0 : i32
      %dma_start3A_64 = tpu.memref_slice %arg2[%dma_start3A_62, %dma_start3A_63] : memref<10000x128xf32, #tpu.memory_space<hbm>> -> memref<10000x128xf32, #tpu.memory_space<hbm>>
      tpu.enqueue_indirect_dma source(%dma_start3A_64 : memref<10000x128xf32, #tpu.memory_space<hbm>>) target(%arg11 : memref<128x128xf32, #tpu.memory_space<vmem>>) offsets(%dma_start3A_61 : memref<128xi32, #tpu.memory_space<vmem>>) semaphore(%arg13 : memref<!tpu.dma_semaphore, #tpu.memory_space<semaphore_mem>>)
      %add3A_65 = arith.constant 1 : i32
      %add3A_66 = arith.addi %mul3A_50, %add3A_65 : i32
      %dma_start3A_67 = arith.constant 0 : i32
      %dma_start3A_68 = tpu.memref_slice %arg8[%add3A_66, %dma_start3A_67] : memref<40x128xi32, #tpu.memory_space<vmem>> -> memref<1x128xi32, #tpu.memory_space<vmem>>
      %dma_start3A_69 = tpu.memref_squeeze %dma_start3A_68 : memref<1x128xi32, #tpu.memory_space<vmem>> -> memref<128xi32, #tpu.memory_space<vmem>>
      %dma_start3A_70 = arith.constant 0 : i32
      %dma_start3A_71 = arith.constant 0 : i32
      %dma_start3A_72 = tpu.memref_slice %arg2[%dma_start3A_70, %dma_start3A_71] : memref<10000x128xf32, #tpu.memory_space<hbm>> -> memref<10000x128xf32, #tpu.memory_space<hbm>>
      tpu.enqueue_indirect_dma source(%dma_start3A_72 : memref<10000x128xf32, #tpu.memory_space<hbm>>) target(%arg12 : memref<128x128xf32, #tpu.memory_space<vmem>>) offsets(%dma_start3A_69 : memref<128xi32, #tpu.memory_space<vmem>>) semaphore(%arg14 : memref<!tpu.dma_semaphore, #tpu.memory_space<semaphore_mem>>)
      %dma_wait3A = tpu.memref_slice %arg4[%mul3A_53] : memref<327680xi32, #tpu.memory_space<hbm>> -> memref<128xi32, #tpu.memory_space<hbm>>
      %dma_wait3A_73 = tpu.memref_slice %arg4[%mul3A_53] : memref<327680xi32, #tpu.memory_space<hbm>> -> memref<128xi32, #tpu.memory_space<hbm>>
      tpu.wait_dma2 semaphore(%arg15 : memref<!tpu.dma_semaphore, #tpu.memory_space<semaphore_mem>>) src(%dma_wait3A_73 : memref<128xi32, #tpu.memory_space<hbm>>) dst(%arg9 : memref<128xi32, #tpu.memory_space<vmem>>)
      %dma_wait3A_74 = arith.constant 0 : i32
      %dma_wait3A_75 = tpu.memref_slice %arg8[%mul3A_50, %dma_wait3A_74] : memref<40x128xi32, #tpu.memory_space<vmem>> -> memref<1x128xi32, #tpu.memory_space<vmem>>
      %dma_wait3A_76 = tpu.memref_squeeze %dma_wait3A_75 : memref<1x128xi32, #tpu.memory_space<vmem>> -> memref<128xi32, #tpu.memory_space<vmem>>
      %dma_wait3A_77 = arith.constant 0 : i32
      %dma_wait3A_78 = arith.constant 0 : i32
      %dma_wait3A_79 = tpu.memref_slice %arg2[%dma_wait3A_77, %dma_wait3A_78] : memref<10000x128xf32, #tpu.memory_space<hbm>> -> memref<10000x128xf32, #tpu.memory_space<hbm>>
      tpu.wait_indirect_dma semaphore(%arg13 : memref<!tpu.dma_semaphore, #tpu.memory_space<semaphore_mem>>) src(%dma_wait3A_79 : memref<10000x128xf32, #tpu.memory_space<hbm>>) dst(%arg11 : memref<128x128xf32, #tpu.memory_space<vmem>>)
      "tpu.region"() ({
        %run_scoped3A = tpu.sem_alloc : memref<!tpu.dma_semaphore, #tpu.memory_space<semaphore_mem>>
        %dma_start3A_88 = arith.constant 0 : i32
        %dma_start3A_89 = arith.constant 0 : i32
        %dma_start3A_90 = tpu.memref_slice %arg17[%dma_start3A_88, %dma_start3A_89] : memref<10240x128xf32, #tpu.memory_space<vmem_shared>> -> memref<10240x128xf32, #tpu.memory_space<vmem_shared>>
        tpu.enqueue_indirect_dma source(%arg11 : memref<128x128xf32, #tpu.memory_space<vmem>>) target(%dma_start3A_90 : memref<10240x128xf32, #tpu.memory_space<vmem_shared>>) offsets(%arg9 : memref<128xi32, #tpu.memory_space<vmem>>) semaphore(%run_scoped3A : memref<!tpu.dma_semaphore, #tpu.memory_space<semaphore_mem>>) {add = true}
        %dma_wait3A_91 = arith.constant 0 : i32
        %dma_wait3A_92 = arith.constant 0 : i32
        %dma_wait3A_93 = tpu.memref_slice %arg17[%dma_wait3A_91, %dma_wait3A_92] : memref<10240x128xf32, #tpu.memory_space<vmem_shared>> -> memref<10240x128xf32, #tpu.memory_space<vmem_shared>>
        tpu.wait_indirect_dma semaphore(%run_scoped3A : memref<!tpu.dma_semaphore, #tpu.memory_space<semaphore_mem>>) src(%arg11 : memref<128x128xf32, #tpu.memory_space<vmem>>) dst(%dma_wait3A_93 : memref<10240x128xf32, #tpu.memory_space<vmem_shared>>)
        tpu.yield
      }) : () -> ()
      %dma_wait3A_80 = tpu.memref_slice %arg4[%add3A_56] : memref<327680xi32, #tpu.memory_space<hbm>> -> memref<128xi32, #tpu.memory_space<hbm>>
      %dma_wait3A_81 = tpu.memref_slice %arg4[%add3A_56] : memref<327680xi32, #tpu.memory_space<hbm>> -> memref<128xi32, #tpu.memory_space<hbm>>
      tpu.wait_dma2 semaphore(%arg16 : memref<!tpu.dma_semaphore, #tpu.memory_space<semaphore_mem>>) src(%dma_wait3A_81 : memref<128xi32, #tpu.memory_space<hbm>>) dst(%arg10 : memref<128xi32, #tpu.memory_space<vmem>>)
      %dma_wait3A_82 = arith.constant 0 : i32
      %dma_wait3A_83 = tpu.memref_slice %arg8[%add3A_66, %dma_wait3A_82] : memref<40x128xi32, #tpu.memory_space<vmem>> -> memref<1x128xi32, #tpu.memory_space<vmem>>
      %dma_wait3A_84 = tpu.memref_squeeze %dma_wait3A_83 : memref<1x128xi32, #tpu.memory_space<vmem>> -> memref<128xi32, #tpu.memory_space<vmem>>
      %dma_wait3A_85 = arith.constant 0 : i32
      %dma_wait3A_86 = arith.constant 0 : i32
      %dma_wait3A_87 = tpu.memref_slice %arg2[%dma_wait3A_85, %dma_wait3A_86] : memref<10000x128xf32, #tpu.memory_space<hbm>> -> memref<10000x128xf32, #tpu.memory_space<hbm>>
      tpu.wait_indirect_dma semaphore(%arg14 : memref<!tpu.dma_semaphore, #tpu.memory_space<semaphore_mem>>) src(%dma_wait3A_87 : memref<10000x128xf32, #tpu.memory_space<hbm>>) dst(%arg12 : memref<128x128xf32, #tpu.memory_space<vmem>>)
      "tpu.region"() ({
        %run_scoped3A = tpu.sem_alloc : memref<!tpu.dma_semaphore, #tpu.memory_space<semaphore_mem>>
        %dma_start3A_88 = arith.constant 0 : i32
        %dma_start3A_89 = arith.constant 0 : i32
        %dma_start3A_90 = tpu.memref_slice %arg17[%dma_start3A_88, %dma_start3A_89] : memref<10240x128xf32, #tpu.memory_space<vmem_shared>> -> memref<10240x128xf32, #tpu.memory_space<vmem_shared>>
        tpu.enqueue_indirect_dma source(%arg12 : memref<128x128xf32, #tpu.memory_space<vmem>>) target(%dma_start3A_90 : memref<10240x128xf32, #tpu.memory_space<vmem_shared>>) offsets(%arg10 : memref<128xi32, #tpu.memory_space<vmem>>) semaphore(%run_scoped3A : memref<!tpu.dma_semaphore, #tpu.memory_space<semaphore_mem>>) {add = true}
        %dma_wait3A_91 = arith.constant 0 : i32
        %dma_wait3A_92 = arith.constant 0 : i32
        %dma_wait3A_93 = tpu.memref_slice %arg17[%dma_wait3A_91, %dma_wait3A_92] : memref<10240x128xf32, #tpu.memory_space<vmem_shared>> -> memref<10240x128xf32, #tpu.memory_space<vmem_shared>>
        tpu.wait_indirect_dma semaphore(%run_scoped3A : memref<!tpu.dma_semaphore, #tpu.memory_space<semaphore_mem>>) src(%arg12 : memref<128x128xf32, #tpu.memory_space<vmem>>) dst(%dma_wait3A_93 : memref<10240x128xf32, #tpu.memory_space<vmem_shared>>)
        tpu.yield
      }) : () -> ()
    }
    %scan3A_39 = arith.constant 20 : i32
    %barrier3A_40 = arith.constant 0 : index
    tpu.barrier barrier_id(%barrier3A_40)
    %eq3A = arith.constant 0 : i32
    %eq3A_41 = arith.cmpi eq, %arg0, %eq3A : i32
    %convert_element_type3A = arith.extui %eq3A_41 : i1 to i32
    %cond3A = arith.constant 0 : i32
    %cond3A_42 = arith.cmpi ne, %convert_element_type3A, %cond3A : i32
    scf.if %cond3A_42 {
      %mul3A_48 = arith.constant 640 : i32
      %mul3A_49 = arith.muli %arg1, %mul3A_48 : i32
      %add3A_50 = arith.constant 0 : i32
      %add3A_51 = arith.addi %mul3A_49, %add3A_50 : i32
      "tpu.region"() ({
        %run_scoped3A = tpu.sem_alloc : memref<!tpu.dma_semaphore, #tpu.memory_space<semaphore_mem>>
        %dma_start3A = arith.constant 0 : i32
        %dma_start3A_68 = tpu.memref_slice %arg17[%add3A_51, %dma_start3A] : memref<10240x128xf32, #tpu.memory_space<vmem_shared>> -> memref<128x128xf32, #tpu.memory_space<vmem_shared>>
        %dma_start3A_69 = arith.constant 0 : i32
        %dma_start3A_70 = tpu.memref_slice %arg17[%add3A_51, %dma_start3A_69] : memref<10240x128xf32, #tpu.memory_space<vmem_shared>> -> memref<128x128xf32, #tpu.memory_space<vmem_shared>>
        tpu.enqueue_dma source(%dma_start3A_70 : memref<128x128xf32, #tpu.memory_space<vmem_shared>>) target(%arg11 : memref<128x128xf32, #tpu.memory_space<vmem>>) target_semaphore(%run_scoped3A : memref<!tpu.dma_semaphore, #tpu.memory_space<semaphore_mem>>)
        %dma_wait3A = arith.constant 0 : i32
        %dma_wait3A_71 = tpu.memref_slice %arg17[%add3A_51, %dma_wait3A] : memref<10240x128xf32, #tpu.memory_space<vmem_shared>> -> memref<128x128xf32, #tpu.memory_space<vmem_shared>>
        %dma_wait3A_72 = arith.constant 0 : i32
        %dma_wait3A_73 = tpu.memref_slice %arg17[%add3A_51, %dma_wait3A_72] : memref<10240x128xf32, #tpu.memory_space<vmem_shared>> -> memref<128x128xf32, #tpu.memory_space<vmem_shared>>
        tpu.wait_dma2 semaphore(%run_scoped3A : memref<!tpu.dma_semaphore, #tpu.memory_space<semaphore_mem>>) src(%dma_wait3A_73 : memref<128x128xf32, #tpu.memory_space<vmem_shared>>) dst(%arg11 : memref<128x128xf32, #tpu.memory_space<vmem>>)
        tpu.yield
      }) : () -> ()
      "tpu.region"() ({
        %run_scoped3A = tpu.sem_alloc : memref<!tpu.dma_semaphore, #tpu.memory_space<semaphore_mem>>
        %dma_start3A = arith.constant 0 : i32
        %dma_start3A_68 = tpu.memref_slice %arg6[%add3A_51, %dma_start3A] : memref<10240x128xf32, #tpu.memory_space<hbm>> -> memref<128x128xf32, #tpu.memory_space<hbm>>
        %dma_start3A_69 = arith.constant 0 : i32
        %dma_start3A_70 = tpu.memref_slice %arg6[%add3A_51, %dma_start3A_69] : memref<10240x128xf32, #tpu.memory_space<hbm>> -> memref<128x128xf32, #tpu.memory_space<hbm>>
        tpu.enqueue_dma source(%arg11 : memref<128x128xf32, #tpu.memory_space<vmem>>) target(%dma_start3A_70 : memref<128x128xf32, #tpu.memory_space<hbm>>) target_semaphore(%run_scoped3A : memref<!tpu.dma_semaphore, #tpu.memory_space<semaphore_mem>>)
        %dma_wait3A = arith.constant 0 : i32
        %dma_wait3A_71 = tpu.memref_slice %arg6[%add3A_51, %dma_wait3A] : memref<10240x128xf32, #tpu.memory_space<hbm>> -> memref<128x128xf32, #tpu.memory_space<hbm>>
        %dma_wait3A_72 = arith.constant 0 : i32
        %dma_wait3A_73 = tpu.memref_slice %arg6[%add3A_51, %dma_wait3A_72] : memref<10240x128xf32, #tpu.memory_space<hbm>> -> memref<128x128xf32, #tpu.memory_space<hbm>>
        tpu.wait_dma2 semaphore(%run_scoped3A : memref<!tpu.dma_semaphore, #tpu.memory_space<semaphore_mem>>) src(%arg11 : memref<128x128xf32, #tpu.memory_space<vmem>>) dst(%dma_wait3A_73 : memref<128x128xf32, #tpu.memory_space<hbm>>)
        tpu.yield
      }) : () -> ()
      %mul3A_52 = arith.constant 640 : i32
      %mul3A_53 = arith.muli %arg1, %mul3A_52 : i32
      %add3A_54 = arith.constant 128 : i32
      %add3A_55 = arith.addi %mul3A_53, %add3A_54 : i32
      "tpu.region"() ({
        %run_scoped3A = tpu.sem_alloc : memref<!tpu.dma_semaphore, #tpu.memory_space<semaphore_mem>>
        %dma_start3A = arith.constant 0 : i32
        %dma_start3A_68 = tpu.memref_slice %arg17[%add3A_55, %dma_start3A] : memref<10240x128xf32, #tpu.memory_space<vmem_shared>> -> memref<128x128xf32, #tpu.memory_space<vmem_shared>>
        %dma_start3A_69 = arith.constant 0 : i32
        %dma_start3A_70 = tpu.memref_slice %arg17[%add3A_55, %dma_start3A_69] : memref<10240x128xf32, #tpu.memory_space<vmem_shared>> -> memref<128x128xf32, #tpu.memory_space<vmem_shared>>
        tpu.enqueue_dma source(%dma_start3A_70 : memref<128x128xf32, #tpu.memory_space<vmem_shared>>) target(%arg11 : memref<128x128xf32, #tpu.memory_space<vmem>>) target_semaphore(%run_scoped3A : memref<!tpu.dma_semaphore, #tpu.memory_space<semaphore_mem>>)
        %dma_wait3A = arith.constant 0 : i32
        %dma_wait3A_71 = tpu.memref_slice %arg17[%add3A_55, %dma_wait3A] : memref<10240x128xf32, #tpu.memory_space<vmem_shared>> -> memref<128x128xf32, #tpu.memory_space<vmem_shared>>
        %dma_wait3A_72 = arith.constant 0 : i32
        %dma_wait3A_73 = tpu.memref_slice %arg17[%add3A_55, %dma_wait3A_72] : memref<10240x128xf32, #tpu.memory_space<vmem_shared>> -> memref<128x128xf32, #tpu.memory_space<vmem_shared>>
        tpu.wait_dma2 semaphore(%run_scoped3A : memref<!tpu.dma_semaphore, #tpu.memory_space<semaphore_mem>>) src(%dma_wait3A_73 : memref<128x128xf32, #tpu.memory_space<vmem_shared>>) dst(%arg11 : memref<128x128xf32, #tpu.memory_space<vmem>>)
        tpu.yield
      }) : () -> ()
      "tpu.region"() ({
        %run_scoped3A = tpu.sem_alloc : memref<!tpu.dma_semaphore, #tpu.memory_space<semaphore_mem>>
        %dma_start3A = arith.constant 0 : i32
        %dma_start3A_68 = tpu.memref_slice %arg6[%add3A_55, %dma_start3A] : memref<10240x128xf32, #tpu.memory_space<hbm>> -> memref<128x128xf32, #tpu.memory_space<hbm>>
        %dma_start3A_69 = arith.constant 0 : i32
        %dma_start3A_70 = tpu.memref_slice %arg6[%add3A_55, %dma_start3A_69] : memref<10240x128xf32, #tpu.memory_space<hbm>> -> memref<128x128xf32, #tpu.memory_space<hbm>>
        tpu.enqueue_dma source(%arg11 : memref<128x128xf32, #tpu.memory_space<vmem>>) target(%dma_start3A_70 : memref<128x128xf32, #tpu.memory_space<hbm>>) target_semaphore(%run_scoped3A : memref<!tpu.dma_semaphore, #tpu.memory_space<semaphore_mem>>)
        %dma_wait3A = arith.constant 0 : i32
        %dma_wait3A_71 = tpu.memref_slice %arg6[%add3A_55, %dma_wait3A] : memref<10240x128xf32, #tpu.memory_space<hbm>> -> memref<128x128xf32, #tpu.memory_space<hbm>>
        %dma_wait3A_72 = arith.constant 0 : i32
        %dma_wait3A_73 = tpu.memref_slice %arg6[%add3A_55, %dma_wait3A_72] : memref<10240x128xf32, #tpu.memory_space<hbm>> -> memref<128x128xf32, #tpu.memory_space<hbm>>
        tpu.wait_dma2 semaphore(%run_scoped3A : memref<!tpu.dma_semaphore, #tpu.memory_space<semaphore_mem>>) src(%arg11 : memref<128x128xf32, #tpu.memory_space<vmem>>) dst(%dma_wait3A_73 : memref<128x128xf32, #tpu.memory_space<hbm>>)
        tpu.yield
      }) : () -> ()
      %mul3A_56 = arith.constant 640 : i32
      %mul3A_57 = arith.muli %arg1, %mul3A_56 : i32
      %add3A_58 = arith.constant 256 : i32
      %add3A_59 = arith.addi %mul3A_57, %add3A_58 : i32
      "tpu.region"() ({
        %run_scoped3A = tpu.sem_alloc : memref<!tpu.dma_semaphore, #tpu.memory_space<semaphore_mem>>
        %dma_start3A = arith.constant 0 : i32
        %dma_start3A_68 = tpu.memref_slice %arg17[%add3A_59, %dma_start3A] : memref<10240x128xf32, #tpu.memory_space<vmem_shared>> -> memref<128x128xf32, #tpu.memory_space<vmem_shared>>
        %dma_start3A_69 = arith.constant 0 : i32
        %dma_start3A_70 = tpu.memref_slice %arg17[%add3A_59, %dma_start3A_69] : memref<10240x128xf32, #tpu.memory_space<vmem_shared>> -> memref<128x128xf32, #tpu.memory_space<vmem_shared>>
        tpu.enqueue_dma source(%dma_start3A_70 : memref<128x128xf32, #tpu.memory_space<vmem_shared>>) target(%arg11 : memref<128x128xf32, #tpu.memory_space<vmem>>) target_semaphore(%run_scoped3A : memref<!tpu.dma_semaphore, #tpu.memory_space<semaphore_mem>>)
        %dma_wait3A = arith.constant 0 : i32
        %dma_wait3A_71 = tpu.memref_slice %arg17[%add3A_59, %dma_wait3A] : memref<10240x128xf32, #tpu.memory_space<vmem_shared>> -> memref<128x128xf32, #tpu.memory_space<vmem_shared>>
        %dma_wait3A_72 = arith.constant 0 : i32
        %dma_wait3A_73 = tpu.memref_slice %arg17[%add3A_59, %dma_wait3A_72] : memref<10240x128xf32, #tpu.memory_space<vmem_shared>> -> memref<128x128xf32, #tpu.memory_space<vmem_shared>>
        tpu.wait_dma2 semaphore(%run_scoped3A : memref<!tpu.dma_semaphore, #tpu.memory_space<semaphore_mem>>) src(%dma_wait3A_73 : memref<128x128xf32, #tpu.memory_space<vmem_shared>>) dst(%arg11 : memref<128x128xf32, #tpu.memory_space<vmem>>)
        tpu.yield
      }) : () -> ()
      "tpu.region"() ({
        %run_scoped3A = tpu.sem_alloc : memref<!tpu.dma_semaphore, #tpu.memory_space<semaphore_mem>>
        %dma_start3A = arith.constant 0 : i32
        %dma_start3A_68 = tpu.memref_slice %arg6[%add3A_59, %dma_start3A] : memref<10240x128xf32, #tpu.memory_space<hbm>> -> memref<128x128xf32, #tpu.memory_space<hbm>>
        %dma_start3A_69 = arith.constant 0 : i32
        %dma_start3A_70 = tpu.memref_slice %arg6[%add3A_59, %dma_start3A_69] : memref<10240x128xf32, #tpu.memory_space<hbm>> -> memref<128x128xf32, #tpu.memory_space<hbm>>
        tpu.enqueue_dma source(%arg11 : memref<128x128xf32, #tpu.memory_space<vmem>>) target(%dma_start3A_70 : memref<128x128xf32, #tpu.memory_space<hbm>>) target_semaphore(%run_scoped3A : memref<!tpu.dma_semaphore, #tpu.memory_space<semaphore_mem>>)
        %dma_wait3A = arith.constant 0 : i32
        %dma_wait3A_71 = tpu.memref_slice %arg6[%add3A_59, %dma_wait3A] : memref<10240x128xf32, #tpu.memory_space<hbm>> -> memref<128x128xf32, #tpu.memory_space<hbm>>
        %dma_wait3A_72 = arith.constant 0 : i32
        %dma_wait3A_73 = tpu.memref_slice %arg6[%add3A_59, %dma_wait3A_72] : memref<10240x128xf32, #tpu.memory_space<hbm>> -> memref<128x128xf32, #tpu.memory_space<hbm>>
        tpu.wait_dma2 semaphore(%run_scoped3A : memref<!tpu.dma_semaphore, #tpu.memory_space<semaphore_mem>>) src(%arg11 : memref<128x128xf32, #tpu.memory_space<vmem>>) dst(%dma_wait3A_73 : memref<128x128xf32, #tpu.memory_space<hbm>>)
        tpu.yield
      }) : () -> ()
      %mul3A_60 = arith.constant 640 : i32
      %mul3A_61 = arith.muli %arg1, %mul3A_60 : i32
      %add3A_62 = arith.constant 384 : i32
      %add3A_63 = arith.addi %mul3A_61, %add3A_62 : i32
      "tpu.region"() ({
        %run_scoped3A = tpu.sem_alloc : memref<!tpu.dma_semaphore, #tpu.memory_space<semaphore_mem>>
        %dma_start3A = arith.constant 0 : i32
        %dma_start3A_68 = tpu.memref_slice %arg17[%add3A_63, %dma_start3A] : memref<10240x128xf32, #tpu.memory_space<vmem_shared>> -> memref<128x128xf32, #tpu.memory_space<vmem_shared>>
        %dma_start3A_69 = arith.constant 0 : i32
        %dma_start3A_70 = tpu.memref_slice %arg17[%add3A_63, %dma_start3A_69] : memref<10240x128xf32, #tpu.memory_space<vmem_shared>> -> memref<128x128xf32, #tpu.memory_space<vmem_shared>>
        tpu.enqueue_dma source(%dma_start3A_70 : memref<128x128xf32, #tpu.memory_space<vmem_shared>>) target(%arg11 : memref<128x128xf32, #tpu.memory_space<vmem>>) target_semaphore(%run_scoped3A : memref<!tpu.dma_semaphore, #tpu.memory_space<semaphore_mem>>)
        %dma_wait3A = arith.constant 0 : i32
        %dma_wait3A_71 = tpu.memref_slice %arg17[%add3A_63, %dma_wait3A] : memref<10240x128xf32, #tpu.memory_space<vmem_shared>> -> memref<128x128xf32, #tpu.memory_space<vmem_shared>>
        %dma_wait3A_72 = arith.constant 0 : i32
        %dma_wait3A_73 = tpu.memref_slice %arg17[%add3A_63, %dma_wait3A_72] : memref<10240x128xf32, #tpu.memory_space<vmem_shared>> -> memref<128x128xf32, #tpu.memory_space<vmem_shared>>
        tpu.wait_dma2 semaphore(%run_scoped3A : memref<!tpu.dma_semaphore, #tpu.memory_space<semaphore_mem>>) src(%dma_wait3A_73 : memref<128x128xf32, #tpu.memory_space<vmem_shared>>) dst(%arg11 : memref<128x128xf32, #tpu.memory_space<vmem>>)
        tpu.yield
      }) : () -> ()
      "tpu.region"() ({
        %run_scoped3A = tpu.sem_alloc : memref<!tpu.dma_semaphore, #tpu.memory_space<semaphore_mem>>
        %dma_start3A = arith.constant 0 : i32
        %dma_start3A_68 = tpu.memref_slice %arg6[%add3A_63, %dma_start3A] : memref<10240x128xf32, #tpu.memory_space<hbm>> -> memref<128x128xf32, #tpu.memory_space<hbm>>
        %dma_start3A_69 = arith.constant 0 : i32
        %dma_start3A_70 = tpu.memref_slice %arg6[%add3A_63, %dma_start3A_69] : memref<10240x128xf32, #tpu.memory_space<hbm>> -> memref<128x128xf32, #tpu.memory_space<hbm>>
        tpu.enqueue_dma source(%arg11 : memref<128x128xf32, #tpu.memory_space<vmem>>) target(%dma_start3A_70 : memref<128x128xf32, #tpu.memory_space<hbm>>) target_semaphore(%run_scoped3A : memref<!tpu.dma_semaphore, #tpu.memory_space<semaphore_mem>>)
        %dma_wait3A = arith.constant 0 : i32
        %dma_wait3A_71 = tpu.memref_slice %arg6[%add3A_63, %dma_wait3A] : memref<10240x128xf32, #tpu.memory_space<hbm>> -> memref<128x128xf32, #tpu.memory_space<hbm>>
        %dma_wait3A_72 = arith.constant 0 : i32
        %dma_wait3A_73 = tpu.memref_slice %arg6[%add3A_63, %dma_wait3A_72] : memref<10240x128xf32, #tpu.memory_space<hbm>> -> memref<128x128xf32, #tpu.memory_space<hbm>>
        tpu.wait_dma2 semaphore(%run_scoped3A : memref<!tpu.dma_semaphore, #tpu.memory_space<semaphore_mem>>) src(%arg11 : memref<128x128xf32, #tpu.memory_space<vmem>>) dst(%dma_wait3A_73 : memref<128x128xf32, #tpu.memory_space<hbm>>)
        tpu.yield
      }) : () -> ()
      %mul3A_64 = arith.constant 640 : i32
      %mul3A_65 = arith.muli %arg1, %mul3A_64 : i32
      %add3A_66 = arith.constant 512 : i32
      %add3A_67 = arith.addi %mul3A_65, %add3A_66 : i32
      "tpu.region"() ({
        %run_scoped3A = tpu.sem_alloc : memref<!tpu.dma_semaphore, #tpu.memory_space<semaphore_mem>>
        %dma_start3A = arith.constant 0 : i32
        %dma_start3A_68 = tpu.memref_slice %arg17[%add3A_67, %dma_start3A] : memref<10240x128xf32, #tpu.memory_space<vmem_shared>> -> memref<128x128xf32, #tpu.memory_space<vmem_shared>>
        %dma_start3A_69 = arith.constant 0 : i32
        %dma_start3A_70 = tpu.memref_slice %arg17[%add3A_67, %dma_start3A_69] : memref<10240x128xf32, #tpu.memory_space<vmem_shared>> -> memref<128x128xf32, #tpu.memory_space<vmem_shared>>
        tpu.enqueue_dma source(%dma_start3A_70 : memref<128x128xf32, #tpu.memory_space<vmem_shared>>) target(%arg11 : memref<128x128xf32, #tpu.memory_space<vmem>>) target_semaphore(%run_scoped3A : memref<!tpu.dma_semaphore, #tpu.memory_space<semaphore_mem>>)
        %dma_wait3A = arith.constant 0 : i32
        %dma_wait3A_71 = tpu.memref_slice %arg17[%add3A_67, %dma_wait3A] : memref<10240x128xf32, #tpu.memory_space<vmem_shared>> -> memref<128x128xf32, #tpu.memory_space<vmem_shared>>
        %dma_wait3A_72 = arith.constant 0 : i32
        %dma_wait3A_73 = tpu.memref_slice %arg17[%add3A_67, %dma_wait3A_72] : memref<10240x128xf32, #tpu.memory_space<vmem_shared>> -> memref<128x128xf32, #tpu.memory_space<vmem_shared>>
        tpu.wait_dma2 semaphore(%run_scoped3A : memref<!tpu.dma_semaphore, #tpu.memory_space<semaphore_mem>>) src(%dma_wait3A_73 : memref<128x128xf32, #tpu.memory_space<vmem_shared>>) dst(%arg11 : memref<128x128xf32, #tpu.memory_space<vmem>>)
        tpu.yield
      }) : () -> ()
      "tpu.region"() ({
        %run_scoped3A = tpu.sem_alloc : memref<!tpu.dma_semaphore, #tpu.memory_space<semaphore_mem>>
        %dma_start3A = arith.constant 0 : i32
        %dma_start3A_68 = tpu.memref_slice %arg6[%add3A_67, %dma_start3A] : memref<10240x128xf32, #tpu.memory_space<hbm>> -> memref<128x128xf32, #tpu.memory_space<hbm>>
        %dma_start3A_69 = arith.constant 0 : i32
        %dma_start3A_70 = tpu.memref_slice %arg6[%add3A_67, %dma_start3A_69] : memref<10240x128xf32, #tpu.memory_space<hbm>> -> memref<128x128xf32, #tpu.memory_space<hbm>>
        tpu.enqueue_dma source(%arg11 : memref<128x128xf32, #tpu.memory_space<vmem>>) target(%dma_start3A_70 : memref<128x128xf32, #tpu.memory_space<hbm>>) target_semaphore(%run_scoped3A : memref<!tpu.dma_semaphore, #tpu.memory_space<semaphore_mem>>)
        %dma_wait3A = arith.constant 0 : i32
        %dma_wait3A_71 = tpu.memref_slice %arg6[%add3A_67, %dma_wait3A] : memref<10240x128xf32, #tpu.memory_space<hbm>> -> memref<128x128xf32, #tpu.memory_space<hbm>>
        %dma_wait3A_72 = arith.constant 0 : i32
        %dma_wait3A_73 = tpu.memref_slice %arg6[%add3A_67, %dma_wait3A_72] : memref<10240x128xf32, #tpu.memory_space<hbm>> -> memref<128x128xf32, #tpu.memory_space<hbm>>
        tpu.wait_dma2 semaphore(%run_scoped3A : memref<!tpu.dma_semaphore, #tpu.memory_space<semaphore_mem>>) src(%arg11 : memref<128x128xf32, #tpu.memory_space<vmem>>) dst(%dma_wait3A_73 : memref<128x128xf32, #tpu.memory_space<hbm>>)
        tpu.yield
      }) : () -> ()
    } else {
    }
    %eq3A_43 = arith.constant 1 : i32
    %eq3A_44 = arith.cmpi eq, %arg0, %eq3A_43 : i32
    %convert_element_type3A_45 = arith.extui %eq3A_44 : i1 to i32
    %cond3A_46 = arith.constant 0 : i32
    %cond3A_47 = arith.cmpi ne, %convert_element_type3A_45, %cond3A_46 : i32
    scf.if %cond3A_47 {
      %mul3A_48 = arith.constant 640 : i32
      %mul3A_49 = arith.muli %arg1, %mul3A_48 : i32
      %add3A_50 = arith.constant 0 : i32
      %add3A_51 = arith.addi %mul3A_49, %add3A_50 : i32
      "tpu.region"() ({
        %run_scoped3A = tpu.sem_alloc : memref<!tpu.dma_semaphore, #tpu.memory_space<semaphore_mem>>
        %dma_start3A = arith.constant 0 : i32
        %dma_start3A_68 = tpu.memref_slice %arg17[%add3A_51, %dma_start3A] : memref<10240x128xf32, #tpu.memory_space<vmem_shared>> -> memref<128x128xf32, #tpu.memory_space<vmem_shared>>
        %dma_start3A_69 = arith.constant 0 : i32
        %dma_start3A_70 = tpu.memref_slice %arg17[%add3A_51, %dma_start3A_69] : memref<10240x128xf32, #tpu.memory_space<vmem_shared>> -> memref<128x128xf32, #tpu.memory_space<vmem_shared>>
        tpu.enqueue_dma source(%dma_start3A_70 : memref<128x128xf32, #tpu.memory_space<vmem_shared>>) target(%arg11 : memref<128x128xf32, #tpu.memory_space<vmem>>) target_semaphore(%run_scoped3A : memref<!tpu.dma_semaphore, #tpu.memory_space<semaphore_mem>>)
        %dma_wait3A = arith.constant 0 : i32
        %dma_wait3A_71 = tpu.memref_slice %arg17[%add3A_51, %dma_wait3A] : memref<10240x128xf32, #tpu.memory_space<vmem_shared>> -> memref<128x128xf32, #tpu.memory_space<vmem_shared>>
        %dma_wait3A_72 = arith.constant 0 : i32
        %dma_wait3A_73 = tpu.memref_slice %arg17[%add3A_51, %dma_wait3A_72] : memref<10240x128xf32, #tpu.memory_space<vmem_shared>> -> memref<128x128xf32, #tpu.memory_space<vmem_shared>>
        tpu.wait_dma2 semaphore(%run_scoped3A : memref<!tpu.dma_semaphore, #tpu.memory_space<semaphore_mem>>) src(%dma_wait3A_73 : memref<128x128xf32, #tpu.memory_space<vmem_shared>>) dst(%arg11 : memref<128x128xf32, #tpu.memory_space<vmem>>)
        tpu.yield
      }) : () -> ()
      "tpu.region"() ({
        %run_scoped3A = tpu.sem_alloc : memref<!tpu.dma_semaphore, #tpu.memory_space<semaphore_mem>>
        %dma_start3A = arith.constant 0 : i32
        %dma_start3A_68 = tpu.memref_slice %arg7[%add3A_51, %dma_start3A] : memref<10240x128xf32, #tpu.memory_space<hbm>> -> memref<128x128xf32, #tpu.memory_space<hbm>>
        %dma_start3A_69 = arith.constant 0 : i32
        %dma_start3A_70 = tpu.memref_slice %arg7[%add3A_51, %dma_start3A_69] : memref<10240x128xf32, #tpu.memory_space<hbm>> -> memref<128x128xf32, #tpu.memory_space<hbm>>
        tpu.enqueue_dma source(%arg11 : memref<128x128xf32, #tpu.memory_space<vmem>>) target(%dma_start3A_70 : memref<128x128xf32, #tpu.memory_space<hbm>>) target_semaphore(%run_scoped3A : memref<!tpu.dma_semaphore, #tpu.memory_space<semaphore_mem>>)
        %dma_wait3A = arith.constant 0 : i32
        %dma_wait3A_71 = tpu.memref_slice %arg7[%add3A_51, %dma_wait3A] : memref<10240x128xf32, #tpu.memory_space<hbm>> -> memref<128x128xf32, #tpu.memory_space<hbm>>
        %dma_wait3A_72 = arith.constant 0 : i32
        %dma_wait3A_73 = tpu.memref_slice %arg7[%add3A_51, %dma_wait3A_72] : memref<10240x128xf32, #tpu.memory_space<hbm>> -> memref<128x128xf32, #tpu.memory_space<hbm>>
        tpu.wait_dma2 semaphore(%run_scoped3A : memref<!tpu.dma_semaphore, #tpu.memory_space<semaphore_mem>>) src(%arg11 : memref<128x128xf32, #tpu.memory_space<vmem>>) dst(%dma_wait3A_73 : memref<128x128xf32, #tpu.memory_space<hbm>>)
        tpu.yield
      }) : () -> ()
      %mul3A_52 = arith.constant 640 : i32
      %mul3A_53 = arith.muli %arg1, %mul3A_52 : i32
      %add3A_54 = arith.constant 128 : i32
      %add3A_55 = arith.addi %mul3A_53, %add3A_54 : i32
      "tpu.region"() ({
        %run_scoped3A = tpu.sem_alloc : memref<!tpu.dma_semaphore, #tpu.memory_space<semaphore_mem>>
        %dma_start3A = arith.constant 0 : i32
        %dma_start3A_68 = tpu.memref_slice %arg17[%add3A_55, %dma_start3A] : memref<10240x128xf32, #tpu.memory_space<vmem_shared>> -> memref<128x128xf32, #tpu.memory_space<vmem_shared>>
        %dma_start3A_69 = arith.constant 0 : i32
        %dma_start3A_70 = tpu.memref_slice %arg17[%add3A_55, %dma_start3A_69] : memref<10240x128xf32, #tpu.memory_space<vmem_shared>> -> memref<128x128xf32, #tpu.memory_space<vmem_shared>>
        tpu.enqueue_dma source(%dma_start3A_70 : memref<128x128xf32, #tpu.memory_space<vmem_shared>>) target(%arg11 : memref<128x128xf32, #tpu.memory_space<vmem>>) target_semaphore(%run_scoped3A : memref<!tpu.dma_semaphore, #tpu.memory_space<semaphore_mem>>)
        %dma_wait3A = arith.constant 0 : i32
        %dma_wait3A_71 = tpu.memref_slice %arg17[%add3A_55, %dma_wait3A] : memref<10240x128xf32, #tpu.memory_space<vmem_shared>> -> memref<128x128xf32, #tpu.memory_space<vmem_shared>>
        %dma_wait3A_72 = arith.constant 0 : i32
        %dma_wait3A_73 = tpu.memref_slice %arg17[%add3A_55, %dma_wait3A_72] : memref<10240x128xf32, #tpu.memory_space<vmem_shared>> -> memref<128x128xf32, #tpu.memory_space<vmem_shared>>
        tpu.wait_dma2 semaphore(%run_scoped3A : memref<!tpu.dma_semaphore, #tpu.memory_space<semaphore_mem>>) src(%dma_wait3A_73 : memref<128x128xf32, #tpu.memory_space<vmem_shared>>) dst(%arg11 : memref<128x128xf32, #tpu.memory_space<vmem>>)
        tpu.yield
      }) : () -> ()
      "tpu.region"() ({
        %run_scoped3A = tpu.sem_alloc : memref<!tpu.dma_semaphore, #tpu.memory_space<semaphore_mem>>
        %dma_start3A = arith.constant 0 : i32
        %dma_start3A_68 = tpu.memref_slice %arg7[%add3A_55, %dma_start3A] : memref<10240x128xf32, #tpu.memory_space<hbm>> -> memref<128x128xf32, #tpu.memory_space<hbm>>
        %dma_start3A_69 = arith.constant 0 : i32
        %dma_start3A_70 = tpu.memref_slice %arg7[%add3A_55, %dma_start3A_69] : memref<10240x128xf32, #tpu.memory_space<hbm>> -> memref<128x128xf32, #tpu.memory_space<hbm>>
        tpu.enqueue_dma source(%arg11 : memref<128x128xf32, #tpu.memory_space<vmem>>) target(%dma_start3A_70 : memref<128x128xf32, #tpu.memory_space<hbm>>) target_semaphore(%run_scoped3A : memref<!tpu.dma_semaphore, #tpu.memory_space<semaphore_mem>>)
        %dma_wait3A = arith.constant 0 : i32
        %dma_wait3A_71 = tpu.memref_slice %arg7[%add3A_55, %dma_wait3A] : memref<10240x128xf32, #tpu.memory_space<hbm>> -> memref<128x128xf32, #tpu.memory_space<hbm>>
        %dma_wait3A_72 = arith.constant 0 : i32
        %dma_wait3A_73 = tpu.memref_slice %arg7[%add3A_55, %dma_wait3A_72] : memref<10240x128xf32, #tpu.memory_space<hbm>> -> memref<128x128xf32, #tpu.memory_space<hbm>>
        tpu.wait_dma2 semaphore(%run_scoped3A : memref<!tpu.dma_semaphore, #tpu.memory_space<semaphore_mem>>) src(%arg11 : memref<128x128xf32, #tpu.memory_space<vmem>>) dst(%dma_wait3A_73 : memref<128x128xf32, #tpu.memory_space<hbm>>)
        tpu.yield
      }) : () -> ()
      %mul3A_56 = arith.constant 640 : i32
      %mul3A_57 = arith.muli %arg1, %mul3A_56 : i32
      %add3A_58 = arith.constant 256 : i32
      %add3A_59 = arith.addi %mul3A_57, %add3A_58 : i32
      "tpu.region"() ({
        %run_scoped3A = tpu.sem_alloc : memref<!tpu.dma_semaphore, #tpu.memory_space<semaphore_mem>>
        %dma_start3A = arith.constant 0 : i32
        %dma_start3A_68 = tpu.memref_slice %arg17[%add3A_59, %dma_start3A] : memref<10240x128xf32, #tpu.memory_space<vmem_shared>> -> memref<128x128xf32, #tpu.memory_space<vmem_shared>>
        %dma_start3A_69 = arith.constant 0 : i32
        %dma_start3A_70 = tpu.memref_slice %arg17[%add3A_59, %dma_start3A_69] : memref<10240x128xf32, #tpu.memory_space<vmem_shared>> -> memref<128x128xf32, #tpu.memory_space<vmem_shared>>
        tpu.enqueue_dma source(%dma_start3A_70 : memref<128x128xf32, #tpu.memory_space<vmem_shared>>) target(%arg11 : memref<128x128xf32, #tpu.memory_space<vmem>>) target_semaphore(%run_scoped3A : memref<!tpu.dma_semaphore, #tpu.memory_space<semaphore_mem>>)
        %dma_wait3A = arith.constant 0 : i32
        %dma_wait3A_71 = tpu.memref_slice %arg17[%add3A_59, %dma_wait3A] : memref<10240x128xf32, #tpu.memory_space<vmem_shared>> -> memref<128x128xf32, #tpu.memory_space<vmem_shared>>
        %dma_wait3A_72 = arith.constant 0 : i32
        %dma_wait3A_73 = tpu.memref_slice %arg17[%add3A_59, %dma_wait3A_72] : memref<10240x128xf32, #tpu.memory_space<vmem_shared>> -> memref<128x128xf32, #tpu.memory_space<vmem_shared>>
        tpu.wait_dma2 semaphore(%run_scoped3A : memref<!tpu.dma_semaphore, #tpu.memory_space<semaphore_mem>>) src(%dma_wait3A_73 : memref<128x128xf32, #tpu.memory_space<vmem_shared>>) dst(%arg11 : memref<128x128xf32, #tpu.memory_space<vmem>>)
        tpu.yield
      }) : () -> ()
      "tpu.region"() ({
        %run_scoped3A = tpu.sem_alloc : memref<!tpu.dma_semaphore, #tpu.memory_space<semaphore_mem>>
        %dma_start3A = arith.constant 0 : i32
        %dma_start3A_68 = tpu.memref_slice %arg7[%add3A_59, %dma_start3A] : memref<10240x128xf32, #tpu.memory_space<hbm>> -> memref<128x128xf32, #tpu.memory_space<hbm>>
        %dma_start3A_69 = arith.constant 0 : i32
        %dma_start3A_70 = tpu.memref_slice %arg7[%add3A_59, %dma_start3A_69] : memref<10240x128xf32, #tpu.memory_space<hbm>> -> memref<128x128xf32, #tpu.memory_space<hbm>>
        tpu.enqueue_dma source(%arg11 : memref<128x128xf32, #tpu.memory_space<vmem>>) target(%dma_start3A_70 : memref<128x128xf32, #tpu.memory_space<hbm>>) target_semaphore(%run_scoped3A : memref<!tpu.dma_semaphore, #tpu.memory_space<semaphore_mem>>)
        %dma_wait3A = arith.constant 0 : i32
        %dma_wait3A_71 = tpu.memref_slice %arg7[%add3A_59, %dma_wait3A] : memref<10240x128xf32, #tpu.memory_space<hbm>> -> memref<128x128xf32, #tpu.memory_space<hbm>>
        %dma_wait3A_72 = arith.constant 0 : i32
        %dma_wait3A_73 = tpu.memref_slice %arg7[%add3A_59, %dma_wait3A_72] : memref<10240x128xf32, #tpu.memory_space<hbm>> -> memref<128x128xf32, #tpu.memory_space<hbm>>
        tpu.wait_dma2 semaphore(%run_scoped3A : memref<!tpu.dma_semaphore, #tpu.memory_space<semaphore_mem>>) src(%arg11 : memref<128x128xf32, #tpu.memory_space<vmem>>) dst(%dma_wait3A_73 : memref<128x128xf32, #tpu.memory_space<hbm>>)
        tpu.yield
      }) : () -> ()
      %mul3A_60 = arith.constant 640 : i32
      %mul3A_61 = arith.muli %arg1, %mul3A_60 : i32
      %add3A_62 = arith.constant 384 : i32
      %add3A_63 = arith.addi %mul3A_61, %add3A_62 : i32
      "tpu.region"() ({
        %run_scoped3A = tpu.sem_alloc : memref<!tpu.dma_semaphore, #tpu.memory_space<semaphore_mem>>
        %dma_start3A = arith.constant 0 : i32
        %dma_start3A_68 = tpu.memref_slice %arg17[%add3A_63, %dma_start3A] : memref<10240x128xf32, #tpu.memory_space<vmem_shared>> -> memref<128x128xf32, #tpu.memory_space<vmem_shared>>
        %dma_start3A_69 = arith.constant 0 : i32
        %dma_start3A_70 = tpu.memref_slice %arg17[%add3A_63, %dma_start3A_69] : memref<10240x128xf32, #tpu.memory_space<vmem_shared>> -> memref<128x128xf32, #tpu.memory_space<vmem_shared>>
        tpu.enqueue_dma source(%dma_start3A_70 : memref<128x128xf32, #tpu.memory_space<vmem_shared>>) target(%arg11 : memref<128x128xf32, #tpu.memory_space<vmem>>) target_semaphore(%run_scoped3A : memref<!tpu.dma_semaphore, #tpu.memory_space<semaphore_mem>>)
        %dma_wait3A = arith.constant 0 : i32
        %dma_wait3A_71 = tpu.memref_slice %arg17[%add3A_63, %dma_wait3A] : memref<10240x128xf32, #tpu.memory_space<vmem_shared>> -> memref<128x128xf32, #tpu.memory_space<vmem_shared>>
        %dma_wait3A_72 = arith.constant 0 : i32
        %dma_wait3A_73 = tpu.memref_slice %arg17[%add3A_63, %dma_wait3A_72] : memref<10240x128xf32, #tpu.memory_space<vmem_shared>> -> memref<128x128xf32, #tpu.memory_space<vmem_shared>>
        tpu.wait_dma2 semaphore(%run_scoped3A : memref<!tpu.dma_semaphore, #tpu.memory_space<semaphore_mem>>) src(%dma_wait3A_73 : memref<128x128xf32, #tpu.memory_space<vmem_shared>>) dst(%arg11 : memref<128x128xf32, #tpu.memory_space<vmem>>)
        tpu.yield
      }) : () -> ()
      "tpu.region"() ({
        %run_scoped3A = tpu.sem_alloc : memref<!tpu.dma_semaphore, #tpu.memory_space<semaphore_mem>>
        %dma_start3A = arith.constant 0 : i32
        %dma_start3A_68 = tpu.memref_slice %arg7[%add3A_63, %dma_start3A] : memref<10240x128xf32, #tpu.memory_space<hbm>> -> memref<128x128xf32, #tpu.memory_space<hbm>>
        %dma_start3A_69 = arith.constant 0 : i32
        %dma_start3A_70 = tpu.memref_slice %arg7[%add3A_63, %dma_start3A_69] : memref<10240x128xf32, #tpu.memory_space<hbm>> -> memref<128x128xf32, #tpu.memory_space<hbm>>
        tpu.enqueue_dma source(%arg11 : memref<128x128xf32, #tpu.memory_space<vmem>>) target(%dma_start3A_70 : memref<128x128xf32, #tpu.memory_space<hbm>>) target_semaphore(%run_scoped3A : memref<!tpu.dma_semaphore, #tpu.memory_space<semaphore_mem>>)
        %dma_wait3A = arith.constant 0 : i32
        %dma_wait3A_71 = tpu.memref_slice %arg7[%add3A_63, %dma_wait3A] : memref<10240x128xf32, #tpu.memory_space<hbm>> -> memref<128x128xf32, #tpu.memory_space<hbm>>
        %dma_wait3A_72 = arith.constant 0 : i32
        %dma_wait3A_73 = tpu.memref_slice %arg7[%add3A_63, %dma_wait3A_72] : memref<10240x128xf32, #tpu.memory_space<hbm>> -> memref<128x128xf32, #tpu.memory_space<hbm>>
        tpu.wait_dma2 semaphore(%run_scoped3A : memref<!tpu.dma_semaphore, #tpu.memory_space<semaphore_mem>>) src(%arg11 : memref<128x128xf32, #tpu.memory_space<vmem>>) dst(%dma_wait3A_73 : memref<128x128xf32, #tpu.memory_space<hbm>>)
        tpu.yield
      }) : () -> ()
      %mul3A_64 = arith.constant 640 : i32
      %mul3A_65 = arith.muli %arg1, %mul3A_64 : i32
      %add3A_66 = arith.constant 512 : i32
      %add3A_67 = arith.addi %mul3A_65, %add3A_66 : i32
      "tpu.region"() ({
        %run_scoped3A = tpu.sem_alloc : memref<!tpu.dma_semaphore, #tpu.memory_space<semaphore_mem>>
        %dma_start3A = arith.constant 0 : i32
        %dma_start3A_68 = tpu.memref_slice %arg17[%add3A_67, %dma_start3A] : memref<10240x128xf32, #tpu.memory_space<vmem_shared>> -> memref<128x128xf32, #tpu.memory_space<vmem_shared>>
        %dma_start3A_69 = arith.constant 0 : i32
        %dma_start3A_70 = tpu.memref_slice %arg17[%add3A_67, %dma_start3A_69] : memref<10240x128xf32, #tpu.memory_space<vmem_shared>> -> memref<128x128xf32, #tpu.memory_space<vmem_shared>>
        tpu.enqueue_dma source(%dma_start3A_70 : memref<128x128xf32, #tpu.memory_space<vmem_shared>>) target(%arg11 : memref<128x128xf32, #tpu.memory_space<vmem>>) target_semaphore(%run_scoped3A : memref<!tpu.dma_semaphore, #tpu.memory_space<semaphore_mem>>)
        %dma_wait3A = arith.constant 0 : i32
        %dma_wait3A_71 = tpu.memref_slice %arg17[%add3A_67, %dma_wait3A] : memref<10240x128xf32, #tpu.memory_space<vmem_shared>> -> memref<128x128xf32, #tpu.memory_space<vmem_shared>>
        %dma_wait3A_72 = arith.constant 0 : i32
        %dma_wait3A_73 = tpu.memref_slice %arg17[%add3A_67, %dma_wait3A_72] : memref<10240x128xf32, #tpu.memory_space<vmem_shared>> -> memref<128x128xf32, #tpu.memory_space<vmem_shared>>
        tpu.wait_dma2 semaphore(%run_scoped3A : memref<!tpu.dma_semaphore, #tpu.memory_space<semaphore_mem>>) src(%dma_wait3A_73 : memref<128x128xf32, #tpu.memory_space<vmem_shared>>) dst(%arg11 : memref<128x128xf32, #tpu.memory_space<vmem>>)
        tpu.yield
      }) : () -> ()
      "tpu.region"() ({
        %run_scoped3A = tpu.sem_alloc : memref<!tpu.dma_semaphore, #tpu.memory_space<semaphore_mem>>
        %dma_start3A = arith.constant 0 : i32
        %dma_start3A_68 = tpu.memref_slice %arg7[%add3A_67, %dma_start3A] : memref<10240x128xf32, #tpu.memory_space<hbm>> -> memref<128x128xf32, #tpu.memory_space<hbm>>
        %dma_start3A_69 = arith.constant 0 : i32
        %dma_start3A_70 = tpu.memref_slice %arg7[%add3A_67, %dma_start3A_69] : memref<10240x128xf32, #tpu.memory_space<hbm>> -> memref<128x128xf32, #tpu.memory_space<hbm>>
        tpu.enqueue_dma source(%arg11 : memref<128x128xf32, #tpu.memory_space<vmem>>) target(%dma_start3A_70 : memref<128x128xf32, #tpu.memory_space<hbm>>) target_semaphore(%run_scoped3A : memref<!tpu.dma_semaphore, #tpu.memory_space<semaphore_mem>>)
        %dma_wait3A = arith.constant 0 : i32
        %dma_wait3A_71 = tpu.memref_slice %arg7[%add3A_67, %dma_wait3A] : memref<10240x128xf32, #tpu.memory_space<hbm>> -> memref<128x128xf32, #tpu.memory_space<hbm>>
        %dma_wait3A_72 = arith.constant 0 : i32
        %dma_wait3A_73 = tpu.memref_slice %arg7[%add3A_67, %dma_wait3A_72] : memref<10240x128xf32, #tpu.memory_space<hbm>> -> memref<128x128xf32, #tpu.memory_space<hbm>>
        tpu.wait_dma2 semaphore(%run_scoped3A : memref<!tpu.dma_semaphore, #tpu.memory_space<semaphore_mem>>) src(%arg11 : memref<128x128xf32, #tpu.memory_space<vmem>>) dst(%dma_wait3A_73 : memref<128x128xf32, #tpu.memory_space<hbm>>)
        tpu.yield
      }) : () -> ()
    } else {
    }
    return
  }
}

#map = affine_map<(d0, d1) -> (0, 0)>
#map1 = affine_map<(d0, d1) -> (0)>
module attributes {stable_mosaic.version = 14 : i64} {
  func.func @_segsum_body(%arg0: i32, %arg1: i32, %arg2: memref<10000x128xf32, #tpu.memory_space<hbm>>, %arg3: memref<2560x128xi32, #tpu.memory_space<hbm>>, %arg4: memref<327680xi32, #tpu.memory_space<hbm>>, %arg5: memref<128x128xf32, #tpu.memory_space<hbm>>, %arg6: memref<10240x128xf32, #tpu.memory_space<hbm>>, %arg7: memref<10240x128xf32, #tpu.memory_space<hbm>>, %arg8: memref<40x128xi32, #tpu.memory_space<vmem>>, %arg9: memref<128xi32, #tpu.memory_space<vmem>>, %arg10: memref<128xi32, #tpu.memory_space<vmem>>, %arg11: memref<128x128xf32, #tpu.memory_space<vmem>>, %arg12: memref<128x128xf32, #tpu.memory_space<vmem>>, %arg13: memref<!tpu.dma_semaphore, #tpu.memory_space<semaphore_mem>>, %arg14: memref<!tpu.dma_semaphore, #tpu.memory_space<semaphore_mem>>, %arg15: memref<!tpu.dma_semaphore, #tpu.memory_space<semaphore_mem>>, %arg16: memref<!tpu.dma_semaphore, #tpu.memory_space<semaphore_mem>>, %arg17: memref<10240x128xf32, #tpu.memory_space<vmem_shared>>) attributes {dimension_semantics = [#tpu.dimension_semantics<core_parallel>, #tpu.dimension_semantics<subcore_parallel>], iteration_bounds = array<i64: 2, 16>, scalar_prefetch = 0 : i64, scratch_operands = 10 : i64, tpu.core_type = #tpu.core_type<sc_vector_subcore>, window_params = [{transform_indices = #map}, {transform_indices = #map}, {transform_indices = #map1}, {transform_indices = #map}, {transform_indices = #map}, {transform_indices = #map}]} {
    %mul3A = arith.constant 16 : i32
    %mul3A_0 = arith.muli %arg0, %mul3A : i32
    %add3A = arith.addi %mul3A_0, %arg1 : i32
    "tpu.region"() ({
      %run_scoped3A = tpu.sem_alloc : memref<!tpu.dma_semaphore, #tpu.memory_space<semaphore_mem>>
      tpu.enqueue_dma source(%arg5 : memref<128x128xf32, #tpu.memory_space<hbm>>) target(%arg11 : memref<128x128xf32, #tpu.memory_space<vmem>>) target_semaphore(%run_scoped3A : memref<!tpu.dma_semaphore, #tpu.memory_space<semaphore_mem>>)
      tpu.wait_dma2 semaphore(%run_scoped3A : memref<!tpu.dma_semaphore, #tpu.memory_space<semaphore_mem>>) src(%arg5 : memref<128x128xf32, #tpu.memory_space<hbm>>) dst(%arg11 : memref<128x128xf32, #tpu.memory_space<vmem>>)
      tpu.yield
    }) : () -> ()
    %mul3A_1 = arith.constant 640 : i32
    %mul3A_2 = arith.muli %arg1, %mul3A_1 : i32
    %add3A_3 = arith.constant 0 : i32
    %add3A_4 = arith.addi %mul3A_2, %add3A_3 : i32
    "tpu.region"() ({
      %run_scoped3A = tpu.sem_alloc : memref<!tpu.dma_semaphore, #tpu.memory_space<semaphore_mem>>
      %dma_start3A = arith.constant 0 : i32
      %dma_start3A_48 = tpu.memref_slice %arg17[%add3A_4, %dma_start3A] : memref<10240x128xf32, #tpu.memory_space<vmem_shared>> -> memref<128x128xf32, #tpu.memory_space<vmem_shared>>
      %dma_start3A_49 = arith.constant 0 : i32
      %dma_start3A_50 = tpu.memref_slice %arg17[%add3A_4, %dma_start3A_49] : memref<10240x128xf32, #tpu.memory_space<vmem_shared>> -> memref<128x128xf32, #tpu.memory_space<vmem_shared>>
      tpu.enqueue_dma source(%arg11 : memref<128x128xf32, #tpu.memory_space<vmem>>) target(%dma_start3A_50 : memref<128x128xf32, #tpu.memory_space<vmem_shared>>) target_semaphore(%run_scoped3A : memref<!tpu.dma_semaphore, #tpu.memory_space<semaphore_mem>>)
      %dma_wait3A = arith.constant 0 : i32
      %dma_wait3A_51 = tpu.memref_slice %arg17[%add3A_4, %dma_wait3A] : memref<10240x128xf32, #tpu.memory_space<vmem_shared>> -> memref<128x128xf32, #tpu.memory_space<vmem_shared>>
      %dma_wait3A_52 = arith.constant 0 : i32
      %dma_wait3A_53 = tpu.memref_slice %arg17[%add3A_4, %dma_wait3A_52] : memref<10240x128xf32, #tpu.memory_space<vmem_shared>> -> memref<128x128xf32, #tpu.memory_space<vmem_shared>>
      tpu.wait_dma2 semaphore(%run_scoped3A : memref<!tpu.dma_semaphore, #tpu.memory_space<semaphore_mem>>) src(%arg11 : memref<128x128xf32, #tpu.memory_space<vmem>>) dst(%dma_wait3A_53 : memref<128x128xf32, #tpu.memory_space<vmem_shared>>)
      tpu.yield
    }) : () -> ()
    %mul3A_5 = arith.constant 640 : i32
    %mul3A_6 = arith.muli %arg1, %mul3A_5 : i32
    %add3A_7 = arith.constant 128 : i32
    %add3A_8 = arith.addi %mul3A_6, %add3A_7 : i32
    "tpu.region"() ({
      %run_scoped3A = tpu.sem_alloc : memref<!tpu.dma_semaphore, #tpu.memory_space<semaphore_mem>>
      %dma_start3A = arith.constant 0 : i32
      %dma_start3A_48 = tpu.memref_slice %arg17[%add3A_8, %dma_start3A] : memref<10240x128xf32, #tpu.memory_space<vmem_shared>> -> memref<128x128xf32, #tpu.memory_space<vmem_shared>>
      %dma_start3A_49 = arith.constant 0 : i32
      %dma_start3A_50 = tpu.memref_slice %arg17[%add3A_8, %dma_start3A_49] : memref<10240x128xf32, #tpu.memory_space<vmem_shared>> -> memref<128x128xf32, #tpu.memory_space<vmem_shared>>
      tpu.enqueue_dma source(%arg11 : memref<128x128xf32, #tpu.memory_space<vmem>>) target(%dma_start3A_50 : memref<128x128xf32, #tpu.memory_space<vmem_shared>>) target_semaphore(%run_scoped3A : memref<!tpu.dma_semaphore, #tpu.memory_space<semaphore_mem>>)
      %dma_wait3A = arith.constant 0 : i32
      %dma_wait3A_51 = tpu.memref_slice %arg17[%add3A_8, %dma_wait3A] : memref<10240x128xf32, #tpu.memory_space<vmem_shared>> -> memref<128x128xf32, #tpu.memory_space<vmem_shared>>
      %dma_wait3A_52 = arith.constant 0 : i32
      %dma_wait3A_53 = tpu.memref_slice %arg17[%add3A_8, %dma_wait3A_52] : memref<10240x128xf32, #tpu.memory_space<vmem_shared>> -> memref<128x128xf32, #tpu.memory_space<vmem_shared>>
      tpu.wait_dma2 semaphore(%run_scoped3A : memref<!tpu.dma_semaphore, #tpu.memory_space<semaphore_mem>>) src(%arg11 : memref<128x128xf32, #tpu.memory_space<vmem>>) dst(%dma_wait3A_53 : memref<128x128xf32, #tpu.memory_space<vmem_shared>>)
      tpu.yield
    }) : () -> ()
    %mul3A_9 = arith.constant 640 : i32
    %mul3A_10 = arith.muli %arg1, %mul3A_9 : i32
    %add3A_11 = arith.constant 256 : i32
    %add3A_12 = arith.addi %mul3A_10, %add3A_11 : i32
    "tpu.region"() ({
      %run_scoped3A = tpu.sem_alloc : memref<!tpu.dma_semaphore, #tpu.memory_space<semaphore_mem>>
      %dma_start3A = arith.constant 0 : i32
      %dma_start3A_48 = tpu.memref_slice %arg17[%add3A_12, %dma_start3A] : memref<10240x128xf32, #tpu.memory_space<vmem_shared>> -> memref<128x128xf32, #tpu.memory_space<vmem_shared>>
      %dma_start3A_49 = arith.constant 0 : i32
      %dma_start3A_50 = tpu.memref_slice %arg17[%add3A_12, %dma_start3A_49] : memref<10240x128xf32, #tpu.memory_space<vmem_shared>> -> memref<128x128xf32, #tpu.memory_space<vmem_shared>>
      tpu.enqueue_dma source(%arg11 : memref<128x128xf32, #tpu.memory_space<vmem>>) target(%dma_start3A_50 : memref<128x128xf32, #tpu.memory_space<vmem_shared>>) target_semaphore(%run_scoped3A : memref<!tpu.dma_semaphore, #tpu.memory_space<semaphore_mem>>)
      %dma_wait3A = arith.constant 0 : i32
      %dma_wait3A_51 = tpu.memref_slice %arg17[%add3A_12, %dma_wait3A] : memref<10240x128xf32, #tpu.memory_space<vmem_shared>> -> memref<128x128xf32, #tpu.memory_space<vmem_shared>>
      %dma_wait3A_52 = arith.constant 0 : i32
      %dma_wait3A_53 = tpu.memref_slice %arg17[%add3A_12, %dma_wait3A_52] : memref<10240x128xf32, #tpu.memory_space<vmem_shared>> -> memref<128x128xf32, #tpu.memory_space<vmem_shared>>
      tpu.wait_dma2 semaphore(%run_scoped3A : memref<!tpu.dma_semaphore, #tpu.memory_space<semaphore_mem>>) src(%arg11 : memref<128x128xf32, #tpu.memory_space<vmem>>) dst(%dma_wait3A_53 : memref<128x128xf32, #tpu.memory_space<vmem_shared>>)
      tpu.yield
    }) : () -> ()
    %mul3A_13 = arith.constant 640 : i32
    %mul3A_14 = arith.muli %arg1, %mul3A_13 : i32
    %add3A_15 = arith.constant 384 : i32
    %add3A_16 = arith.addi %mul3A_14, %add3A_15 : i32
    "tpu.region"() ({
      %run_scoped3A = tpu.sem_alloc : memref<!tpu.dma_semaphore, #tpu.memory_space<semaphore_mem>>
      %dma_start3A = arith.constant 0 : i32
      %dma_start3A_48 = tpu.memref_slice %arg17[%add3A_16, %dma_start3A] : memref<10240x128xf32, #tpu.memory_space<vmem_shared>> -> memref<128x128xf32, #tpu.memory_space<vmem_shared>>
      %dma_start3A_49 = arith.constant 0 : i32
      %dma_start3A_50 = tpu.memref_slice %arg17[%add3A_16, %dma_start3A_49] : memref<10240x128xf32, #tpu.memory_space<vmem_shared>> -> memref<128x128xf32, #tpu.memory_space<vmem_shared>>
      tpu.enqueue_dma source(%arg11 : memref<128x128xf32, #tpu.memory_space<vmem>>) target(%dma_start3A_50 : memref<128x128xf32, #tpu.memory_space<vmem_shared>>) target_semaphore(%run_scoped3A : memref<!tpu.dma_semaphore, #tpu.memory_space<semaphore_mem>>)
      %dma_wait3A = arith.constant 0 : i32
      %dma_wait3A_51 = tpu.memref_slice %arg17[%add3A_16, %dma_wait3A] : memref<10240x128xf32, #tpu.memory_space<vmem_shared>> -> memref<128x128xf32, #tpu.memory_space<vmem_shared>>
      %dma_wait3A_52 = arith.constant 0 : i32
      %dma_wait3A_53 = tpu.memref_slice %arg17[%add3A_16, %dma_wait3A_52] : memref<10240x128xf32, #tpu.memory_space<vmem_shared>> -> memref<128x128xf32, #tpu.memory_space<vmem_shared>>
      tpu.wait_dma2 semaphore(%run_scoped3A : memref<!tpu.dma_semaphore, #tpu.memory_space<semaphore_mem>>) src(%arg11 : memref<128x128xf32, #tpu.memory_space<vmem>>) dst(%dma_wait3A_53 : memref<128x128xf32, #tpu.memory_space<vmem_shared>>)
      tpu.yield
    }) : () -> ()
    %mul3A_17 = arith.constant 640 : i32
    %mul3A_18 = arith.muli %arg1, %mul3A_17 : i32
    %add3A_19 = arith.constant 512 : i32
    %add3A_20 = arith.addi %mul3A_18, %add3A_19 : i32
    "tpu.region"() ({
      %run_scoped3A = tpu.sem_alloc : memref<!tpu.dma_semaphore, #tpu.memory_space<semaphore_mem>>
      %dma_start3A = arith.constant 0 : i32
      %dma_start3A_48 = tpu.memref_slice %arg17[%add3A_20, %dma_start3A] : memref<10240x128xf32, #tpu.memory_space<vmem_shared>> -> memref<128x128xf32, #tpu.memory_space<vmem_shared>>
      %dma_start3A_49 = arith.constant 0 : i32
      %dma_start3A_50 = tpu.memref_slice %arg17[%add3A_20, %dma_start3A_49] : memref<10240x128xf32, #tpu.memory_space<vmem_shared>> -> memref<128x128xf32, #tpu.memory_space<vmem_shared>>
      tpu.enqueue_dma source(%arg11 : memref<128x128xf32, #tpu.memory_space<vmem>>) target(%dma_start3A_50 : memref<128x128xf32, #tpu.memory_space<vmem_shared>>) target_semaphore(%run_scoped3A : memref<!tpu.dma_semaphore, #tpu.memory_space<semaphore_mem>>)
      %dma_wait3A = arith.constant 0 : i32
      %dma_wait3A_51 = tpu.memref_slice %arg17[%add3A_20, %dma_wait3A] : memref<10240x128xf32, #tpu.memory_space<vmem_shared>> -> memref<128x128xf32, #tpu.memory_space<vmem_shared>>
      %dma_wait3A_52 = arith.constant 0 : i32
      %dma_wait3A_53 = tpu.memref_slice %arg17[%add3A_20, %dma_wait3A_52] : memref<10240x128xf32, #tpu.memory_space<vmem_shared>> -> memref<128x128xf32, #tpu.memory_space<vmem_shared>>
      tpu.wait_dma2 semaphore(%run_scoped3A : memref<!tpu.dma_semaphore, #tpu.memory_space<semaphore_mem>>) src(%arg11 : memref<128x128xf32, #tpu.memory_space<vmem>>) dst(%dma_wait3A_53 : memref<128x128xf32, #tpu.memory_space<vmem_shared>>)
      tpu.yield
    }) : () -> ()
    %barrier3A = arith.constant 0 : index
    tpu.barrier barrier_id(%barrier3A)
    %mul3A_21 = arith.constant 80 : i32
    %mul3A_22 = arith.muli %add3A, %mul3A_21 : i32
    %add3A_23 = arith.constant 0 : i32
    %add3A_24 = arith.addi %mul3A_22, %add3A_23 : i32
    "tpu.region"() ({
      %run_scoped3A = tpu.sem_alloc : memref<!tpu.dma_semaphore, #tpu.memory_space<semaphore_mem>>
      %dma_start3A = arith.constant 0 : i32
      %dma_start3A_48 = tpu.memref_slice %arg3[%add3A_24, %dma_start3A] : memref<2560x128xi32, #tpu.memory_space<hbm>> -> memref<40x128xi32, #tpu.memory_space<hbm>>
      %dma_start3A_49 = arith.constant 0 : i32
      %dma_start3A_50 = tpu.memref_slice %arg3[%add3A_24, %dma_start3A_49] : memref<2560x128xi32, #tpu.memory_space<hbm>> -> memref<40x128xi32, #tpu.memory_space<hbm>>
      tpu.enqueue_dma source(%dma_start3A_50 : memref<40x128xi32, #tpu.memory_space<hbm>>) target(%arg8 : memref<40x128xi32, #tpu.memory_space<vmem>>) target_semaphore(%run_scoped3A : memref<!tpu.dma_semaphore, #tpu.memory_space<semaphore_mem>>)
      %dma_wait3A = arith.constant 0 : i32
      %dma_wait3A_51 = tpu.memref_slice %arg3[%add3A_24, %dma_wait3A] : memref<2560x128xi32, #tpu.memory_space<hbm>> -> memref<40x128xi32, #tpu.memory_space<hbm>>
      %dma_wait3A_52 = arith.constant 0 : i32
      %dma_wait3A_53 = tpu.memref_slice %arg3[%add3A_24, %dma_wait3A_52] : memref<2560x128xi32, #tpu.memory_space<hbm>> -> memref<40x128xi32, #tpu.memory_space<hbm>>
      tpu.wait_dma2 semaphore(%run_scoped3A : memref<!tpu.dma_semaphore, #tpu.memory_space<semaphore_mem>>) src(%dma_wait3A_53 : memref<40x128xi32, #tpu.memory_space<hbm>>) dst(%arg8 : memref<40x128xi32, #tpu.memory_space<vmem>>)
      tpu.yield
    }) : () -> ()
    %scan3A = arith.constant 0 : i32
    %scan3A_25 = arith.constant 0 : i32
    %scan3A_26 = arith.constant 20 : i32
    %scan3A_27 = arith.addi %scan3A_25, %scan3A_26 : i32
    %scan3A_28 = arith.constant 1 : i32
    scf.for %scan3A_48 = %scan3A_25 to %scan3A_27 step %scan3A_28  : i32 {
      %mul3A_49 = arith.constant 2 : i32
      %mul3A_50 = arith.muli %scan3A_48, %mul3A_49 : i32
      %add3A_51 = arith.addi %add3A_24, %mul3A_50 : i32
      %mul3A_52 = arith.constant 128 : i32
      %mul3A_53 = arith.muli %add3A_51, %mul3A_52 : i32
      %dma_start3A = tpu.memref_slice %arg4[%mul3A_53] : memref<327680xi32, #tpu.memory_space<hbm>> -> memref<128xi32, #tpu.memory_space<hbm>>
      %dma_start3A_54 = tpu.memref_slice %arg4[%mul3A_53] : memref<327680xi32, #tpu.memory_space<hbm>> -> memref<128xi32, #tpu.memory_space<hbm>>
      tpu.enqueue_dma source(%dma_start3A_54 : memref<128xi32, #tpu.memory_space<hbm>>) target(%arg9 : memref<128xi32, #tpu.memory_space<vmem>>) target_semaphore(%arg15 : memref<!tpu.dma_semaphore, #tpu.memory_space<semaphore_mem>>)
      %add3A_55 = arith.constant 128 : i32
      %add3A_56 = arith.addi %mul3A_53, %add3A_55 : i32
      %dma_start3A_57 = tpu.memref_slice %arg4[%add3A_56] : memref<327680xi32, #tpu.memory_space<hbm>> -> memref<128xi32, #tpu.memory_space<hbm>>
      %dma_start3A_58 = tpu.memref_slice %arg4[%add3A_56] : memref<327680xi32, #tpu.memory_space<hbm>> -> memref<128xi32, #tpu.memory_space<hbm>>
      tpu.enqueue_dma source(%dma_start3A_58 : memref<128xi32, #tpu.memory_space<hbm>>) target(%arg10 : memref<128xi32, #tpu.memory_space<vmem>>) target_semaphore(%arg16 : memref<!tpu.dma_semaphore, #tpu.memory_space<semaphore_mem>>)
      %dma_start3A_59 = arith.constant 0 : i32
      %dma_start3A_60 = tpu.memref_slice %arg8[%mul3A_50, %dma_start3A_59] : memref<40x128xi32, #tpu.memory_space<vmem>> -> memref<1x128xi32, #tpu.memory_space<vmem>>
      %dma_start3A_61 = tpu.memref_squeeze %dma_start3A_60 : memref<1x128xi32, #tpu.memory_space<vmem>> -> memref<128xi32, #tpu.memory_space<vmem>>
      %dma_start3A_62 = arith.constant 0 : i32
      %dma_start3A_63 = arith.constant 0 : i32
      %dma_start3A_64 = tpu.memref_slice %arg2[%dma_start3A_62, %dma_start3A_63] : memref<10000x128xf32, #tpu.memory_space<hbm>> -> memref<10000x128xf32, #tpu.memory_space<hbm>>
      tpu.enqueue_indirect_dma source(%dma_start3A_64 : memref<10000x128xf32, #tpu.memory_space<hbm>>) target(%arg11 : memref<128x128xf32, #tpu.memory_space<vmem>>) offsets(%dma_start3A_61 : memref<128xi32, #tpu.memory_space<vmem>>) semaphore(%arg13 : memref<!tpu.dma_semaphore, #tpu.memory_space<semaphore_mem>>)
      %add3A_65 = arith.constant 1 : i32
      %add3A_66 = arith.addi %mul3A_50, %add3A_65 : i32
      %dma_start3A_67 = arith.constant 0 : i32
      %dma_start3A_68 = tpu.memref_slice %arg8[%add3A_66, %dma_start3A_67] : memref<40x128xi32, #tpu.memory_space<vmem>> -> memref<1x128xi32, #tpu.memory_space<vmem>>
      %dma_start3A_69 = tpu.memref_squeeze %dma_start3A_68 : memref<1x128xi32, #tpu.memory_space<vmem>> -> memref<128xi32, #tpu.memory_space<vmem>>
      %dma_start3A_70 = arith.constant 0 : i32
      %dma_start3A_71 = arith.constant 0 : i32
      %dma_start3A_72 = tpu.memref_slice %arg2[%dma_start3A_70, %dma_start3A_71] : memref<10000x128xf32, #tpu.memory_space<hbm>> -> memref<10000x128xf32, #tpu.memory_space<hbm>>
      tpu.enqueue_indirect_dma source(%dma_start3A_72 : memref<10000x128xf32, #tpu.memory_space<hbm>>) target(%arg12 : memref<128x128xf32, #tpu.memory_space<vmem>>) offsets(%dma_start3A_69 : memref<128xi32, #tpu.memory_space<vmem>>) semaphore(%arg14 : memref<!tpu.dma_semaphore, #tpu.memory_space<semaphore_mem>>)
      %dma_wait3A = tpu.memref_slice %arg4[%mul3A_53] : memref<327680xi32, #tpu.memory_space<hbm>> -> memref<128xi32, #tpu.memory_space<hbm>>
      %dma_wait3A_73 = tpu.memref_slice %arg4[%mul3A_53] : memref<327680xi32, #tpu.memory_space<hbm>> -> memref<128xi32, #tpu.memory_space<hbm>>
      tpu.wait_dma2 semaphore(%arg15 : memref<!tpu.dma_semaphore, #tpu.memory_space<semaphore_mem>>) src(%dma_wait3A_73 : memref<128xi32, #tpu.memory_space<hbm>>) dst(%arg9 : memref<128xi32, #tpu.memory_space<vmem>>)
      %dma_wait3A_74 = arith.constant 0 : i32
      %dma_wait3A_75 = tpu.memref_slice %arg8[%mul3A_50, %dma_wait3A_74] : memref<40x128xi32, #tpu.memory_space<vmem>> -> memref<1x128xi32, #tpu.memory_space<vmem>>
      %dma_wait3A_76 = tpu.memref_squeeze %dma_wait3A_75 : memref<1x128xi32, #tpu.memory_space<vmem>> -> memref<128xi32, #tpu.memory_space<vmem>>
      %dma_wait3A_77 = arith.constant 0 : i32
      %dma_wait3A_78 = arith.constant 0 : i32
      %dma_wait3A_79 = tpu.memref_slice %arg2[%dma_wait3A_77, %dma_wait3A_78] : memref<10000x128xf32, #tpu.memory_space<hbm>> -> memref<10000x128xf32, #tpu.memory_space<hbm>>
      tpu.wait_indirect_dma semaphore(%arg13 : memref<!tpu.dma_semaphore, #tpu.memory_space<semaphore_mem>>) src(%dma_wait3A_79 : memref<10000x128xf32, #tpu.memory_space<hbm>>) dst(%arg11 : memref<128x128xf32, #tpu.memory_space<vmem>>)
      "tpu.region"() ({
        %run_scoped3A = tpu.sem_alloc : memref<!tpu.dma_semaphore, #tpu.memory_space<semaphore_mem>>
        %dma_start3A_88 = arith.constant 0 : i32
        %dma_start3A_89 = arith.constant 0 : i32
        %dma_start3A_90 = tpu.memref_slice %arg17[%dma_start3A_88, %dma_start3A_89] : memref<10240x128xf32, #tpu.memory_space<vmem_shared>> -> memref<10240x128xf32, #tpu.memory_space<vmem_shared>>
        tpu.enqueue_indirect_dma source(%arg11 : memref<128x128xf32, #tpu.memory_space<vmem>>) target(%dma_start3A_90 : memref<10240x128xf32, #tpu.memory_space<vmem_shared>>) offsets(%arg9 : memref<128xi32, #tpu.memory_space<vmem>>) semaphore(%run_scoped3A : memref<!tpu.dma_semaphore, #tpu.memory_space<semaphore_mem>>) {add = true}
        %dma_wait3A_91 = arith.constant 0 : i32
        %dma_wait3A_92 = arith.constant 0 : i32
        %dma_wait3A_93 = tpu.memref_slice %arg17[%dma_wait3A_91, %dma_wait3A_92] : memref<10240x128xf32, #tpu.memory_space<vmem_shared>> -> memref<10240x128xf32, #tpu.memory_space<vmem_shared>>
        tpu.wait_indirect_dma semaphore(%run_scoped3A : memref<!tpu.dma_semaphore, #tpu.memory_space<semaphore_mem>>) src(%arg11 : memref<128x128xf32, #tpu.memory_space<vmem>>) dst(%dma_wait3A_93 : memref<10240x128xf32, #tpu.memory_space<vmem_shared>>)
        tpu.yield
      }) : () -> ()
      %dma_wait3A_80 = tpu.memref_slice %arg4[%add3A_56] : memref<327680xi32, #tpu.memory_space<hbm>> -> memref<128xi32, #tpu.memory_space<hbm>>
      %dma_wait3A_81 = tpu.memref_slice %arg4[%add3A_56] : memref<327680xi32, #tpu.memory_space<hbm>> -> memref<128xi32, #tpu.memory_space<hbm>>
      tpu.wait_dma2 semaphore(%arg16 : memref<!tpu.dma_semaphore, #tpu.memory_space<semaphore_mem>>) src(%dma_wait3A_81 : memref<128xi32, #tpu.memory_space<hbm>>) dst(%arg10 : memref<128xi32, #tpu.memory_space<vmem>>)
      %dma_wait3A_82 = arith.constant 0 : i32
      %dma_wait3A_83 = tpu.memref_slice %arg8[%add3A_66, %dma_wait3A_82] : memref<40x128xi32, #tpu.memory_space<vmem>> -> memref<1x128xi32, #tpu.memory_space<vmem>>
      %dma_wait3A_84 = tpu.memref_squeeze %dma_wait3A_83 : memref<1x128xi32, #tpu.memory_space<vmem>> -> memref<128xi32, #tpu.memory_space<vmem>>
      %dma_wait3A_85 = arith.constant 0 : i32
      %dma_wait3A_86 = arith.constant 0 : i32
      %dma_wait3A_87 = tpu.memref_slice %arg2[%dma_wait3A_85, %dma_wait3A_86] : memref<10000x128xf32, #tpu.memory_space<hbm>> -> memref<10000x128xf32, #tpu.memory_space<hbm>>
      tpu.wait_indirect_dma semaphore(%arg14 : memref<!tpu.dma_semaphore, #tpu.memory_space<semaphore_mem>>) src(%dma_wait3A_87 : memref<10000x128xf32, #tpu.memory_space<hbm>>) dst(%arg12 : memref<128x128xf32, #tpu.memory_space<vmem>>)
      "tpu.region"() ({
        %run_scoped3A = tpu.sem_alloc : memref<!tpu.dma_semaphore, #tpu.memory_space<semaphore_mem>>
        %dma_start3A_88 = arith.constant 0 : i32
        %dma_start3A_89 = arith.constant 0 : i32
        %dma_start3A_90 = tpu.memref_slice %arg17[%dma_start3A_88, %dma_start3A_89] : memref<10240x128xf32, #tpu.memory_space<vmem_shared>> -> memref<10240x128xf32, #tpu.memory_space<vmem_shared>>
        tpu.enqueue_indirect_dma source(%arg12 : memref<128x128xf32, #tpu.memory_space<vmem>>) target(%dma_start3A_90 : memref<10240x128xf32, #tpu.memory_space<vmem_shared>>) offsets(%arg10 : memref<128xi32, #tpu.memory_space<vmem>>) semaphore(%run_scoped3A : memref<!tpu.dma_semaphore, #tpu.memory_space<semaphore_mem>>) {add = true}
        %dma_wait3A_91 = arith.constant 0 : i32
        %dma_wait3A_92 = arith.constant 0 : i32
        %dma_wait3A_93 = tpu.memref_slice %arg17[%dma_wait3A_91, %dma_wait3A_92] : memref<10240x128xf32, #tpu.memory_space<vmem_shared>> -> memref<10240x128xf32, #tpu.memory_space<vmem_shared>>
        tpu.wait_indirect_dma semaphore(%run_scoped3A : memref<!tpu.dma_semaphore, #tpu.memory_space<semaphore_mem>>) src(%arg12 : memref<128x128xf32, #tpu.memory_space<vmem>>) dst(%dma_wait3A_93 : memref<10240x128xf32, #tpu.memory_space<vmem_shared>>)
        tpu.yield
      }) : () -> ()
    }
    %scan3A_29 = arith.constant 20 : i32
    %mul3A_30 = arith.constant 80 : i32
    %mul3A_31 = arith.muli %add3A, %mul3A_30 : i32
    %add3A_32 = arith.constant 40 : i32
    %add3A_33 = arith.addi %mul3A_31, %add3A_32 : i32
    "tpu.region"() ({
      %run_scoped3A = tpu.sem_alloc : memref<!tpu.dma_semaphore, #tpu.memory_space<semaphore_mem>>
      %dma_start3A = arith.constant 0 : i32
      %dma_start3A_48 = tpu.memref_slice %arg3[%add3A_33, %dma_start3A] : memref<2560x128xi32, #tpu.memory_space<hbm>> -> memref<40x128xi32, #tpu.memory_space<hbm>>
      %dma_start3A_49 = arith.constant 0 : i32
      %dma_start3A_50 = tpu.memref_slice %arg3[%add3A_33, %dma_start3A_49] : memref<2560x128xi32, #tpu.memory_space<hbm>> -> memref<40x128xi32, #tpu.memory_space<hbm>>
      tpu.enqueue_dma source(%dma_start3A_50 : memref<40x128xi32, #tpu.memory_space<hbm>>) target(%arg8 : memref<40x128xi32, #tpu.memory_space<vmem>>) target_semaphore(%run_scoped3A : memref<!tpu.dma_semaphore, #tpu.memory_space<semaphore_mem>>)
      %dma_wait3A = arith.constant 0 : i32
      %dma_wait3A_51 = tpu.memref_slice %arg3[%add3A_33, %dma_wait3A] : memref<2560x128xi32, #tpu.memory_space<hbm>> -> memref<40x128xi32, #tpu.memory_space<hbm>>
      %dma_wait3A_52 = arith.constant 0 : i32
      %dma_wait3A_53 = tpu.memref_slice %arg3[%add3A_33, %dma_wait3A_52] : memref<2560x128xi32, #tpu.memory_space<hbm>> -> memref<40x128xi32, #tpu.memory_space<hbm>>
      tpu.wait_dma2 semaphore(%run_scoped3A : memref<!tpu.dma_semaphore, #tpu.memory_space<semaphore_mem>>) src(%dma_wait3A_53 : memref<40x128xi32, #tpu.memory_space<hbm>>) dst(%arg8 : memref<40x128xi32, #tpu.memory_space<vmem>>)
      tpu.yield
    }) : () -> ()
    %scan3A_34 = arith.constant 0 : i32
    %scan3A_35 = arith.constant 0 : i32
    %scan3A_36 = arith.constant 20 : i32
    %scan3A_37 = arith.addi %scan3A_35, %scan3A_36 : i32
    %scan3A_38 = arith.constant 1 : i32
    scf.for %scan3A_48 = %scan3A_35 to %scan3A_37 step %scan3A_38  : i32 {
      %mul3A_49 = arith.constant 2 : i32
      %mul3A_50 = arith.muli %scan3A_48, %mul3A_49 : i32
      %add3A_51 = arith.addi %add3A_33, %mul3A_50 : i32
      %mul3A_52 = arith.constant 128 : i32
      %mul3A_53 = arith.muli %add3A_51, %mul3A_52 : i32
      %dma_start3A = tpu.memref_slice %arg4[%mul3A_53] : memref<327680xi32, #tpu.memory_space<hbm>> -> memref<128xi32, #tpu.memory_space<hbm>>
      %dma_start3A_54 = tpu.memref_slice %arg4[%mul3A_53] : memref<327680xi32, #tpu.memory_space<hbm>> -> memref<128xi32, #tpu.memory_space<hbm>>
      tpu.enqueue_dma source(%dma_start3A_54 : memref<128xi32, #tpu.memory_space<hbm>>) target(%arg9 : memref<128xi32, #tpu.memory_space<vmem>>) target_semaphore(%arg15 : memref<!tpu.dma_semaphore, #tpu.memory_space<semaphore_mem>>)
      %add3A_55 = arith.constant 128 : i32
      %add3A_56 = arith.addi %mul3A_53, %add3A_55 : i32
      %dma_start3A_57 = tpu.memref_slice %arg4[%add3A_56] : memref<327680xi32, #tpu.memory_space<hbm>> -> memref<128xi32, #tpu.memory_space<hbm>>
      %dma_start3A_58 = tpu.memref_slice %arg4[%add3A_56] : memref<327680xi32, #tpu.memory_space<hbm>> -> memref<128xi32, #tpu.memory_space<hbm>>
      tpu.enqueue_dma source(%dma_start3A_58 : memref<128xi32, #tpu.memory_space<hbm>>) target(%arg10 : memref<128xi32, #tpu.memory_space<vmem>>) target_semaphore(%arg16 : memref<!tpu.dma_semaphore, #tpu.memory_space<semaphore_mem>>)
      %dma_start3A_59 = arith.constant 0 : i32
      %dma_start3A_60 = tpu.memref_slice %arg8[%mul3A_50, %dma_start3A_59] : memref<40x128xi32, #tpu.memory_space<vmem>> -> memref<1x128xi32, #tpu.memory_space<vmem>>
      %dma_start3A_61 = tpu.memref_squeeze %dma_start3A_60 : memref<1x128xi32, #tpu.memory_space<vmem>> -> memref<128xi32, #tpu.memory_space<vmem>>
      %dma_start3A_62 = arith.constant 0 : i32
      %dma_start3A_63 = arith.constant 0 : i32
      %dma_start3A_64 = tpu.memref_slice %arg2[%dma_start3A_62, %dma_start3A_63] : memref<10000x128xf32, #tpu.memory_space<hbm>> -> memref<10000x128xf32, #tpu.memory_space<hbm>>
      tpu.enqueue_indirect_dma source(%dma_start3A_64 : memref<10000x128xf32, #tpu.memory_space<hbm>>) target(%arg11 : memref<128x128xf32, #tpu.memory_space<vmem>>) offsets(%dma_start3A_61 : memref<128xi32, #tpu.memory_space<vmem>>) semaphore(%arg13 : memref<!tpu.dma_semaphore, #tpu.memory_space<semaphore_mem>>)
      %add3A_65 = arith.constant 1 : i32
      %add3A_66 = arith.addi %mul3A_50, %add3A_65 : i32
      %dma_start3A_67 = arith.constant 0 : i32
      %dma_start3A_68 = tpu.memref_slice %arg8[%add3A_66, %dma_start3A_67] : memref<40x128xi32, #tpu.memory_space<vmem>> -> memref<1x128xi32, #tpu.memory_space<vmem>>
      %dma_start3A_69 = tpu.memref_squeeze %dma_start3A_68 : memref<1x128xi32, #tpu.memory_space<vmem>> -> memref<128xi32, #tpu.memory_space<vmem>>
      %dma_start3A_70 = arith.constant 0 : i32
      %dma_start3A_71 = arith.constant 0 : i32
      %dma_start3A_72 = tpu.memref_slice %arg2[%dma_start3A_70, %dma_start3A_71] : memref<10000x128xf32, #tpu.memory_space<hbm>> -> memref<10000x128xf32, #tpu.memory_space<hbm>>
      tpu.enqueue_indirect_dma source(%dma_start3A_72 : memref<10000x128xf32, #tpu.memory_space<hbm>>) target(%arg12 : memref<128x128xf32, #tpu.memory_space<vmem>>) offsets(%dma_start3A_69 : memref<128xi32, #tpu.memory_space<vmem>>) semaphore(%arg14 : memref<!tpu.dma_semaphore, #tpu.memory_space<semaphore_mem>>)
      %dma_wait3A = tpu.memref_slice %arg4[%mul3A_53] : memref<327680xi32, #tpu.memory_space<hbm>> -> memref<128xi32, #tpu.memory_space<hbm>>
      %dma_wait3A_73 = tpu.memref_slice %arg4[%mul3A_53] : memref<327680xi32, #tpu.memory_space<hbm>> -> memref<128xi32, #tpu.memory_space<hbm>>
      tpu.wait_dma2 semaphore(%arg15 : memref<!tpu.dma_semaphore, #tpu.memory_space<semaphore_mem>>) src(%dma_wait3A_73 : memref<128xi32, #tpu.memory_space<hbm>>) dst(%arg9 : memref<128xi32, #tpu.memory_space<vmem>>)
      %dma_wait3A_74 = arith.constant 0 : i32
      %dma_wait3A_75 = tpu.memref_slice %arg8[%mul3A_50, %dma_wait3A_74] : memref<40x128xi32, #tpu.memory_space<vmem>> -> memref<1x128xi32, #tpu.memory_space<vmem>>
      %dma_wait3A_76 = tpu.memref_squeeze %dma_wait3A_75 : memref<1x128xi32, #tpu.memory_space<vmem>> -> memref<128xi32, #tpu.memory_space<vmem>>
      %dma_wait3A_77 = arith.constant 0 : i32
      %dma_wait3A_78 = arith.constant 0 : i32
      %dma_wait3A_79 = tpu.memref_slice %arg2[%dma_wait3A_77, %dma_wait3A_78] : memref<10000x128xf32, #tpu.memory_space<hbm>> -> memref<10000x128xf32, #tpu.memory_space<hbm>>
      tpu.wait_indirect_dma semaphore(%arg13 : memref<!tpu.dma_semaphore, #tpu.memory_space<semaphore_mem>>) src(%dma_wait3A_79 : memref<10000x128xf32, #tpu.memory_space<hbm>>) dst(%arg11 : memref<128x128xf32, #tpu.memory_space<vmem>>)
      "tpu.region"() ({
        %run_scoped3A = tpu.sem_alloc : memref<!tpu.dma_semaphore, #tpu.memory_space<semaphore_mem>>
        %dma_start3A_88 = arith.constant 0 : i32
        %dma_start3A_89 = arith.constant 0 : i32
        %dma_start3A_90 = tpu.memref_slice %arg17[%dma_start3A_88, %dma_start3A_89] : memref<10240x128xf32, #tpu.memory_space<vmem_shared>> -> memref<10240x128xf32, #tpu.memory_space<vmem_shared>>
        tpu.enqueue_indirect_dma source(%arg11 : memref<128x128xf32, #tpu.memory_space<vmem>>) target(%dma_start3A_90 : memref<10240x128xf32, #tpu.memory_space<vmem_shared>>) offsets(%arg9 : memref<128xi32, #tpu.memory_space<vmem>>) semaphore(%run_scoped3A : memref<!tpu.dma_semaphore, #tpu.memory_space<semaphore_mem>>) {add = true}
        %dma_wait3A_91 = arith.constant 0 : i32
        %dma_wait3A_92 = arith.constant 0 : i32
        %dma_wait3A_93 = tpu.memref_slice %arg17[%dma_wait3A_91, %dma_wait3A_92] : memref<10240x128xf32, #tpu.memory_space<vmem_shared>> -> memref<10240x128xf32, #tpu.memory_space<vmem_shared>>
        tpu.wait_indirect_dma semaphore(%run_scoped3A : memref<!tpu.dma_semaphore, #tpu.memory_space<semaphore_mem>>) src(%arg11 : memref<128x128xf32, #tpu.memory_space<vmem>>) dst(%dma_wait3A_93 : memref<10240x128xf32, #tpu.memory_space<vmem_shared>>)
        tpu.yield
      }) : () -> ()
      %dma_wait3A_80 = tpu.memref_slice %arg4[%add3A_56] : memref<327680xi32, #tpu.memory_space<hbm>> -> memref<128xi32, #tpu.memory_space<hbm>>
      %dma_wait3A_81 = tpu.memref_slice %arg4[%add3A_56] : memref<327680xi32, #tpu.memory_space<hbm>> -> memref<128xi32, #tpu.memory_space<hbm>>
      tpu.wait_dma2 semaphore(%arg16 : memref<!tpu.dma_semaphore, #tpu.memory_space<semaphore_mem>>) src(%dma_wait3A_81 : memref<128xi32, #tpu.memory_space<hbm>>) dst(%arg10 : memref<128xi32, #tpu.memory_space<vmem>>)
      %dma_wait3A_82 = arith.constant 0 : i32
      %dma_wait3A_83 = tpu.memref_slice %arg8[%add3A_66, %dma_wait3A_82] : memref<40x128xi32, #tpu.memory_space<vmem>> -> memref<1x128xi32, #tpu.memory_space<vmem>>
      %dma_wait3A_84 = tpu.memref_squeeze %dma_wait3A_83 : memref<1x128xi32, #tpu.memory_space<vmem>> -> memref<128xi32, #tpu.memory_space<vmem>>
      %dma_wait3A_85 = arith.constant 0 : i32
      %dma_wait3A_86 = arith.constant 0 : i32
      %dma_wait3A_87 = tpu.memref_slice %arg2[%dma_wait3A_85, %dma_wait3A_86] : memref<10000x128xf32, #tpu.memory_space<hbm>> -> memref<10000x128xf32, #tpu.memory_space<hbm>>
      tpu.wait_indirect_dma semaphore(%arg14 : memref<!tpu.dma_semaphore, #tpu.memory_space<semaphore_mem>>) src(%dma_wait3A_87 : memref<10000x128xf32, #tpu.memory_space<hbm>>) dst(%arg12 : memref<128x128xf32, #tpu.memory_space<vmem>>)
      "tpu.region"() ({
        %run_scoped3A = tpu.sem_alloc : memref<!tpu.dma_semaphore, #tpu.memory_space<semaphore_mem>>
        %dma_start3A_88 = arith.constant 0 : i32
        %dma_start3A_89 = arith.constant 0 : i32
        %dma_start3A_90 = tpu.memref_slice %arg17[%dma_start3A_88, %dma_start3A_89] : memref<10240x128xf32, #tpu.memory_space<vmem_shared>> -> memref<10240x128xf32, #tpu.memory_space<vmem_shared>>
        tpu.enqueue_indirect_dma source(%arg12 : memref<128x128xf32, #tpu.memory_space<vmem>>) target(%dma_start3A_90 : memref<10240x128xf32, #tpu.memory_space<vmem_shared>>) offsets(%arg10 : memref<128xi32, #tpu.memory_space<vmem>>) semaphore(%run_scoped3A : memref<!tpu.dma_semaphore, #tpu.memory_space<semaphore_mem>>) {add = true}
        %dma_wait3A_91 = arith.constant 0 : i32
        %dma_wait3A_92 = arith.constant 0 : i32
        %dma_wait3A_93 = tpu.memref_slice %arg17[%dma_wait3A_91, %dma_wait3A_92] : memref<10240x128xf32, #tpu.memory_space<vmem_shared>> -> memref<10240x128xf32, #tpu.memory_space<vmem_shared>>
        tpu.wait_indirect_dma semaphore(%run_scoped3A : memref<!tpu.dma_semaphore, #tpu.memory_space<semaphore_mem>>) src(%arg12 : memref<128x128xf32, #tpu.memory_space<vmem>>) dst(%dma_wait3A_93 : memref<10240x128xf32, #tpu.memory_space<vmem_shared>>)
        tpu.yield
      }) : () -> ()
    }
    %scan3A_39 = arith.constant 20 : i32
    %barrier3A_40 = arith.constant 0 : index
    tpu.barrier barrier_id(%barrier3A_40)
    %eq3A = arith.constant 0 : i32
    %eq3A_41 = arith.cmpi eq, %arg0, %eq3A : i32
    %convert_element_type3A = arith.extui %eq3A_41 : i1 to i32
    %cond3A = arith.constant 0 : i32
    %cond3A_42 = arith.cmpi ne, %convert_element_type3A, %cond3A : i32
    scf.if %cond3A_42 {
      %mul3A_48 = arith.constant 640 : i32
      %mul3A_49 = arith.muli %arg1, %mul3A_48 : i32
      %add3A_50 = arith.constant 0 : i32
      %add3A_51 = arith.addi %mul3A_49, %add3A_50 : i32
      "tpu.region"() ({
        %run_scoped3A = tpu.sem_alloc : memref<!tpu.dma_semaphore, #tpu.memory_space<semaphore_mem>>
        %dma_start3A = arith.constant 0 : i32
        %dma_start3A_68 = tpu.memref_slice %arg17[%add3A_51, %dma_start3A] : memref<10240x128xf32, #tpu.memory_space<vmem_shared>> -> memref<128x128xf32, #tpu.memory_space<vmem_shared>>
        %dma_start3A_69 = arith.constant 0 : i32
        %dma_start3A_70 = tpu.memref_slice %arg17[%add3A_51, %dma_start3A_69] : memref<10240x128xf32, #tpu.memory_space<vmem_shared>> -> memref<128x128xf32, #tpu.memory_space<vmem_shared>>
        tpu.enqueue_dma source(%dma_start3A_70 : memref<128x128xf32, #tpu.memory_space<vmem_shared>>) target(%arg11 : memref<128x128xf32, #tpu.memory_space<vmem>>) target_semaphore(%run_scoped3A : memref<!tpu.dma_semaphore, #tpu.memory_space<semaphore_mem>>)
        %dma_wait3A = arith.constant 0 : i32
        %dma_wait3A_71 = tpu.memref_slice %arg17[%add3A_51, %dma_wait3A] : memref<10240x128xf32, #tpu.memory_space<vmem_shared>> -> memref<128x128xf32, #tpu.memory_space<vmem_shared>>
        %dma_wait3A_72 = arith.constant 0 : i32
        %dma_wait3A_73 = tpu.memref_slice %arg17[%add3A_51, %dma_wait3A_72] : memref<10240x128xf32, #tpu.memory_space<vmem_shared>> -> memref<128x128xf32, #tpu.memory_space<vmem_shared>>
        tpu.wait_dma2 semaphore(%run_scoped3A : memref<!tpu.dma_semaphore, #tpu.memory_space<semaphore_mem>>) src(%dma_wait3A_73 : memref<128x128xf32, #tpu.memory_space<vmem_shared>>) dst(%arg11 : memref<128x128xf32, #tpu.memory_space<vmem>>)
        tpu.yield
      }) : () -> ()
      "tpu.region"() ({
        %run_scoped3A = tpu.sem_alloc : memref<!tpu.dma_semaphore, #tpu.memory_space<semaphore_mem>>
        %dma_start3A = arith.constant 0 : i32
        %dma_start3A_68 = tpu.memref_slice %arg6[%add3A_51, %dma_start3A] : memref<10240x128xf32, #tpu.memory_space<hbm>> -> memref<128x128xf32, #tpu.memory_space<hbm>>
        %dma_start3A_69 = arith.constant 0 : i32
        %dma_start3A_70 = tpu.memref_slice %arg6[%add3A_51, %dma_start3A_69] : memref<10240x128xf32, #tpu.memory_space<hbm>> -> memref<128x128xf32, #tpu.memory_space<hbm>>
        tpu.enqueue_dma source(%arg11 : memref<128x128xf32, #tpu.memory_space<vmem>>) target(%dma_start3A_70 : memref<128x128xf32, #tpu.memory_space<hbm>>) target_semaphore(%run_scoped3A : memref<!tpu.dma_semaphore, #tpu.memory_space<semaphore_mem>>)
        %dma_wait3A = arith.constant 0 : i32
        %dma_wait3A_71 = tpu.memref_slice %arg6[%add3A_51, %dma_wait3A] : memref<10240x128xf32, #tpu.memory_space<hbm>> -> memref<128x128xf32, #tpu.memory_space<hbm>>
        %dma_wait3A_72 = arith.constant 0 : i32
        %dma_wait3A_73 = tpu.memref_slice %arg6[%add3A_51, %dma_wait3A_72] : memref<10240x128xf32, #tpu.memory_space<hbm>> -> memref<128x128xf32, #tpu.memory_space<hbm>>
        tpu.wait_dma2 semaphore(%run_scoped3A : memref<!tpu.dma_semaphore, #tpu.memory_space<semaphore_mem>>) src(%arg11 : memref<128x128xf32, #tpu.memory_space<vmem>>) dst(%dma_wait3A_73 : memref<128x128xf32, #tpu.memory_space<hbm>>)
        tpu.yield
      }) : () -> ()
      %mul3A_52 = arith.constant 640 : i32
      %mul3A_53 = arith.muli %arg1, %mul3A_52 : i32
      %add3A_54 = arith.constant 128 : i32
      %add3A_55 = arith.addi %mul3A_53, %add3A_54 : i32
      "tpu.region"() ({
        %run_scoped3A = tpu.sem_alloc : memref<!tpu.dma_semaphore, #tpu.memory_space<semaphore_mem>>
        %dma_start3A = arith.constant 0 : i32
        %dma_start3A_68 = tpu.memref_slice %arg17[%add3A_55, %dma_start3A] : memref<10240x128xf32, #tpu.memory_space<vmem_shared>> -> memref<128x128xf32, #tpu.memory_space<vmem_shared>>
        %dma_start3A_69 = arith.constant 0 : i32
        %dma_start3A_70 = tpu.memref_slice %arg17[%add3A_55, %dma_start3A_69] : memref<10240x128xf32, #tpu.memory_space<vmem_shared>> -> memref<128x128xf32, #tpu.memory_space<vmem_shared>>
        tpu.enqueue_dma source(%dma_start3A_70 : memref<128x128xf32, #tpu.memory_space<vmem_shared>>) target(%arg11 : memref<128x128xf32, #tpu.memory_space<vmem>>) target_semaphore(%run_scoped3A : memref<!tpu.dma_semaphore, #tpu.memory_space<semaphore_mem>>)
        %dma_wait3A = arith.constant 0 : i32
        %dma_wait3A_71 = tpu.memref_slice %arg17[%add3A_55, %dma_wait3A] : memref<10240x128xf32, #tpu.memory_space<vmem_shared>> -> memref<128x128xf32, #tpu.memory_space<vmem_shared>>
        %dma_wait3A_72 = arith.constant 0 : i32
        %dma_wait3A_73 = tpu.memref_slice %arg17[%add3A_55, %dma_wait3A_72] : memref<10240x128xf32, #tpu.memory_space<vmem_shared>> -> memref<128x128xf32, #tpu.memory_space<vmem_shared>>
        tpu.wait_dma2 semaphore(%run_scoped3A : memref<!tpu.dma_semaphore, #tpu.memory_space<semaphore_mem>>) src(%dma_wait3A_73 : memref<128x128xf32, #tpu.memory_space<vmem_shared>>) dst(%arg11 : memref<128x128xf32, #tpu.memory_space<vmem>>)
        tpu.yield
      }) : () -> ()
      "tpu.region"() ({
        %run_scoped3A = tpu.sem_alloc : memref<!tpu.dma_semaphore, #tpu.memory_space<semaphore_mem>>
        %dma_start3A = arith.constant 0 : i32
        %dma_start3A_68 = tpu.memref_slice %arg6[%add3A_55, %dma_start3A] : memref<10240x128xf32, #tpu.memory_space<hbm>> -> memref<128x128xf32, #tpu.memory_space<hbm>>
        %dma_start3A_69 = arith.constant 0 : i32
        %dma_start3A_70 = tpu.memref_slice %arg6[%add3A_55, %dma_start3A_69] : memref<10240x128xf32, #tpu.memory_space<hbm>> -> memref<128x128xf32, #tpu.memory_space<hbm>>
        tpu.enqueue_dma source(%arg11 : memref<128x128xf32, #tpu.memory_space<vmem>>) target(%dma_start3A_70 : memref<128x128xf32, #tpu.memory_space<hbm>>) target_semaphore(%run_scoped3A : memref<!tpu.dma_semaphore, #tpu.memory_space<semaphore_mem>>)
        %dma_wait3A = arith.constant 0 : i32
        %dma_wait3A_71 = tpu.memref_slice %arg6[%add3A_55, %dma_wait3A] : memref<10240x128xf32, #tpu.memory_space<hbm>> -> memref<128x128xf32, #tpu.memory_space<hbm>>
        %dma_wait3A_72 = arith.constant 0 : i32
        %dma_wait3A_73 = tpu.memref_slice %arg6[%add3A_55, %dma_wait3A_72] : memref<10240x128xf32, #tpu.memory_space<hbm>> -> memref<128x128xf32, #tpu.memory_space<hbm>>
        tpu.wait_dma2 semaphore(%run_scoped3A : memref<!tpu.dma_semaphore, #tpu.memory_space<semaphore_mem>>) src(%arg11 : memref<128x128xf32, #tpu.memory_space<vmem>>) dst(%dma_wait3A_73 : memref<128x128xf32, #tpu.memory_space<hbm>>)
        tpu.yield
      }) : () -> ()
      %mul3A_56 = arith.constant 640 : i32
      %mul3A_57 = arith.muli %arg1, %mul3A_56 : i32
      %add3A_58 = arith.constant 256 : i32
      %add3A_59 = arith.addi %mul3A_57, %add3A_58 : i32
      "tpu.region"() ({
        %run_scoped3A = tpu.sem_alloc : memref<!tpu.dma_semaphore, #tpu.memory_space<semaphore_mem>>
        %dma_start3A = arith.constant 0 : i32
        %dma_start3A_68 = tpu.memref_slice %arg17[%add3A_59, %dma_start3A] : memref<10240x128xf32, #tpu.memory_space<vmem_shared>> -> memref<128x128xf32, #tpu.memory_space<vmem_shared>>
        %dma_start3A_69 = arith.constant 0 : i32
        %dma_start3A_70 = tpu.memref_slice %arg17[%add3A_59, %dma_start3A_69] : memref<10240x128xf32, #tpu.memory_space<vmem_shared>> -> memref<128x128xf32, #tpu.memory_space<vmem_shared>>
        tpu.enqueue_dma source(%dma_start3A_70 : memref<128x128xf32, #tpu.memory_space<vmem_shared>>) target(%arg11 : memref<128x128xf32, #tpu.memory_space<vmem>>) target_semaphore(%run_scoped3A : memref<!tpu.dma_semaphore, #tpu.memory_space<semaphore_mem>>)
        %dma_wait3A = arith.constant 0 : i32
        %dma_wait3A_71 = tpu.memref_slice %arg17[%add3A_59, %dma_wait3A] : memref<10240x128xf32, #tpu.memory_space<vmem_shared>> -> memref<128x128xf32, #tpu.memory_space<vmem_shared>>
        %dma_wait3A_72 = arith.constant 0 : i32
        %dma_wait3A_73 = tpu.memref_slice %arg17[%add3A_59, %dma_wait3A_72] : memref<10240x128xf32, #tpu.memory_space<vmem_shared>> -> memref<128x128xf32, #tpu.memory_space<vmem_shared>>
        tpu.wait_dma2 semaphore(%run_scoped3A : memref<!tpu.dma_semaphore, #tpu.memory_space<semaphore_mem>>) src(%dma_wait3A_73 : memref<128x128xf32, #tpu.memory_space<vmem_shared>>) dst(%arg11 : memref<128x128xf32, #tpu.memory_space<vmem>>)
        tpu.yield
      }) : () -> ()
      "tpu.region"() ({
        %run_scoped3A = tpu.sem_alloc : memref<!tpu.dma_semaphore, #tpu.memory_space<semaphore_mem>>
        %dma_start3A = arith.constant 0 : i32
        %dma_start3A_68 = tpu.memref_slice %arg6[%add3A_59, %dma_start3A] : memref<10240x128xf32, #tpu.memory_space<hbm>> -> memref<128x128xf32, #tpu.memory_space<hbm>>
        %dma_start3A_69 = arith.constant 0 : i32
        %dma_start3A_70 = tpu.memref_slice %arg6[%add3A_59, %dma_start3A_69] : memref<10240x128xf32, #tpu.memory_space<hbm>> -> memref<128x128xf32, #tpu.memory_space<hbm>>
        tpu.enqueue_dma source(%arg11 : memref<128x128xf32, #tpu.memory_space<vmem>>) target(%dma_start3A_70 : memref<128x128xf32, #tpu.memory_space<hbm>>) target_semaphore(%run_scoped3A : memref<!tpu.dma_semaphore, #tpu.memory_space<semaphore_mem>>)
        %dma_wait3A = arith.constant 0 : i32
        %dma_wait3A_71 = tpu.memref_slice %arg6[%add3A_59, %dma_wait3A] : memref<10240x128xf32, #tpu.memory_space<hbm>> -> memref<128x128xf32, #tpu.memory_space<hbm>>
        %dma_wait3A_72 = arith.constant 0 : i32
        %dma_wait3A_73 = tpu.memref_slice %arg6[%add3A_59, %dma_wait3A_72] : memref<10240x128xf32, #tpu.memory_space<hbm>> -> memref<128x128xf32, #tpu.memory_space<hbm>>
        tpu.wait_dma2 semaphore(%run_scoped3A : memref<!tpu.dma_semaphore, #tpu.memory_space<semaphore_mem>>) src(%arg11 : memref<128x128xf32, #tpu.memory_space<vmem>>) dst(%dma_wait3A_73 : memref<128x128xf32, #tpu.memory_space<hbm>>)
        tpu.yield
      }) : () -> ()
      %mul3A_60 = arith.constant 640 : i32
      %mul3A_61 = arith.muli %arg1, %mul3A_60 : i32
      %add3A_62 = arith.constant 384 : i32
      %add3A_63 = arith.addi %mul3A_61, %add3A_62 : i32
      "tpu.region"() ({
        %run_scoped3A = tpu.sem_alloc : memref<!tpu.dma_semaphore, #tpu.memory_space<semaphore_mem>>
        %dma_start3A = arith.constant 0 : i32
        %dma_start3A_68 = tpu.memref_slice %arg17[%add3A_63, %dma_start3A] : memref<10240x128xf32, #tpu.memory_space<vmem_shared>> -> memref<128x128xf32, #tpu.memory_space<vmem_shared>>
        %dma_start3A_69 = arith.constant 0 : i32
        %dma_start3A_70 = tpu.memref_slice %arg17[%add3A_63, %dma_start3A_69] : memref<10240x128xf32, #tpu.memory_space<vmem_shared>> -> memref<128x128xf32, #tpu.memory_space<vmem_shared>>
        tpu.enqueue_dma source(%dma_start3A_70 : memref<128x128xf32, #tpu.memory_space<vmem_shared>>) target(%arg11 : memref<128x128xf32, #tpu.memory_space<vmem>>) target_semaphore(%run_scoped3A : memref<!tpu.dma_semaphore, #tpu.memory_space<semaphore_mem>>)
        %dma_wait3A = arith.constant 0 : i32
        %dma_wait3A_71 = tpu.memref_slice %arg17[%add3A_63, %dma_wait3A] : memref<10240x128xf32, #tpu.memory_space<vmem_shared>> -> memref<128x128xf32, #tpu.memory_space<vmem_shared>>
        %dma_wait3A_72 = arith.constant 0 : i32
        %dma_wait3A_73 = tpu.memref_slice %arg17[%add3A_63, %dma_wait3A_72] : memref<10240x128xf32, #tpu.memory_space<vmem_shared>> -> memref<128x128xf32, #tpu.memory_space<vmem_shared>>
        tpu.wait_dma2 semaphore(%run_scoped3A : memref<!tpu.dma_semaphore, #tpu.memory_space<semaphore_mem>>) src(%dma_wait3A_73 : memref<128x128xf32, #tpu.memory_space<vmem_shared>>) dst(%arg11 : memref<128x128xf32, #tpu.memory_space<vmem>>)
        tpu.yield
      }) : () -> ()
      "tpu.region"() ({
        %run_scoped3A = tpu.sem_alloc : memref<!tpu.dma_semaphore, #tpu.memory_space<semaphore_mem>>
        %dma_start3A = arith.constant 0 : i32
        %dma_start3A_68 = tpu.memref_slice %arg6[%add3A_63, %dma_start3A] : memref<10240x128xf32, #tpu.memory_space<hbm>> -> memref<128x128xf32, #tpu.memory_space<hbm>>
        %dma_start3A_69 = arith.constant 0 : i32
        %dma_start3A_70 = tpu.memref_slice %arg6[%add3A_63, %dma_start3A_69] : memref<10240x128xf32, #tpu.memory_space<hbm>> -> memref<128x128xf32, #tpu.memory_space<hbm>>
        tpu.enqueue_dma source(%arg11 : memref<128x128xf32, #tpu.memory_space<vmem>>) target(%dma_start3A_70 : memref<128x128xf32, #tpu.memory_space<hbm>>) target_semaphore(%run_scoped3A : memref<!tpu.dma_semaphore, #tpu.memory_space<semaphore_mem>>)
        %dma_wait3A = arith.constant 0 : i32
        %dma_wait3A_71 = tpu.memref_slice %arg6[%add3A_63, %dma_wait3A] : memref<10240x128xf32, #tpu.memory_space<hbm>> -> memref<128x128xf32, #tpu.memory_space<hbm>>
        %dma_wait3A_72 = arith.constant 0 : i32
        %dma_wait3A_73 = tpu.memref_slice %arg6[%add3A_63, %dma_wait3A_72] : memref<10240x128xf32, #tpu.memory_space<hbm>> -> memref<128x128xf32, #tpu.memory_space<hbm>>
        tpu.wait_dma2 semaphore(%run_scoped3A : memref<!tpu.dma_semaphore, #tpu.memory_space<semaphore_mem>>) src(%arg11 : memref<128x128xf32, #tpu.memory_space<vmem>>) dst(%dma_wait3A_73 : memref<128x128xf32, #tpu.memory_space<hbm>>)
        tpu.yield
      }) : () -> ()
      %mul3A_64 = arith.constant 640 : i32
      %mul3A_65 = arith.muli %arg1, %mul3A_64 : i32
      %add3A_66 = arith.constant 512 : i32
      %add3A_67 = arith.addi %mul3A_65, %add3A_66 : i32
      "tpu.region"() ({
        %run_scoped3A = tpu.sem_alloc : memref<!tpu.dma_semaphore, #tpu.memory_space<semaphore_mem>>
        %dma_start3A = arith.constant 0 : i32
        %dma_start3A_68 = tpu.memref_slice %arg17[%add3A_67, %dma_start3A] : memref<10240x128xf32, #tpu.memory_space<vmem_shared>> -> memref<128x128xf32, #tpu.memory_space<vmem_shared>>
        %dma_start3A_69 = arith.constant 0 : i32
        %dma_start3A_70 = tpu.memref_slice %arg17[%add3A_67, %dma_start3A_69] : memref<10240x128xf32, #tpu.memory_space<vmem_shared>> -> memref<128x128xf32, #tpu.memory_space<vmem_shared>>
        tpu.enqueue_dma source(%dma_start3A_70 : memref<128x128xf32, #tpu.memory_space<vmem_shared>>) target(%arg11 : memref<128x128xf32, #tpu.memory_space<vmem>>) target_semaphore(%run_scoped3A : memref<!tpu.dma_semaphore, #tpu.memory_space<semaphore_mem>>)
        %dma_wait3A = arith.constant 0 : i32
        %dma_wait3A_71 = tpu.memref_slice %arg17[%add3A_67, %dma_wait3A] : memref<10240x128xf32, #tpu.memory_space<vmem_shared>> -> memref<128x128xf32, #tpu.memory_space<vmem_shared>>
        %dma_wait3A_72 = arith.constant 0 : i32
        %dma_wait3A_73 = tpu.memref_slice %arg17[%add3A_67, %dma_wait3A_72] : memref<10240x128xf32, #tpu.memory_space<vmem_shared>> -> memref<128x128xf32, #tpu.memory_space<vmem_shared>>
        tpu.wait_dma2 semaphore(%run_scoped3A : memref<!tpu.dma_semaphore, #tpu.memory_space<semaphore_mem>>) src(%dma_wait3A_73 : memref<128x128xf32, #tpu.memory_space<vmem_shared>>) dst(%arg11 : memref<128x128xf32, #tpu.memory_space<vmem>>)
        tpu.yield
      }) : () -> ()
      "tpu.region"() ({
        %run_scoped3A = tpu.sem_alloc : memref<!tpu.dma_semaphore, #tpu.memory_space<semaphore_mem>>
        %dma_start3A = arith.constant 0 : i32
        %dma_start3A_68 = tpu.memref_slice %arg6[%add3A_67, %dma_start3A] : memref<10240x128xf32, #tpu.memory_space<hbm>> -> memref<128x128xf32, #tpu.memory_space<hbm>>
        %dma_start3A_69 = arith.constant 0 : i32
        %dma_start3A_70 = tpu.memref_slice %arg6[%add3A_67, %dma_start3A_69] : memref<10240x128xf32, #tpu.memory_space<hbm>> -> memref<128x128xf32, #tpu.memory_space<hbm>>
        tpu.enqueue_dma source(%arg11 : memref<128x128xf32, #tpu.memory_space<vmem>>) target(%dma_start3A_70 : memref<128x128xf32, #tpu.memory_space<hbm>>) target_semaphore(%run_scoped3A : memref<!tpu.dma_semaphore, #tpu.memory_space<semaphore_mem>>)
        %dma_wait3A = arith.constant 0 : i32
        %dma_wait3A_71 = tpu.memref_slice %arg6[%add3A_67, %dma_wait3A] : memref<10240x128xf32, #tpu.memory_space<hbm>> -> memref<128x128xf32, #tpu.memory_space<hbm>>
        %dma_wait3A_72 = arith.constant 0 : i32
        %dma_wait3A_73 = tpu.memref_slice %arg6[%add3A_67, %dma_wait3A_72] : memref<10240x128xf32, #tpu.memory_space<hbm>> -> memref<128x128xf32, #tpu.memory_space<hbm>>
        tpu.wait_dma2 semaphore(%run_scoped3A : memref<!tpu.dma_semaphore, #tpu.memory_space<semaphore_mem>>) src(%arg11 : memref<128x128xf32, #tpu.memory_space<vmem>>) dst(%dma_wait3A_73 : memref<128x128xf32, #tpu.memory_space<hbm>>)
        tpu.yield
      }) : () -> ()
    } else {
    }
    %eq3A_43 = arith.constant 1 : i32
    %eq3A_44 = arith.cmpi eq, %arg0, %eq3A_43 : i32
    %convert_element_type3A_45 = arith.extui %eq3A_44 : i1 to i32
    %cond3A_46 = arith.constant 0 : i32
    %cond3A_47 = arith.cmpi ne, %convert_element_type3A_45, %cond3A_46 : i32
    scf.if %cond3A_47 {
      %mul3A_48 = arith.constant 640 : i32
      %mul3A_49 = arith.muli %arg1, %mul3A_48 : i32
      %add3A_50 = arith.constant 0 : i32
      %add3A_51 = arith.addi %mul3A_49, %add3A_50 : i32
      "tpu.region"() ({
        %run_scoped3A = tpu.sem_alloc : memref<!tpu.dma_semaphore, #tpu.memory_space<semaphore_mem>>
        %dma_start3A = arith.constant 0 : i32
        %dma_start3A_68 = tpu.memref_slice %arg17[%add3A_51, %dma_start3A] : memref<10240x128xf32, #tpu.memory_space<vmem_shared>> -> memref<128x128xf32, #tpu.memory_space<vmem_shared>>
        %dma_start3A_69 = arith.constant 0 : i32
        %dma_start3A_70 = tpu.memref_slice %arg17[%add3A_51, %dma_start3A_69] : memref<10240x128xf32, #tpu.memory_space<vmem_shared>> -> memref<128x128xf32, #tpu.memory_space<vmem_shared>>
        tpu.enqueue_dma source(%dma_start3A_70 : memref<128x128xf32, #tpu.memory_space<vmem_shared>>) target(%arg11 : memref<128x128xf32, #tpu.memory_space<vmem>>) target_semaphore(%run_scoped3A : memref<!tpu.dma_semaphore, #tpu.memory_space<semaphore_mem>>)
        %dma_wait3A = arith.constant 0 : i32
        %dma_wait3A_71 = tpu.memref_slice %arg17[%add3A_51, %dma_wait3A] : memref<10240x128xf32, #tpu.memory_space<vmem_shared>> -> memref<128x128xf32, #tpu.memory_space<vmem_shared>>
        %dma_wait3A_72 = arith.constant 0 : i32
        %dma_wait3A_73 = tpu.memref_slice %arg17[%add3A_51, %dma_wait3A_72] : memref<10240x128xf32, #tpu.memory_space<vmem_shared>> -> memref<128x128xf32, #tpu.memory_space<vmem_shared>>
        tpu.wait_dma2 semaphore(%run_scoped3A : memref<!tpu.dma_semaphore, #tpu.memory_space<semaphore_mem>>) src(%dma_wait3A_73 : memref<128x128xf32, #tpu.memory_space<vmem_shared>>) dst(%arg11 : memref<128x128xf32, #tpu.memory_space<vmem>>)
        tpu.yield
      }) : () -> ()
      "tpu.region"() ({
        %run_scoped3A = tpu.sem_alloc : memref<!tpu.dma_semaphore, #tpu.memory_space<semaphore_mem>>
        %dma_start3A = arith.constant 0 : i32
        %dma_start3A_68 = tpu.memref_slice %arg7[%add3A_51, %dma_start3A] : memref<10240x128xf32, #tpu.memory_space<hbm>> -> memref<128x128xf32, #tpu.memory_space<hbm>>
        %dma_start3A_69 = arith.constant 0 : i32
        %dma_start3A_70 = tpu.memref_slice %arg7[%add3A_51, %dma_start3A_69] : memref<10240x128xf32, #tpu.memory_space<hbm>> -> memref<128x128xf32, #tpu.memory_space<hbm>>
        tpu.enqueue_dma source(%arg11 : memref<128x128xf32, #tpu.memory_space<vmem>>) target(%dma_start3A_70 : memref<128x128xf32, #tpu.memory_space<hbm>>) target_semaphore(%run_scoped3A : memref<!tpu.dma_semaphore, #tpu.memory_space<semaphore_mem>>)
        %dma_wait3A = arith.constant 0 : i32
        %dma_wait3A_71 = tpu.memref_slice %arg7[%add3A_51, %dma_wait3A] : memref<10240x128xf32, #tpu.memory_space<hbm>> -> memref<128x128xf32, #tpu.memory_space<hbm>>
        %dma_wait3A_72 = arith.constant 0 : i32
        %dma_wait3A_73 = tpu.memref_slice %arg7[%add3A_51, %dma_wait3A_72] : memref<10240x128xf32, #tpu.memory_space<hbm>> -> memref<128x128xf32, #tpu.memory_space<hbm>>
        tpu.wait_dma2 semaphore(%run_scoped3A : memref<!tpu.dma_semaphore, #tpu.memory_space<semaphore_mem>>) src(%arg11 : memref<128x128xf32, #tpu.memory_space<vmem>>) dst(%dma_wait3A_73 : memref<128x128xf32, #tpu.memory_space<hbm>>)
        tpu.yield
      }) : () -> ()
      %mul3A_52 = arith.constant 640 : i32
      %mul3A_53 = arith.muli %arg1, %mul3A_52 : i32
      %add3A_54 = arith.constant 128 : i32
      %add3A_55 = arith.addi %mul3A_53, %add3A_54 : i32
      "tpu.region"() ({
        %run_scoped3A = tpu.sem_alloc : memref<!tpu.dma_semaphore, #tpu.memory_space<semaphore_mem>>
        %dma_start3A = arith.constant 0 : i32
        %dma_start3A_68 = tpu.memref_slice %arg17[%add3A_55, %dma_start3A] : memref<10240x128xf32, #tpu.memory_space<vmem_shared>> -> memref<128x128xf32, #tpu.memory_space<vmem_shared>>
        %dma_start3A_69 = arith.constant 0 : i32
        %dma_start3A_70 = tpu.memref_slice %arg17[%add3A_55, %dma_start3A_69] : memref<10240x128xf32, #tpu.memory_space<vmem_shared>> -> memref<128x128xf32, #tpu.memory_space<vmem_shared>>
        tpu.enqueue_dma source(%dma_start3A_70 : memref<128x128xf32, #tpu.memory_space<vmem_shared>>) target(%arg11 : memref<128x128xf32, #tpu.memory_space<vmem>>) target_semaphore(%run_scoped3A : memref<!tpu.dma_semaphore, #tpu.memory_space<semaphore_mem>>)
        %dma_wait3A = arith.constant 0 : i32
        %dma_wait3A_71 = tpu.memref_slice %arg17[%add3A_55, %dma_wait3A] : memref<10240x128xf32, #tpu.memory_space<vmem_shared>> -> memref<128x128xf32, #tpu.memory_space<vmem_shared>>
        %dma_wait3A_72 = arith.constant 0 : i32
        %dma_wait3A_73 = tpu.memref_slice %arg17[%add3A_55, %dma_wait3A_72] : memref<10240x128xf32, #tpu.memory_space<vmem_shared>> -> memref<128x128xf32, #tpu.memory_space<vmem_shared>>
        tpu.wait_dma2 semaphore(%run_scoped3A : memref<!tpu.dma_semaphore, #tpu.memory_space<semaphore_mem>>) src(%dma_wait3A_73 : memref<128x128xf32, #tpu.memory_space<vmem_shared>>) dst(%arg11 : memref<128x128xf32, #tpu.memory_space<vmem>>)
        tpu.yield
      }) : () -> ()
      "tpu.region"() ({
        %run_scoped3A = tpu.sem_alloc : memref<!tpu.dma_semaphore, #tpu.memory_space<semaphore_mem>>
        %dma_start3A = arith.constant 0 : i32
        %dma_start3A_68 = tpu.memref_slice %arg7[%add3A_55, %dma_start3A] : memref<10240x128xf32, #tpu.memory_space<hbm>> -> memref<128x128xf32, #tpu.memory_space<hbm>>
        %dma_start3A_69 = arith.constant 0 : i32
        %dma_start3A_70 = tpu.memref_slice %arg7[%add3A_55, %dma_start3A_69] : memref<10240x128xf32, #tpu.memory_space<hbm>> -> memref<128x128xf32, #tpu.memory_space<hbm>>
        tpu.enqueue_dma source(%arg11 : memref<128x128xf32, #tpu.memory_space<vmem>>) target(%dma_start3A_70 : memref<128x128xf32, #tpu.memory_space<hbm>>) target_semaphore(%run_scoped3A : memref<!tpu.dma_semaphore, #tpu.memory_space<semaphore_mem>>)
        %dma_wait3A = arith.constant 0 : i32
        %dma_wait3A_71 = tpu.memref_slice %arg7[%add3A_55, %dma_wait3A] : memref<10240x128xf32, #tpu.memory_space<hbm>> -> memref<128x128xf32, #tpu.memory_space<hbm>>
        %dma_wait3A_72 = arith.constant 0 : i32
        %dma_wait3A_73 = tpu.memref_slice %arg7[%add3A_55, %dma_wait3A_72] : memref<10240x128xf32, #tpu.memory_space<hbm>> -> memref<128x128xf32, #tpu.memory_space<hbm>>
        tpu.wait_dma2 semaphore(%run_scoped3A : memref<!tpu.dma_semaphore, #tpu.memory_space<semaphore_mem>>) src(%arg11 : memref<128x128xf32, #tpu.memory_space<vmem>>) dst(%dma_wait3A_73 : memref<128x128xf32, #tpu.memory_space<hbm>>)
        tpu.yield
      }) : () -> ()
      %mul3A_56 = arith.constant 640 : i32
      %mul3A_57 = arith.muli %arg1, %mul3A_56 : i32
      %add3A_58 = arith.constant 256 : i32
      %add3A_59 = arith.addi %mul3A_57, %add3A_58 : i32
      "tpu.region"() ({
        %run_scoped3A = tpu.sem_alloc : memref<!tpu.dma_semaphore, #tpu.memory_space<semaphore_mem>>
        %dma_start3A = arith.constant 0 : i32
        %dma_start3A_68 = tpu.memref_slice %arg17[%add3A_59, %dma_start3A] : memref<10240x128xf32, #tpu.memory_space<vmem_shared>> -> memref<128x128xf32, #tpu.memory_space<vmem_shared>>
        %dma_start3A_69 = arith.constant 0 : i32
        %dma_start3A_70 = tpu.memref_slice %arg17[%add3A_59, %dma_start3A_69] : memref<10240x128xf32, #tpu.memory_space<vmem_shared>> -> memref<128x128xf32, #tpu.memory_space<vmem_shared>>
        tpu.enqueue_dma source(%dma_start3A_70 : memref<128x128xf32, #tpu.memory_space<vmem_shared>>) target(%arg11 : memref<128x128xf32, #tpu.memory_space<vmem>>) target_semaphore(%run_scoped3A : memref<!tpu.dma_semaphore, #tpu.memory_space<semaphore_mem>>)
        %dma_wait3A = arith.constant 0 : i32
        %dma_wait3A_71 = tpu.memref_slice %arg17[%add3A_59, %dma_wait3A] : memref<10240x128xf32, #tpu.memory_space<vmem_shared>> -> memref<128x128xf32, #tpu.memory_space<vmem_shared>>
        %dma_wait3A_72 = arith.constant 0 : i32
        %dma_wait3A_73 = tpu.memref_slice %arg17[%add3A_59, %dma_wait3A_72] : memref<10240x128xf32, #tpu.memory_space<vmem_shared>> -> memref<128x128xf32, #tpu.memory_space<vmem_shared>>
        tpu.wait_dma2 semaphore(%run_scoped3A : memref<!tpu.dma_semaphore, #tpu.memory_space<semaphore_mem>>) src(%dma_wait3A_73 : memref<128x128xf32, #tpu.memory_space<vmem_shared>>) dst(%arg11 : memref<128x128xf32, #tpu.memory_space<vmem>>)
        tpu.yield
      }) : () -> ()
      "tpu.region"() ({
        %run_scoped3A = tpu.sem_alloc : memref<!tpu.dma_semaphore, #tpu.memory_space<semaphore_mem>>
        %dma_start3A = arith.constant 0 : i32
        %dma_start3A_68 = tpu.memref_slice %arg7[%add3A_59, %dma_start3A] : memref<10240x128xf32, #tpu.memory_space<hbm>> -> memref<128x128xf32, #tpu.memory_space<hbm>>
        %dma_start3A_69 = arith.constant 0 : i32
        %dma_start3A_70 = tpu.memref_slice %arg7[%add3A_59, %dma_start3A_69] : memref<10240x128xf32, #tpu.memory_space<hbm>> -> memref<128x128xf32, #tpu.memory_space<hbm>>
        tpu.enqueue_dma source(%arg11 : memref<128x128xf32, #tpu.memory_space<vmem>>) target(%dma_start3A_70 : memref<128x128xf32, #tpu.memory_space<hbm>>) target_semaphore(%run_scoped3A : memref<!tpu.dma_semaphore, #tpu.memory_space<semaphore_mem>>)
        %dma_wait3A = arith.constant 0 : i32
        %dma_wait3A_71 = tpu.memref_slice %arg7[%add3A_59, %dma_wait3A] : memref<10240x128xf32, #tpu.memory_space<hbm>> -> memref<128x128xf32, #tpu.memory_space<hbm>>
        %dma_wait3A_72 = arith.constant 0 : i32
        %dma_wait3A_73 = tpu.memref_slice %arg7[%add3A_59, %dma_wait3A_72] : memref<10240x128xf32, #tpu.memory_space<hbm>> -> memref<128x128xf32, #tpu.memory_space<hbm>>
        tpu.wait_dma2 semaphore(%run_scoped3A : memref<!tpu.dma_semaphore, #tpu.memory_space<semaphore_mem>>) src(%arg11 : memref<128x128xf32, #tpu.memory_space<vmem>>) dst(%dma_wait3A_73 : memref<128x128xf32, #tpu.memory_space<hbm>>)
        tpu.yield
      }) : () -> ()
      %mul3A_60 = arith.constant 640 : i32
      %mul3A_61 = arith.muli %arg1, %mul3A_60 : i32
      %add3A_62 = arith.constant 384 : i32
      %add3A_63 = arith.addi %mul3A_61, %add3A_62 : i32
      "tpu.region"() ({
        %run_scoped3A = tpu.sem_alloc : memref<!tpu.dma_semaphore, #tpu.memory_space<semaphore_mem>>
        %dma_start3A = arith.constant 0 : i32
        %dma_start3A_68 = tpu.memref_slice %arg17[%add3A_63, %dma_start3A] : memref<10240x128xf32, #tpu.memory_space<vmem_shared>> -> memref<128x128xf32, #tpu.memory_space<vmem_shared>>
        %dma_start3A_69 = arith.constant 0 : i32
        %dma_start3A_70 = tpu.memref_slice %arg17[%add3A_63, %dma_start3A_69] : memref<10240x128xf32, #tpu.memory_space<vmem_shared>> -> memref<128x128xf32, #tpu.memory_space<vmem_shared>>
        tpu.enqueue_dma source(%dma_start3A_70 : memref<128x128xf32, #tpu.memory_space<vmem_shared>>) target(%arg11 : memref<128x128xf32, #tpu.memory_space<vmem>>) target_semaphore(%run_scoped3A : memref<!tpu.dma_semaphore, #tpu.memory_space<semaphore_mem>>)
        %dma_wait3A = arith.constant 0 : i32
        %dma_wait3A_71 = tpu.memref_slice %arg17[%add3A_63, %dma_wait3A] : memref<10240x128xf32, #tpu.memory_space<vmem_shared>> -> memref<128x128xf32, #tpu.memory_space<vmem_shared>>
        %dma_wait3A_72 = arith.constant 0 : i32
        %dma_wait3A_73 = tpu.memref_slice %arg17[%add3A_63, %dma_wait3A_72] : memref<10240x128xf32, #tpu.memory_space<vmem_shared>> -> memref<128x128xf32, #tpu.memory_space<vmem_shared>>
        tpu.wait_dma2 semaphore(%run_scoped3A : memref<!tpu.dma_semaphore, #tpu.memory_space<semaphore_mem>>) src(%dma_wait3A_73 : memref<128x128xf32, #tpu.memory_space<vmem_shared>>) dst(%arg11 : memref<128x128xf32, #tpu.memory_space<vmem>>)
        tpu.yield
      }) : () -> ()
      "tpu.region"() ({
        %run_scoped3A = tpu.sem_alloc : memref<!tpu.dma_semaphore, #tpu.memory_space<semaphore_mem>>
        %dma_start3A = arith.constant 0 : i32
        %dma_start3A_68 = tpu.memref_slice %arg7[%add3A_63, %dma_start3A] : memref<10240x128xf32, #tpu.memory_space<hbm>> -> memref<128x128xf32, #tpu.memory_space<hbm>>
        %dma_start3A_69 = arith.constant 0 : i32
        %dma_start3A_70 = tpu.memref_slice %arg7[%add3A_63, %dma_start3A_69] : memref<10240x128xf32, #tpu.memory_space<hbm>> -> memref<128x128xf32, #tpu.memory_space<hbm>>
        tpu.enqueue_dma source(%arg11 : memref<128x128xf32, #tpu.memory_space<vmem>>) target(%dma_start3A_70 : memref<128x128xf32, #tpu.memory_space<hbm>>) target_semaphore(%run_scoped3A : memref<!tpu.dma_semaphore, #tpu.memory_space<semaphore_mem>>)
        %dma_wait3A = arith.constant 0 : i32
        %dma_wait3A_71 = tpu.memref_slice %arg7[%add3A_63, %dma_wait3A] : memref<10240x128xf32, #tpu.memory_space<hbm>> -> memref<128x128xf32, #tpu.memory_space<hbm>>
        %dma_wait3A_72 = arith.constant 0 : i32
        %dma_wait3A_73 = tpu.memref_slice %arg7[%add3A_63, %dma_wait3A_72] : memref<10240x128xf32, #tpu.memory_space<hbm>> -> memref<128x128xf32, #tpu.memory_space<hbm>>
        tpu.wait_dma2 semaphore(%run_scoped3A : memref<!tpu.dma_semaphore, #tpu.memory_space<semaphore_mem>>) src(%arg11 : memref<128x128xf32, #tpu.memory_space<vmem>>) dst(%dma_wait3A_73 : memref<128x128xf32, #tpu.memory_space<hbm>>)
        tpu.yield
      }) : () -> ()
      %mul3A_64 = arith.constant 640 : i32
      %mul3A_65 = arith.muli %arg1, %mul3A_64 : i32
      %add3A_66 = arith.constant 512 : i32
      %add3A_67 = arith.addi %mul3A_65, %add3A_66 : i32
      "tpu.region"() ({
        %run_scoped3A = tpu.sem_alloc : memref<!tpu.dma_semaphore, #tpu.memory_space<semaphore_mem>>
        %dma_start3A = arith.constant 0 : i32
        %dma_start3A_68 = tpu.memref_slice %arg17[%add3A_67, %dma_start3A] : memref<10240x128xf32, #tpu.memory_space<vmem_shared>> -> memref<128x128xf32, #tpu.memory_space<vmem_shared>>
        %dma_start3A_69 = arith.constant 0 : i32
        %dma_start3A_70 = tpu.memref_slice %arg17[%add3A_67, %dma_start3A_69] : memref<10240x128xf32, #tpu.memory_space<vmem_shared>> -> memref<128x128xf32, #tpu.memory_space<vmem_shared>>
        tpu.enqueue_dma source(%dma_start3A_70 : memref<128x128xf32, #tpu.memory_space<vmem_shared>>) target(%arg11 : memref<128x128xf32, #tpu.memory_space<vmem>>) target_semaphore(%run_scoped3A : memref<!tpu.dma_semaphore, #tpu.memory_space<semaphore_mem>>)
        %dma_wait3A = arith.constant 0 : i32
        %dma_wait3A_71 = tpu.memref_slice %arg17[%add3A_67, %dma_wait3A] : memref<10240x128xf32, #tpu.memory_space<vmem_shared>> -> memref<128x128xf32, #tpu.memory_space<vmem_shared>>
        %dma_wait3A_72 = arith.constant 0 : i32
        %dma_wait3A_73 = tpu.memref_slice %arg17[%add3A_67, %dma_wait3A_72] : memref<10240x128xf32, #tpu.memory_space<vmem_shared>> -> memref<128x128xf32, #tpu.memory_space<vmem_shared>>
        tpu.wait_dma2 semaphore(%run_scoped3A : memref<!tpu.dma_semaphore, #tpu.memory_space<semaphore_mem>>) src(%dma_wait3A_73 : memref<128x128xf32, #tpu.memory_space<vmem_shared>>) dst(%arg11 : memref<128x128xf32, #tpu.memory_space<vmem>>)
        tpu.yield
      }) : () -> ()
      "tpu.region"() ({
        %run_scoped3A = tpu.sem_alloc : memref<!tpu.dma_semaphore, #tpu.memory_space<semaphore_mem>>
        %dma_start3A = arith.constant 0 : i32
        %dma_start3A_68 = tpu.memref_slice %arg7[%add3A_67, %dma_start3A] : memref<10240x128xf32, #tpu.memory_space<hbm>> -> memref<128x128xf32, #tpu.memory_space<hbm>>
        %dma_start3A_69 = arith.constant 0 : i32
        %dma_start3A_70 = tpu.memref_slice %arg7[%add3A_67, %dma_start3A_69] : memref<10240x128xf32, #tpu.memory_space<hbm>> -> memref<128x128xf32, #tpu.memory_space<hbm>>
        tpu.enqueue_dma source(%arg11 : memref<128x128xf32, #tpu.memory_space<vmem>>) target(%dma_start3A_70 : memref<128x128xf32, #tpu.memory_space<hbm>>) target_semaphore(%run_scoped3A : memref<!tpu.dma_semaphore, #tpu.memory_space<semaphore_mem>>)
        %dma_wait3A = arith.constant 0 : i32
        %dma_wait3A_71 = tpu.memref_slice %arg7[%add3A_67, %dma_wait3A] : memref<10240x128xf32, #tpu.memory_space<hbm>> -> memref<128x128xf32, #tpu.memory_space<hbm>>
        %dma_wait3A_72 = arith.constant 0 : i32
        %dma_wait3A_73 = tpu.memref_slice %arg7[%add3A_67, %dma_wait3A_72] : memref<10240x128xf32, #tpu.memory_space<hbm>> -> memref<128x128xf32, #tpu.memory_space<hbm>>
        tpu.wait_dma2 semaphore(%run_scoped3A : memref<!tpu.dma_semaphore, #tpu.memory_space<semaphore_mem>>) src(%arg11 : memref<128x128xf32, #tpu.memory_space<vmem>>) dst(%dma_wait3A_73 : memref<128x128xf32, #tpu.memory_space<hbm>>)
        tpu.yield
      }) : () -> ()
    } else {
    }
    return
  }
}

module attributes {stable_mosaic.version = 14 : i64} {
  func.func @_pre_body(%arg0: i32, %arg1: memref<2000x128xf32, #tpu.memory_space<vmem>>, %arg2: memref<128x128xf32, #tpu.memory_space<vmem>>, %arg3: memref<1x128xf32, #tpu.memory_space<vmem>>, %arg4: memref<2000x128xf32, #tpu.memory_space<vmem>>) attributes {dimension_semantics = [#tpu.dimension_semantics<arbitrary>], iteration_bounds = array<i64: 5>, scalar_prefetch = 0 : i64, scratch_operands = 0 : i64, tpu.core_type = #tpu.core_type<tc>, window_params = [{transform_indices = @transform_0, window_bounds = array<i64: 2000, 128>}, {pipeline_mode = #tpu.pipeline_mode<synchronous>, transform_indices = @transform_1, window_bounds = array<i64: 128, 128>}, {pipeline_mode = #tpu.pipeline_mode<synchronous>, transform_indices = @transform_2, window_bounds = array<i64: 1, 128>}, {transform_indices = @transform_3, window_bounds = array<i64: 2000, 128>}]} {
    %get3A = arith.constant 0 : index
    %get3A_0 = arith.constant 0 : index
    %get3A_1 = vector.load %arg1[%get3A, %get3A_0] : memref<2000x128xf32, #tpu.memory_space<vmem>>, vector<2000x128xf32>
    %get3A_2 = arith.constant 0 : index
    %get3A_3 = arith.constant 0 : index
    %get3A_4 = vector.load %arg2[%get3A_2, %get3A_3] : memref<128x128xf32, #tpu.memory_space<vmem>>, vector<128x128xf32>
    %dot_general3A = arith.constant dense<0.000000e+00> : vector<2000x128xf32>
    %dot_general3A_5 = tpu.matmul %get3A_1, %get3A_4, %dot_general3A {dimension_numbers = #tpu.dot_dimension_numbers<[1], [0], [0], [1], [0, 0, 1, 1], [], []>, transpose_lhs_hint = false} : vector<2000x128xf32>, vector<128x128xf32>, vector<2000x128xf32> -> vector<2000x128xf32>
    %get3A_6 = arith.constant 0 : index
    %get3A_7 = arith.constant 0 : index
    %get3A_8 = vector.load %arg3[%get3A_6, %get3A_7] : memref<1x128xf32, #tpu.memory_space<vmem>>, vector<1x128xf32>
    %add3A = vector.broadcast %get3A_8 : vector<1x128xf32> to vector<2000x128xf32>
    %add3A_9 = arith.addf %dot_general3A_5, %add3A : vector<2000x128xf32>
    %swap3A = arith.constant 0 : index
    %swap3A_10 = arith.constant 0 : index
    %swap3A_11 = vector.load %arg4[%swap3A, %swap3A_10] : memref<2000x128xf32, #tpu.memory_space<vmem>>, vector<2000x128xf32>
    tpu.vector_store %arg4[%swap3A, %swap3A_10], %add3A_9 {strides = array<i32>} : memref<2000x128xf32, #tpu.memory_space<vmem>>, vector<2000x128xf32>,
    return
  }
  func.func @transform_0(%arg0: i32) -> (i32, i32) {
    %c0_i32 = arith.constant 0 : i32
    %c0_i32_0 = arith.constant 0 : i32
    return %arg0, %c0_i32 : i32, i32
  }
  func.func @transform_1(%arg0: i32) -> (i32, i32) {
    %c0_i32 = arith.constant 0 : i32
    %c0_i32_0 = arith.constant 0 : i32
    %c0_i32_1 = arith.constant 0 : i32
    return %c0_i32, %c0_i32_0 : i32, i32
  }
  func.func @transform_2(%arg0: i32) -> (i32, i32) {
    %c0_i32 = arith.constant 0 : i32
    %c0_i32_0 = arith.constant 0 : i32
    %c0_i32_1 = arith.constant 0 : i32
    return %c0_i32, %c0_i32_0 : i32, i32
  }
  func.func @transform_3(%arg0: i32) -> (i32, i32) {
    %c0_i32 = arith.constant 0 : i32
    %c0_i32_0 = arith.constant 0 : i32
    return %arg0, %c0_i32 : i32, i32
  }
}

module attributes {stable_mosaic.version = 14 : i64} {
  func.func @_mid_body(%arg0: i32, %arg1: memref<2000x128xf32, #tpu.memory_space<vmem>>, %arg2: memref<2000x128xf32, #tpu.memory_space<vmem>>, %arg3: memref<128x128xf32, #tpu.memory_space<vmem>>, %arg4: memref<1x128xf32, #tpu.memory_space<vmem>>, %arg5: memref<2000x128xf32, #tpu.memory_space<vmem>>) attributes {dimension_semantics = [#tpu.dimension_semantics<arbitrary>], iteration_bounds = array<i64: 5>, scalar_prefetch = 0 : i64, scratch_operands = 0 : i64, tpu.core_type = #tpu.core_type<tc>, window_params = [{transform_indices = @transform_0, window_bounds = array<i64: 2000, 128>}, {transform_indices = @transform_1, window_bounds = array<i64: 2000, 128>}, {pipeline_mode = #tpu.pipeline_mode<synchronous>, transform_indices = @transform_2, window_bounds = array<i64: 128, 128>}, {pipeline_mode = #tpu.pipeline_mode<synchronous>, transform_indices = @transform_3, window_bounds = array<i64: 1, 128>}, {transform_indices = @transform_4, window_bounds = array<i64: 2000, 128>}]} {
    %get3A = arith.constant 0 : index
    %get3A_0 = arith.constant 0 : index
    %get3A_1 = vector.load %arg1[%get3A, %get3A_0] : memref<2000x128xf32, #tpu.memory_space<vmem>>, vector<2000x128xf32>
    %get3A_2 = arith.constant 0 : index
    %get3A_3 = arith.constant 0 : index
    %get3A_4 = vector.load %arg2[%get3A_2, %get3A_3] : memref<2000x128xf32, #tpu.memory_space<vmem>>, vector<2000x128xf32>
    %add3A = arith.addf %get3A_1, %get3A_4 : vector<2000x128xf32>
    %max3A = arith.constant 0.000000e+00 : f32
    %max3A_5 = vector.broadcast %max3A : f32 to vector<2000x128xf32>
    %max3A_6 = arith.maximumf %add3A, %max3A_5 : vector<2000x128xf32>
    %get3A_7 = arith.constant 0 : index
    %get3A_8 = arith.constant 0 : index
    %get3A_9 = vector.load %arg3[%get3A_7, %get3A_8] : memref<128x128xf32, #tpu.memory_space<vmem>>, vector<128x128xf32>
    %dot_general3A = arith.constant dense<0.000000e+00> : vector<2000x128xf32>
    %dot_general3A_10 = tpu.matmul %max3A_6, %get3A_9, %dot_general3A {dimension_numbers = #tpu.dot_dimension_numbers<[1], [0], [0], [1], [0, 0, 1, 1], [], []>, transpose_lhs_hint = false} : vector<2000x128xf32>, vector<128x128xf32>, vector<2000x128xf32> -> vector<2000x128xf32>
    %get3A_11 = arith.constant 0 : index
    %get3A_12 = arith.constant 0 : index
    %get3A_13 = vector.load %arg4[%get3A_11, %get3A_12] : memref<1x128xf32, #tpu.memory_space<vmem>>, vector<1x128xf32>
    %add3A_14 = vector.broadcast %get3A_13 : vector<1x128xf32> to vector<2000x128xf32>
    %add3A_15 = arith.addf %dot_general3A_10, %add3A_14 : vector<2000x128xf32>
    %swap3A = arith.constant 0 : index
    %swap3A_16 = arith.constant 0 : index
    %swap3A_17 = vector.load %arg5[%swap3A, %swap3A_16] : memref<2000x128xf32, #tpu.memory_space<vmem>>, vector<2000x128xf32>
    tpu.vector_store %arg5[%swap3A, %swap3A_16], %add3A_15 {strides = array<i32>} : memref<2000x128xf32, #tpu.memory_space<vmem>>, vector<2000x128xf32>,
    return
  }
  func.func @transform_0(%arg0: i32) -> (i32, i32) {
    %c0_i32 = arith.constant 0 : i32
    %c0_i32_0 = arith.constant 0 : i32
    return %arg0, %c0_i32 : i32, i32
  }
  func.func @transform_1(%arg0: i32) -> (i32, i32) {
    %c0_i32 = arith.constant 0 : i32
    %c0_i32_0 = arith.constant 0 : i32
    return %arg0, %c0_i32 : i32, i32
  }
  func.func @transform_2(%arg0: i32) -> (i32, i32) {
    %c0_i32 = arith.constant 0 : i32
    %c0_i32_0 = arith.constant 0 : i32
    %c0_i32_1 = arith.constant 0 : i32
    return %c0_i32, %c0_i32_0 : i32, i32
  }
  func.func @transform_3(%arg0: i32) -> (i32, i32) {
    %c0_i32 = arith.constant 0 : i32
    %c0_i32_0 = arith.constant 0 : i32
    %c0_i32_1 = arith.constant 0 : i32
    return %c0_i32, %c0_i32_0 : i32, i32
  }
  func.func @transform_4(%arg0: i32) -> (i32, i32) {
    %c0_i32 = arith.constant 0 : i32
    %c0_i32_0 = arith.constant 0 : i32
    return %arg0, %c0_i32 : i32, i32
  }
}

module attributes {stable_mosaic.version = 14 : i64} {
  func.func @_final_body(%arg0: i32, %arg1: memref<2000x128xf32, #tpu.memory_space<vmem>>, %arg2: memref<2000x128xf32, #tpu.memory_space<vmem>>, %arg3: memref<128x128xf32, #tpu.memory_space<vmem>>, %arg4: memref<1x128xf32, #tpu.memory_space<vmem>>, %arg5: memref<128x128xf32, #tpu.memory_space<vmem>>, %arg6: memref<1x128xf32, #tpu.memory_space<vmem>>, %arg7: memref<128x1xf32, #tpu.memory_space<vmem>>, %arg8: memref<1x1xf32, #tpu.memory_space<vmem>>, %arg9: memref<2000x1xf32, #tpu.memory_space<vmem>>) attributes {dimension_semantics = [#tpu.dimension_semantics<arbitrary>], iteration_bounds = array<i64: 5>, scalar_prefetch = 0 : i64, scratch_operands = 0 : i64, tpu.core_type = #tpu.core_type<tc>, window_params = [{transform_indices = @transform_0, window_bounds = array<i64: 2000, 128>}, {transform_indices = @transform_1, window_bounds = array<i64: 2000, 128>}, {pipeline_mode = #tpu.pipeline_mode<synchronous>, transform_indices = @transform_2, window_bounds = array<i64: 128, 128>}, {pipeline_mode = #tpu.pipeline_mode<synchronous>, transform_indices = @transform_3, window_bounds = array<i64: 1, 128>}, {pipeline_mode = #tpu.pipeline_mode<synchronous>, transform_indices = @transform_4, window_bounds = array<i64: 128, 128>}, {pipeline_mode = #tpu.pipeline_mode<synchronous>, transform_indices = @transform_5, window_bounds = array<i64: 1, 128>}, {pipeline_mode = #tpu.pipeline_mode<synchronous>, transform_indices = @transform_6, window_bounds = array<i64: 128, 1>}, {pipeline_mode = #tpu.pipeline_mode<synchronous>, transform_indices = @transform_7, window_bounds = array<i64: 1, 1>}, {transform_indices = @transform_8, window_bounds = array<i64: 2000, 1>}]} {
    %get3A = arith.constant 0 : index
    %get3A_0 = arith.constant 0 : index
    %get3A_1 = vector.load %arg1[%get3A, %get3A_0] : memref<2000x128xf32, #tpu.memory_space<vmem>>, vector<2000x128xf32>
    %get3A_2 = arith.constant 0 : index
    %get3A_3 = arith.constant 0 : index
    %get3A_4 = vector.load %arg2[%get3A_2, %get3A_3] : memref<2000x128xf32, #tpu.memory_space<vmem>>, vector<2000x128xf32>
    %add3A = arith.addf %get3A_1, %get3A_4 : vector<2000x128xf32>
    %max3A = arith.constant 0.000000e+00 : f32
    %max3A_5 = vector.broadcast %max3A : f32 to vector<2000x128xf32>
    %max3A_6 = arith.maximumf %add3A, %max3A_5 : vector<2000x128xf32>
    %get3A_7 = arith.constant 0 : index
    %get3A_8 = arith.constant 0 : index
    %get3A_9 = vector.load %arg3[%get3A_7, %get3A_8] : memref<128x128xf32, #tpu.memory_space<vmem>>, vector<128x128xf32>
    %dot_general3A = arith.constant dense<0.000000e+00> : vector<2000x128xf32>
    %dot_general3A_10 = tpu.matmul %max3A_6, %get3A_9, %dot_general3A {dimension_numbers = #tpu.dot_dimension_numbers<[1], [0], [0], [1], [0, 0, 1, 1], [], []>, transpose_lhs_hint = false} : vector<2000x128xf32>, vector<128x128xf32>, vector<2000x128xf32> -> vector<2000x128xf32>
    %get3A_11 = arith.constant 0 : index
    %get3A_12 = arith.constant 0 : index
    %get3A_13 = vector.load %arg4[%get3A_11, %get3A_12] : memref<1x128xf32, #tpu.memory_space<vmem>>, vector<1x128xf32>
    %add3A_14 = vector.broadcast %get3A_13 : vector<1x128xf32> to vector<2000x128xf32>
    %add3A_15 = arith.addf %dot_general3A_10, %add3A_14 : vector<2000x128xf32>
    %max3A_16 = arith.constant 0.000000e+00 : f32
    %max3A_17 = vector.broadcast %max3A_16 : f32 to vector<2000x128xf32>
    %max3A_18 = arith.maximumf %add3A_15, %max3A_17 : vector<2000x128xf32>
    %get3A_19 = arith.constant 0 : index
    %get3A_20 = arith.constant 0 : index
    %get3A_21 = vector.load %arg5[%get3A_19, %get3A_20] : memref<128x128xf32, #tpu.memory_space<vmem>>, vector<128x128xf32>
    %dot_general3A_22 = arith.constant dense<0.000000e+00> : vector<2000x128xf32>
    %dot_general3A_23 = tpu.matmul %max3A_18, %get3A_21, %dot_general3A_22 {dimension_numbers = #tpu.dot_dimension_numbers<[1], [0], [0], [1], [0, 0, 1, 1], [], []>, transpose_lhs_hint = false} : vector<2000x128xf32>, vector<128x128xf32>, vector<2000x128xf32> -> vector<2000x128xf32>
    %get3A_24 = arith.constant 0 : index
    %get3A_25 = arith.constant 0 : index
    %get3A_26 = vector.load %arg6[%get3A_24, %get3A_25] : memref<1x128xf32, #tpu.memory_space<vmem>>, vector<1x128xf32>
    %add3A_27 = vector.broadcast %get3A_26 : vector<1x128xf32> to vector<2000x128xf32>
    %add3A_28 = arith.addf %dot_general3A_23, %add3A_27 : vector<2000x128xf32>
    %max3A_29 = arith.constant 0.000000e+00 : f32
    %max3A_30 = vector.broadcast %max3A_29 : f32 to vector<2000x128xf32>
    %max3A_31 = arith.maximumf %add3A_28, %max3A_30 : vector<2000x128xf32>
    %get3A_32 = arith.constant 0 : index
    %get3A_33 = arith.constant 0 : index
    %get3A_34 = vector.load %arg7[%get3A_32, %get3A_33] : memref<128x1xf32, #tpu.memory_space<vmem>>, vector<128x1xf32>
    %dot_general3A_35 = arith.constant dense<0.000000e+00> : vector<2000x1xf32>
    %dot_general3A_36 = tpu.matmul %max3A_31, %get3A_34, %dot_general3A_35 {dimension_numbers = #tpu.dot_dimension_numbers<[1], [0], [0], [1], [0, 0, 1, 1], [], []>, transpose_lhs_hint = false} : vector<2000x128xf32>, vector<128x1xf32>, vector<2000x1xf32> -> vector<2000x1xf32>
    %get3A_37 = arith.constant 0 : index
    %get3A_38 = arith.constant 0 : index
    %get3A_39 = vector.load %arg8[%get3A_37, %get3A_38] : memref<1x1xf32, #tpu.memory_space<vmem>>, vector<1x1xf32>
    %add3A_40 = vector.broadcast %get3A_39 : vector<1x1xf32> to vector<2000x1xf32>
    %add3A_41 = arith.addf %dot_general3A_36, %add3A_40 : vector<2000x1xf32>
    %swap3A = arith.constant 0 : index
    %swap3A_42 = arith.constant 0 : index
    %swap3A_43 = vector.load %arg9[%swap3A, %swap3A_42] : memref<2000x1xf32, #tpu.memory_space<vmem>>, vector<2000x1xf32>
    tpu.vector_store %arg9[%swap3A, %swap3A_42], %add3A_41 {strides = array<i32>} : memref<2000x1xf32, #tpu.memory_space<vmem>>, vector<2000x1xf32>,
    return
  }
  func.func @transform_0(%arg0: i32) -> (i32, i32) {
    %c0_i32 = arith.constant 0 : i32
    %c0_i32_0 = arith.constant 0 : i32
    return %arg0, %c0_i32 : i32, i32
  }
  func.func @transform_1(%arg0: i32) -> (i32, i32) {
    %c0_i32 = arith.constant 0 : i32
    %c0_i32_0 = arith.constant 0 : i32
    return %arg0, %c0_i32 : i32, i32
  }
  func.func @transform_2(%arg0: i32) -> (i32, i32) {
    %c0_i32 = arith.constant 0 : i32
    %c0_i32_0 = arith.constant 0 : i32
    %c0_i32_1 = arith.constant 0 : i32
    return %c0_i32, %c0_i32_0 : i32, i32
  }
  func.func @transform_3(%arg0: i32) -> (i32, i32) {
    %c0_i32 = arith.constant 0 : i32
    %c0_i32_0 = arith.constant 0 : i32
    %c0_i32_1 = arith.constant 0 : i32
    return %c0_i32, %c0_i32_0 : i32, i32
  }
  func.func @transform_4(%arg0: i32) -> (i32, i32) {
    %c0_i32 = arith.constant 0 : i32
    %c0_i32_0 = arith.constant 0 : i32
    %c0_i32_1 = arith.constant 0 : i32
    return %c0_i32, %c0_i32_0 : i32, i32
  }
  func.func @transform_5(%arg0: i32) -> (i32, i32) {
    %c0_i32 = arith.constant 0 : i32
    %c0_i32_0 = arith.constant 0 : i32
    %c0_i32_1 = arith.constant 0 : i32
    return %c0_i32, %c0_i32_0 : i32, i32
  }
  func.func @transform_6(%arg0: i32) -> (i32, i32) {
    %c0_i32 = arith.constant 0 : i32
    %c0_i32_0 = arith.constant 0 : i32
    %c0_i32_1 = arith.constant 0 : i32
    return %c0_i32, %c0_i32_0 : i32, i32
  }
  func.func @transform_7(%arg0: i32) -> (i32, i32) {
    %c0_i32 = arith.constant 0 : i32
    %c0_i32_0 = arith.constant 0 : i32
    %c0_i32_1 = arith.constant 0 : i32
    return %c0_i32, %c0_i32_0 : i32, i32
  }
  func.func @transform_8(%arg0: i32) -> (i32, i32) {
    %c0_i32 = arith.constant 0 : i32
    %c0_i32_0 = arith.constant 0 : i32
    return %arg0, %c0_i32 : i32, i32
  }
}

</mosaic_0001>

<sc_bundles>
// kernel: kernel.12.cloned.1.call-start
scs
__scs_entry_jumppad:
0x0: {  	(pc) =	sbr.rel $0x88, $3  }
0x1: {  	(tag) =	ssettag $0x0;
	lr =	simm.s32 $0x1  }
0x2: {  	[smem:$0x3F93] =	sst lr;
	_ =	strace $0xD0000000  }
0x3: {  	_ = 	snop  }
0x4: {  	_ = 	snop  }
0x5: {  	_ = 	snop  }
0x6: {  	_ = 	snop  }
0x7: {  	_ = 	snop  }
__scs_overlays_trampoline_lowered:
0x8: {  	[smem:$0x3FA2] =	sst s0  }
0x9: {  	[smem:$0x3FA3] =	sst s1  }
0xa: {  	[smem:$0x3FA4] =	sst s2  }
0xb: {  	[smem:$0x3FA5] =	sst s3  }
0xc: {  	[smem:$0x3FA6] =	sst s4  }
0xd: {  	[smem:$0x3FA7] =	sst s5  }
0xe: {  	[smem:$0x3FA8] =	sst s6  }
0xf: {  	[smem:$0x3FA9] =	sst s7  }
0x10: {  	[smem:$0x3FAA] =	sst s8  }
0x11: {  	[smem:$0x3FAB] =	sst s9;
	s0 =	simm.s32 @!p0 $0x0  }
0x12: {  	s1 =	sld [smem:$0x3F91];
	s0 =	simm.s32 @p0 $0x1  }
0x13: {  	[smem:$0x3FAC] =	sst s0;
	s0 =	simm.s32 @!p1 $0x0  }
0x14: {  	s2 =	sld [smem:$0x3F90];
	s0 =	simm.s32 @p1 $0x1  }
0x15: {  	[smem:$0x3FAD] =	sst s0;
	s0 =	simm.s32 @!p2 $0x0  }
0x16: {  	s3 =	sld [smem:$0x3FDB];
	s0 =	simm.s32 @p2 $0x1  }
0x17: {  	s4 =	simm.s32 $0x1BF5;
	[smem:$0x3FAF] =	sst s0  }
0x18: {  	s0 =	sld [smem:$0x3F92];
	_ =	swait.ge [sflag:s4], $0x0  }
0x19: {  	s7 =	sld [smem:$0x3F93]  }
0x1a: {  	s8 =	sadd.s32 $0xFFFFE003, lr  }
0x1b: {  	s9 =	sadd.s32 $0xFFFFFEF7, lr;
	s5 =	simm.s32 $0xFFFFFFFF;
	p2 =	slt.u32 s8, $0xFFFFF086  }
0x1c: {  	p1 =	slt.u32 s9, $0xF7A;
	s5 =	simm.s32 @!p2 $0x0  }
0x1d: {  	s5 =	simm.s32 @p1 $0x1;
	p0 =	seq.s32 s7, s2  }
0x1e: {  	s7 =	smul.u32 @!p0 $0xF7A, s2;
	p2 =	seq.s32 @!p0 s5, $0x0  }
0x1f: {  	s9 =	smul.u32 $0xF7A, s1;
	s8 =	simm.s32 @!p0 $0x1BF5;
	p2 =	por !p2, p0  }
0x20: {  	[sflag:s8] =	ssyncset.s32 @!p0 $0xFFFFF086;
	s6 =	sadd.s32 @!p0 s3, s7;
	s7 =	simm.s32 @!p0 $0x108  }
0x21: {  	s3 =	sadd.s32 s3, s9;
	s6 =	sadd.s32 @!p0 $0x88, s6;
	s7 =	simm.s32 @p2 $0x1082  }
0x22: {  	[simem:s7], [sflag:s8] =	dma.local @!p0 [hbm:s6], $0xF7A  }
0x23: {  	s9 =	sor.u32 $0xD0000000, s2;
	s6 =	simm.s32 $0x108;
	_ =	swait.ge @!p0 [sflag:s8], $0x0  }
0x24: {  	s3 =	sadd.s32 $0x88, s3;
	s6 =	simm.s32 @!p1 $0x1082;
	[sflag:s4] =	ssyncset.s32 $0xFFFFF086  }
0x25: {  	[simem:s6], [sflag:s4] =	dma.local [hbm:s3], $0xF7A  }
0x26: {  	[smem:$0x3F93] =	sst s1;
	(tag) =	ssettag s2;
	_ =	strace s9  }
0x27: {  	s1 =	sld [smem:$0x3FA3]  }
0x28: {  	s2 =	sld [smem:$0x3FA4]  }
0x29: {  	s4 =	sld [smem:$0x3FA6]  }
0x2a: {  	p0 =	seq.s32 s5, $0x0;
	s5 =	sld [smem:$0x3FA7]  }
0x2b: {  	s6 =	sld [smem:$0x3FA8]  }
0x2c: {  	s7 =	sld [smem:$0x3FA9]  }
0x2d: {  	s3 =	simm.s32 $0x108;
	s8 =	sld [smem:$0x3FAA]  }
0x2e: {  	s3 =	simm.s32 @!p0 $0x1082;
	s9 =	sld [smem:$0x3FAB]  }
0x2f: {  	lr =	sadd.s32 s0, s3;
	s0 =	sld [smem:$0x3FA2]  }
0x30: {  	s3 =	sld [smem:$0x3FA5]  }
0x31: {  	[smem:$0x3FAE] =	sst s10  }
0x32: {  	s10 =	sld [smem:$0x3FAC];
	_ =	sdelay $0x3  }
0x33: {  	p0 =	seq.s32 s10, $0x1;
	s10 =	sld [smem:$0x3FAE];
	_ =	sdelay $0x3  }
0x34: {  	[smem:$0x3FAE] =	sst s10  }
0x35: {  	s10 =	sld [smem:$0x3FAD];
	_ =	sdelay $0x3  }
0x36: {  	p1 =	seq.s32 s10, $0x1;
	s10 =	sld [smem:$0x3FAE];
	_ =	sdelay $0x3  }
0x37: {  	[smem:$0x3FAE] =	sst s10  }
0x38: {  	s10 =	sld [smem:$0x3FAF]  }
0x39: {  	_ = 	snop;
	(pc) =	sbr.ind lr, $3  }
0x3a: {  	_ = 	snop  }
0x3b: {  	_ = 	snop  }
0x3c: {  	p2 =	seq.s32 s10, $0x1;
	s10 =	sld [smem:$0x3FAE]  }
0x3d: {  	_ =	shalt  }
0x3e: {  	_ =	shalt  }
0x3f: {  	_ =	shalt  }
0x40: {  	_ =	shalt  }
0x41: {  	_ =	shalt  }
0x42: {  	_ =	shalt  }
0x43: {  	_ =	shalt  }
0x44: {  	_ =	shalt  }
0x45: {  	_ =	shalt  }
0x46: {  	_ =	shalt  }
0x47: {  	_ =	shalt  }
0x48: {  	_ =	shalt  }
0x49: {  	_ =	shalt  }
0x4a: {  	_ =	shalt  }
0x4b: {  	_ =	shalt  }
0x4c: {  	_ =	shalt  }
0x4d: {  	_ =	shalt  }
0x4e: {  	_ =	shalt  }
0x4f: {  	_ =	shalt  }
0x50: {  	_ =	shalt  }
0x51: {  	_ =	shalt  }
0x52: {  	_ =	shalt  }
0x53: {  	_ =	shalt  }
0x54: {  	_ =	shalt  }
0x55: {  	_ =	shalt  }
0x56: {  	_ =	shalt  }
0x57: {  	_ =	shalt  }
0x58: {  	_ =	shalt  }
0x59: {  	_ =	shalt  }
0x5a: {  	_ =	shalt  }
0x5b: {  	_ =	shalt  }
0x5c: {  	_ =	shalt  }
0x5d: {  	_ =	shalt  }
0x5e: {  	_ =	shalt  }
0x5f: {  	_ =	shalt  }
0x60: {  	_ =	shalt  }
0x61: {  	_ =	shalt  }
0x62: {  	_ =	shalt  }
0x63: {  	_ =	shalt  }
0x64: {  	_ =	shalt  }
0x65: {  	_ =	shalt  }
0x66: {  	_ =	shalt  }
0x67: {  	_ =	shalt  }
0x68: {  	_ =	shalt  }
0x69: {  	_ =	shalt  }
0x6a: {  	_ =	shalt  }
0x6b: {  	_ =	shalt  }
0x6c: {  	_ =	shalt  }
0x6d: {  	_ =	shalt  }
0x6e: {  	_ =	shalt  }
0x6f: {  	_ =	shalt  }
0x70: {  	_ =	shalt  }
0x71: {  	_ =	shalt  }
0x72: {  	_ =	shalt  }
0x73: {  	_ =	shalt  }
0x74: {  	_ =	shalt  }
0x75: {  	_ =	shalt  }
0x76: {  	_ =	shalt  }
0x77: {  	_ =	shalt  }
0x78: {  	_ =	shalt  }
0x79: {  	_ =	shalt  }
0x7a: {  	_ =	shalt  }
0x7b: {  	_ =	shalt  }
0x7c: {  	_ =	shalt  }
0x7d: {  	_ =	shalt  }
0x7e: {  	_ =	shalt  }
0x7f: {  	_ =	shalt  }
0x80: {  	_ =	shalt  }
0x81: {  	_ =	shalt  }
0x82: {  	_ =	shalt  }
0x83: {  	_ =	shalt  }
0x84: {  	_ =	shalt  }
0x85: {  	_ =	shalt  }
0x86: {  	_ =	shalt  }
0x87: {  	_ =	shalt  }
.Lfunc_end0:
.L_simem_size_0:
called_computation.1_lowered:
.L_overlay_start_0:
0x88: {  	s2 =	sld [smem:$0x3FD9]  }
0x89: {  	s3 =	sld [smem:$0x3FFE];
	_ =	sdelay $0x1  }
0x8a: {  	s1 =	srdreg.scid  }
0x8b: {  	s0 =	sand.u32 $0x1, s1  }
0x8c: {  	s16 =	sshll.u32 s0, $0xA;
	s2 =	sadd.s32 s3, s2  }
0x8d: {  	s2 =	sadd.s32 s2, s16  }
0x8e: {  	[smem:$0x3FBA] =	sst s2  }
0x8f: {  	_ = 	snop  }
0x90: {  	(tm) =	ssettm $0x1  }
0x91: {  	s17 =	sld [smem:$0x3FFB];
	_ =	sdelay $0x3  }
0x92: {  	_ =	strace s17  }
0x93: {  	s2 =	sld [smem:$0x3FFC];
	_ =	sdelay $0x3  }
0x94: {  	_ =	strace s2  }
0x95: {  	s2 =	sld [smem:$0x3FFD];
	_ =	sdelay $0x3  }
0x96: {  	_ =	strace s2  }
0x97: {  	_ =	strace $0x8FFFFFFF  }
0x98: {  	s18 =	sld [smem:$0x3FDB];
	_ =	sdelay $0x1  }
0x99: {  	s19 =	simm.s32 $_scs_section_size  }
0x9a: {  	s4 =	simm.s32 $_size__tile_overlayer_lowered;
	s5 =	simm.s32 $_tile_overlayer_lowered  }
0x9b: {  	s22 =	simm.s32 $0x1BFF;
	s21 =	sshll.u32 s5, $0x1;
	s2 =	sadd.s32 s19, s18  }
0x9c: {  	s6 =	simm.s32 $0x0;
	s20 =	sshll.u32 s4, $0x1;
	s4 =	sadd.s32 s21, s2  }
0x9d: {  	[timem:s6], [sflag:s22] =	dma.local [hbm:s4], s20  }
0x9e: {  	_ =	swait.ge [sflag:s22], s20  }
0x9f: {  	s3 =	ssub.s32 $0x0, s20;
	[sflag:s22] =	ssyncset.done $0x0  }
0xa0: {  	[sflag:s22] =	ssyncadd.s32 s3;
	_ =	sdelay $0x1  }
0xa1: {  	s23 =	simm.s32 $0x1B8B  }
0xa2: {  	_ =	swait.ge [sflag:s23], $0x1  }
0xa3: {  	[sflag:s23] =	ssyncset.done $0x0  }
0xa4: {  	s25 =	simm.s32 $0x1B8E;
	s24 =	sld [smem:$0x3FFE];
	[sflag:s23] =	ssyncadd.s32 $0xFFFFFFFF  }
0xa5: {  	s26 =	simm.s32 $execute0_lowered;
	[smem:$0x3FD2] =	sst s25  }
0xa6: {  	s4 =	sshll.u32 s26, $0x1;
	_ =	strace $0x80000049;
	[dreg:$0x1] =	wrdreg $0xFFFFFFFF  }
0xa7: {  	s28 =	simm.s32 $_size_execute0_lowered;
	s2 =	sadd.s32 s2, s4;
	[dreg:$0x0] =	wrdreg $0x0  }
0xa8: {  	s4 =	sshll.u32 s28, $0x1;
	[dreg:$0x2] =	wrdreg s2  }
0xa9: {  	[dreg:$0x3] =	wrdreg s4  }
0xaa: {  	[dreg:$0x4] =	wrdreg $0xC0  }
0xab: {  	_ =	task [dreg:s6], $0x5FFFF  }
0xac: {  	[dreg:$0x1] =	wrdreg $0xFFFFFFFF  }
0xad: {  	[dreg:$0x0] =	wrdreg $0x60  }
0xae: {  	[dreg:$0x2] =	wrdreg s24  }
0xaf: {  	[dreg:$0x3] =	wrdreg $0x95000  }
0xb0: {  	[dreg:$0x4] =	wrdreg $0x9  }
0xb1: {  	_ =	task.clear_ibuf [dreg:s6], $0x5FFFF;
	_ =	strace $0x90000049  }
0xb2: {  	s29 =	simm.s32 $0x9;
	_ =	strace $0x8000004B  }
0xb3: {  	_ =	swait.ge [sflag:s29], $0x1  }
0xb4: {  	[sflag:s29] =	ssyncadd.s32 $0xFFFFFFFF  }
0xb5: {  	_ =	strace $0x9000004B  }
0xb6: {  	_ =	sfence  }
0xb7: {  	s30 =	sld [smem:$0x0];
	_ =	sdelay $0x2  }
0xb8: {  	s31 =	sshll.u32 s1, $0xD;
	s1 =	sshrl.u32 s1, $0x2  }
0xb9: {  	s3 =	sand.u32 $0x4000, s31;
	s1 =	sadd.s32 s1, s30  }
0xba: {  	s0 =	sor.u32 s3, s0;
	s1 =	sshll.u32 s1, $0x11  }
0xbb: {  	s0 =	sor.u32 s1, s0  }
0xbc: {  	s0 =	sadd.s32 $0x8F2B, s0  }
0xbd: {  	[sflag:s0] =	ssyncadd.remote.s32 $0x1  }
0xbe: {  	_ =	sfence.sel $0xFFFF  }
0xbf: {  	[dreg:$0x0] =	wrdreg $0xFFFFFFFF;
	(pc) =	sbr.abs _section_cstart, $3  }
0xc0: {  	[dreg:$0x1] =	wrdreg $0xFFFFFFFF  }
0xc1: {  	_ =	task.clear_ibuf [dreg:s6], $0x2FFFF;
	_ =	strace $0x9FFFFFFF  }
0xc2: {  	(tm) =	ssettm $0x7FFFFFFF  }
0xc3: {  	_ =	shalt  }
tec
execute0_lowered:
.L_overlay_start_1:
0x0: {  	(tag) =	ssettag $0x1  }
0x1: {  	s0 =	srdreg.scid  }
0x2: {  	s1 =	rddreg [dreg:$0x0];
	s12 =	stileid.u32  }
0x3: {  	s2 =	rddreg [dreg:$0x1];
	s8 =	smul.u32 $0x280, s12  }
0x4: {  	s28 =	simm.s32 $0x3;
	s29 =	simm.s32 $0x1;
	s7 =	smul.u32 $0x50000, s12  }
0x5: {  	s30 =	simm.s32 $0x4;
	s31 =	simm.s32 $0x2;
	s22 =	smul.u32 $0x2800, s12  }
0x6: {  	s0 =	sand.u32 $0x1, s0;
	s17 =	sadd.s32 $0x3EC00, s1;
	s24 =	smul.u32 $0x500, s12  }
0x7: {  	s3 =	sshll.u32 s0, $0x4;
	s6 =	smul.u32 $0x5000, s0;
	s18 =	ssub.s32 $0x2, s0  }
0x8: {  	p0 =	seq.s32 s0, $0x1;
	s4 =	sor.u32 s12, s3;
	s3 =	simm.s32 $0x0  }
0x9: {  	s9 =	sshrl.u32 s18, $0x1;
	s7 =	sshrl.u32 s7, $0x2;
	s13 =	sadd.s32 $0x80, s8  }
0xa: {  	s15 =	sadd.s32 $0x100, s8;
	s16 =	sadd.s32 $0x180, s8;
	s5 =	smul.u32 $0x500, s4  }
0xb: {  	[smem:$0x7FF] =	sst s3;
	s4 =	sadd.s32 $0x17A00, s1;
	s11 =	sadd.s32 s6, s1  }
0xc: {  	s14 =	ssub.s32 s18, s9;
	s6 =	sadd.s32 s7, s2;
	s19 =	sshll.u32 s13, $0x7  }
0xd: {  	s20 =	sshll.u32 s15, $0x7;
	s10 =	sshll.u32 s16, $0x7;
	s23 =	sshll.u32 s13, $0x4  }
0xe: {  	_ =	strace $0x8000004A;
	[dreg:$0x3] =	wrdreg s17;
	s7 =	sadd.s32 s19, s2  }
0xf: {  	s17 =	sadd.s32 $0x200, s8;
	s8 =	sadd.s32 s20, s2;
	s9 =	sadd.s32 s10, s2  }
0x10: {  	s19 =	sshll.u32 s15, $0x4;
	s20 =	sshll.u32 s16, $0x4;
	s25 =	smax.u32 s14, $0x1  }
0x11: {  	s26 =	sadd.s32 s24, s11;
	s24 =	simm.s32 $0x1480;
	s5 =	sadd.s32 s5, s1  }
0x12: {  	[dreg:$0x6] =	wrdreg s25;
	s18 =	sadd.s32 $0x3A00, s5;
	s5 =	sadd.s32 $0x3C80, s5  }
0x13: {  	s21 =	sshll.u32 s17, $0x7;
	[dreg:$0x5] =	wrdreg s5;
	s5 =	simm.s32 $0x67400  }
0x14: {  	s25 =	simm.s32 $0x80;
	s10 =	sadd.s32 s21, s2;
	s5 =	simm.s32 @!p0 $0x3F400  }
0x15: {  	s21 =	sshll.u32 s17, $0x4;
	[dreg:$0x4] =	wrdreg s18;
	s1 =	sadd.s32 s5, s1  }
0x16: {  	s14 =	sadd.s32 s1, s22;
	s15 =	sadd.s32 s1, s23;
	s16 =	sadd.s32 s1, s19  }
0x17: {  	s17 =	sadd.s32 s1, s20;
	s18 =	sadd.s32 s1, s21;
	s19 =	sadd.s32 $0xDA00, s26  }
0x18: {  	s20 =	sadd.s32 $0xDC80, s26;
	s21 =	simm.s32 $0x1500;
	s22 =	simm.s32 $0x5  }
0x19: {  	s23 =	simm.s32 $0x1400;
	s26 =	simm.s32 $0x5500;
	s1 =	simm.s32 $0x0  }
.LBB2_1:
0x1a: {  	s0 =	rddreg [dreg:$0x3]  }
0x1b: {  	[tilespmem:s21], [sflag:$0x5] =	stream.linear.gather [hbm4b:s0+s3], $0x4000, $0x38;
	[tilespmem:$0x1D500] =	vst v63  }
0x1c: {  	_ =	swait.ge [sflag:s22], $0x4000  }
0x1d: {  	[sflag:s22] =	ssyncset.done $0x0  }
0x1e: {  	[sflag:s22] =	ssyncadd.s32 $0xFFFFC000  }
0x1f: {  	[spmem:s6] =	stream.linear.scatter [tilespmem:s21], [sflag:$0x5], $0x4000, $0x38;
	[tilespmem:$0x1D500] =	vst v63  }
0x20: {  	_ =	swait.ge [sflag:s22], $0x4000  }
0x21: {  	[sflag:s22] =	ssyncset.done $0x0  }
0x22: {  	[sflag:s22] =	ssyncadd.s32 $0xFFFFC000  }
0x23: {  	[spmem:s7] =	stream.linear.scatter [tilespmem:s21], [sflag:$0x5], $0x4000, $0x38;
	[tilespmem:$0x1D500] =	vst v63  }
0x24: {  	_ =	swait.ge [sflag:s22], $0x4000  }
0x25: {  	[sflag:s22] =	ssyncset.done $0x0  }
0x26: {  	[sflag:s22] =	ssyncadd.s32 $0xFFFFC000  }
0x27: {  	[spmem:s8] =	stream.linear.scatter [tilespmem:s21], [sflag:$0x5], $0x4000, $0x38;
	[tilespmem:$0x1D500] =	vst v63  }
0x28: {  	_ =	swait.ge [sflag:s22], $0x4000  }
0x29: {  	[sflag:s22] =	ssyncset.done $0x0  }
0x2a: {  	[sflag:s22] =	ssyncadd.s32 $0xFFFFC000  }
0x2b: {  	[spmem:s9] =	stream.linear.scatter [tilespmem:s21], [sflag:$0x5], $0x4000, $0x38;
	[tilespmem:$0x1D500] =	vst v63  }
0x2c: {  	_ =	swait.ge [sflag:s22], $0x4000  }
0x2d: {  	[sflag:s22] =	ssyncset.done $0x0  }
0x2e: {  	[sflag:s22] =	ssyncadd.s32 $0xFFFFC000  }
0x2f: {  	[spmem:s10] =	stream.linear.scatter [tilespmem:s21], [sflag:$0x5], $0x4000, $0x38;
	[tilespmem:$0x1D500] =	vst v63  }
0x30: {  	_ =	swait.ge [sflag:s22], $0x4000  }
0x31: {  	[sflag:s22] =	ssyncset.done $0x0  }
0x32: {  	[sflag:s22] =	ssyncadd.s32 $0xFFFFC000  }
0x33: {  	[bflag:$0x0] =	sbarrier.arrive $0xFFFF  }
0x34: {  	s11 =	rddreg [dreg:$0x4]  }
0x35: {  	[tilespmem:s3], [sflag:$0x5] =	stream.linear.gather [hbm4b:s11+s3], $0x1400, $0x38;
	[tilespmem:$0x1D500] =	vst v63  }
0x36: {  	_ =	swait.ge [sflag:s22], $0x1400  }
0x37: {  	[sflag:s22] =	ssyncset.done $0x0  }
0x38: {  	s12 =	sadd.s32 $0x0, s19;
	[sflag:s22] =	ssyncadd.s32 $0xFFFFEC00  }
0x39: {  	[tilespmem:s23], [sflag:$0x3] =	stream.linear.gather [hbm4b:s12+s3], $0x80, $0x38;
	[tilespmem:$0x1D500] =	vst v63  }
0x3a: {  	s0 =	sadd.s32 $0x10, s12  }
0x3b: {  	[tilespmem:s24], [sflag:$0x4] =	stream.linear.gather [hbm4b:s0+s3], $0x80, $0x38;
	[tilespmem:$0x1D500] =	vst v63  }
0x3c: {  	s13 =	simm.s32 $0x0  }
0x3d: {  	[tilespmem:s21], [sflag:$0x1] =	stream.indirect.gather [hbm4b:s4+s25], $0x80, s13, s25, $0xb8;
	[tilespmem:$0x1D500] =	vst v63  }
0x3e: {  	_ = 	snop  }
0x3f: {  	[tilespmem:s26], [sflag:$0x2] =	stream.indirect.gather [hbm4b:s4+s25], $0x80, s25, s25, $0xb8;
	[tilespmem:$0x1D500] =	vst v63  }
0x40: {  	_ =	swait.ge [sflag:s28], $0x80  }
0x41: {  	[sflag:s28] =	ssyncset.done $0x0  }
0x42: {  	[sflag:s28] =	ssyncadd.s32 $0xFFFFFF80  }
0x43: {  	_ =	swait.ge [sflag:s29], $0x4000  }
0x44: {  	[sflag:s29] =	ssyncset.done $0x0  }
0x45: {  	[sflag:s29] =	ssyncadd.s32 $0xFFFFC000  }
0x46: {  	[spmem:s2] =	stream.indirect.scatter.add.f32 [tilespmem:s21], [sflag:$0x5], $0x80, s23, s25, $0xb8;
	[tilespmem:$0x1D500] =	vst v63  }
0x47: {  	_ =	swait.ge [sflag:s22], $0x4000  }
0x48: {  	[sflag:s22] =	ssyncset.done $0x0  }
0x49: {  	[sflag:s22] =	ssyncadd.s32 $0xFFFFC000  }
0x4a: {  	_ =	swait.ge [sflag:s30], $0x80  }
0x4b: {  	[sflag:s30] =	ssyncset.done $0x0  }
0x4c: {  	[sflag:s30] =	ssyncadd.s32 $0xFFFFFF80  }
0x4d: {  	_ =	swait.ge [sflag:s31], $0x4000  }
0x4e: {  	[sflag:s31] =	ssyncset.done $0x0  }
0x4f: {  	[sflag:s31] =	ssyncadd.s32 $0xFFFFC000  }
0x50: {  	[spmem:s2] =	stream.indirect.scatter.add.f32 [tilespmem:s26], [sflag:$0x5], $0x80, s24, s25, $0xb8;
	[tilespmem:$0x1D500] =	vst v63  }
0x51: {  	s5 =	simm.s32 $0x20;
	_ =	swait.ge [sflag:s22], $0x4000  }
0x52: {  	s11 =	simm.s32 $0x40;
	s0 =	simm.s32 $0x180;
	[sflag:s22] =	ssyncset.done $0x0  }
.LBB2_2:
0x53: {  	s12 =	sadd.s32 s5, s19  }
0x54: {  	[sflag:s22] =	ssyncadd.s32 $0xFFFFC000;
	s5 =	smov.u32 s11;
	s13 =	sadd.s32 $0x20, s11  }
0x55: {  	[tilespmem:s23], [sflag:$0x3] =	stream.linear.gather [hbm4b:s12+s3], $0x80, $0x38;
	[tilespmem:$0x1D500] =	vst v63  }
0x56: {  	p0 =	sne.s32 s11, $0x260;
	s11 =	sadd.s32 $0x10, s12  }
0x57: {  	[tilespmem:s24], [sflag:$0x4] =	stream.linear.gather [hbm4b:s11+s3], $0x80, $0x38;
	[tilespmem:$0x1D500] =	vst v63  }
0x58: {  	s11 =	sadd.s32 $0xFFFFFF80, s0  }
0x59: {  	[tilespmem:s21], [sflag:$0x1] =	stream.indirect.gather [hbm4b:s4+s25], $0x80, s11, s25, $0xb8;
	[tilespmem:$0x1D500] =	vst v63  }
0x5a: {  	_ = 	snop  }
0x5b: {  	[tilespmem:s26], [sflag:$0x2] =	stream.indirect.gather [hbm4b:s4+s25], $0x80, s0, s25, $0xb8;
	[tilespmem:$0x1D500] =	vst v63  }
0x5c: {  	_ =	swait.ge [sflag:s28], $0x80  }
0x5d: {  	[sflag:s28] =	ssyncset.done $0x0  }
0x5e: {  	[sflag:s28] =	ssyncadd.s32 $0xFFFFFF80  }
0x5f: {  	_ =	swait.ge [sflag:s29], $0x4000  }
0x60: {  	[sflag:s29] =	ssyncset.done $0x0  }
0x61: {  	[sflag:s29] =	ssyncadd.s32 $0xFFFFC000  }
0x62: {  	[spmem:s2] =	stream.indirect.scatter.add.f32 [tilespmem:s21], [sflag:$0x5], $0x80, s23, s25, $0xb8;
	[tilespmem:$0x1D500] =	vst v63  }
0x63: {  	_ =	swait.ge [sflag:s22], $0x4000  }
0x64: {  	[sflag:s22] =	ssyncset.done $0x0  }
0x65: {  	[sflag:s22] =	ssyncadd.s32 $0xFFFFC000  }
0x66: {  	_ =	swait.ge [sflag:s30], $0x80  }
0x67: {  	[sflag:s30] =	ssyncset.done $0x0  }
0x68: {  	[sflag:s30] =	ssyncadd.s32 $0xFFFFFF80  }
0x69: {  	_ =	swait.ge [sflag:s31], $0x4000  }
.Ltmp0:
0x6a: {  	[sflag:s31] =	ssyncset.done $0x0;
	(pc) =	sbr.rel @p0 .LBB2_2-.Ltmp0, $4  }
0x6b: {  	[sflag:s31] =	ssyncadd.s32 $0xFFFFC000  }
0x6c: {  	[spmem:s2] =	stream.indirect.scatter.add.f32 [tilespmem:s26], [sflag:$0x5], $0x80, s24, s25, $0xb8;
	[tilespmem:$0x1D500] =	vst v63  }
0x6d: {  	_ =	swait.ge [sflag:s22], $0x4000  }
0x6e: {  	s11 =	smov.u32 s13;
	s0 =	sadd.s32 $0x100, s0;
	[sflag:s22] =	ssyncset.done $0x0  }
0x6f: {  	s5 =	sadd.s32 s5, s19;
	[sflag:s22] =	ssyncadd.s32 $0xFFFFC000  }
0x70: {  	[tilespmem:s23], [sflag:$0x3] =	stream.linear.gather [hbm4b:s5+s3], $0x80, $0x38;
	[tilespmem:$0x1D500] =	vst v63  }
0x71: {  	s5 =	sadd.s32 $0x10, s5  }
0x72: {  	[tilespmem:s24], [sflag:$0x4] =	stream.linear.gather [hbm4b:s5+s3], $0x80, $0x38;
	[tilespmem:$0x1D500] =	vst v63  }
0x73: {  	s11 =	sadd.s32 $0xFFFFFF80, s0  }
0x74: {  	[tilespmem:s21], [sflag:$0x1] =	stream.indirect.gather [hbm4b:s4+s25], $0x80, s11, s25, $0xb8;
	[tilespmem:$0x1D500] =	vst v63  }
0x75: {  	_ = 	snop  }
0x76: {  	[tilespmem:s26], [sflag:$0x2] =	stream.indirect.gather [hbm4b:s4+s25], $0x80, s0, s25, $0xb8;
	[tilespmem:$0x1D500] =	vst v63  }
0x77: {  	_ =	swait.ge [sflag:s28], $0x80  }
0x78: {  	[sflag:s28] =	ssyncset.done $0x0  }
0x79: {  	[sflag:s28] =	ssyncadd.s32 $0xFFFFFF80  }
0x7a: {  	_ =	swait.ge [sflag:s29], $0x4000  }
0x7b: {  	[sflag:s29] =	ssyncset.done $0x0  }
0x7c: {  	[sflag:s29] =	ssyncadd.s32 $0xFFFFC000  }
0x7d: {  	[spmem:s2] =	stream.indirect.scatter.add.f32 [tilespmem:s21], [sflag:$0x5], $0x80, s23, s25, $0xb8;
	[tilespmem:$0x1D500] =	vst v63  }
0x7e: {  	_ =	swait.ge [sflag:s22], $0x4000  }
0x7f: {  	[sflag:s22] =	ssyncset.done $0x0  }
0x80: {  	[sflag:s22] =	ssyncadd.s32 $0xFFFFC000  }
0x81: {  	_ =	swait.ge [sflag:s30], $0x80  }
0x82: {  	[sflag:s30] =	ssyncset.done $0x0  }
0x83: {  	[sflag:s30] =	ssyncadd.s32 $0xFFFFFF80  }
0x84: {  	_ =	swait.ge [sflag:s31], $0x4000  }
0x85: {  	[sflag:s31] =	ssyncset.done $0x0  }
0x86: {  	[sflag:s31] =	ssyncadd.s32 $0xFFFFC000  }
0x87: {  	[spmem:s2] =	stream.indirect.scatter.add.f32 [tilespmem:s26], [sflag:$0x5], $0x80, s24, s25, $0xb8;
	[tilespmem:$0x1D500] =	vst v63  }
0x88: {  	_ =	swait.ge [sflag:s22], $0x4000  }
0x89: {  	[sflag:s22] =	ssyncset.done $0x0  }
0x8a: {  	s12 =	simm.s32 $0x0;
	s13 =	rddreg [dreg:$0x5];
	[sflag:s22] =	ssyncadd.s32 $0xFFFFC000  }
0x8b: {  	[tilespmem:s12], [sflag:$0x5] =	stream.linear.gather [hbm4b:s13+s12], $0x1400, $0x38;
	[tilespmem:$0x1D500] =	vst v63  }
0x8c: {  	_ =	swait.ge [sflag:s22], $0x1400  }
0x8d: {  	[sflag:s22] =	ssyncset.done $0x0  }
0x8e: {  	[sflag:s22] =	ssyncadd.s32 $0xFFFFEC00  }
0x8f: {  	[tilespmem:s23], [sflag:$0x3] =	stream.linear.gather [hbm4b:s20+s3], $0x80, $0x38;
	[tilespmem:$0x1D500] =	vst v63  }
0x90: {  	s11 =	sadd.s32 $0x10, s20  }
0x91: {  	[tilespmem:s24], [sflag:$0x4] =	stream.linear.gather [hbm4b:s11+s3], $0x80, $0x38;
	[tilespmem:$0x1D500] =	vst v63  }
0x92: {  	s12 =	simm.s32 $0x0  }
0x93: {  	[tilespmem:s21], [sflag:$0x1] =	stream.indirect.gather [hbm4b:s4+s25], $0x80, s12, s25, $0xb8;
	[tilespmem:$0x1D500] =	vst v63  }
0x94: {  	s13 =	simm.s32 $0x80  }
0x95: {  	[tilespmem:s26], [sflag:$0x2] =	stream.indirect.gather [hbm4b:s4+s25], $0x80, s13, s25, $0xb8;
	[tilespmem:$0x1D500] =	vst v63  }
0x96: {  	_ =	swait.ge [sflag:s28], $0x80  }
0x97: {  	[sflag:s28] =	ssyncset.done $0x0  }
0x98: {  	[sflag:s28] =	ssyncadd.s32 $0xFFFFFF80  }
0x99: {  	_ =	swait.ge [sflag:s29], $0x4000  }
0x9a: {  	[sflag:s29] =	ssyncset.done $0x0  }
0x9b: {  	[sflag:s29] =	ssyncadd.s32 $0xFFFFC000  }
0x9c: {  	[spmem:s2] =	stream.indirect.scatter.add.f32 [tilespmem:s21], [sflag:$0x5], $0x80, s23, s25, $0xb8;
	[tilespmem:$0x1D500] =	vst v63  }
0x9d: {  	_ =	swait.ge [sflag:s22], $0x4000  }
0x9e: {  	[sflag:s22] =	ssyncset.done $0x0  }
0x9f: {  	[sflag:s22] =	ssyncadd.s32 $0xFFFFC000  }
0xa0: {  	_ =	swait.ge [sflag:s30], $0x80  }
0xa1: {  	[sflag:s30] =	ssyncset.done $0x0  }
0xa2: {  	[sflag:s30] =	ssyncadd.s32 $0xFFFFFF80  }
0xa3: {  	_ =	swait.ge [sflag:s31], $0x4000  }
0xa4: {  	[sflag:s31] =	ssyncset.done $0x0  }
0xa5: {  	[sflag:s31] =	ssyncadd.s32 $0xFFFFC000  }
0xa6: {  	[spmem:s2] =	stream.indirect.scatter.add.f32 [tilespmem:s26], [sflag:$0x5], $0x80, s24, s25, $0xb8;
	[tilespmem:$0x1D500] =	vst v63  }
0xa7: {  	_ =	swait.ge [sflag:s22], $0x4000  }
0xa8: {  	s5 =	smov.u32 s20;
	s0 =	simm.s32 $0x400;
	[sflag:s22] =	ssyncset.done $0x0  }
.LBB2_4:
0xa9: {  	p0 =	sne.s32 s0, $0x4C00;
	[sflag:s22] =	ssyncadd.s32 $0xFFFFC000;
	s5 =	sadd.s32 $0x20, s5  }
0xaa: {  	[tilespmem:s23], [sflag:$0x3] =	stream.linear.gather [hbm4b:s5+s3], $0x80, $0x38;
	[tilespmem:$0x1D500] =	vst v63  }
0xab: {  	s12 =	smov.u32 s0;
	s0 =	sadd.s32 $0x400, s0;
	s11 =	sadd.s32 $0x10, s5  }
0xac: {  	[tilespmem:s24], [sflag:$0x4] =	stream.linear.gather [hbm4b:s11+s3], $0x80, $0x38;
	[tilespmem:$0x1D500] =	vst v63  }
0xad: {  	s11 =	sshra.s32 s12, $0x2  }
0xae: {  	[tilespmem:s21], [sflag:$0x1] =	stream.indirect.gather [hbm4b:s4+s25], $0x80, s11, s25, $0xb8;
	[tilespmem:$0x1D500] =	vst v63  }
0xaf: {  	s11 =	sadd.s32 $0x80, s11  }
0xb0: {  	[tilespmem:s26], [sflag:$0x2] =	stream.indirect.gather [hbm4b:s4+s25], $0x80, s11, s25, $0xb8;
	[tilespmem:$0x1D500] =	vst v63  }
0xb1: {  	_ =	swait.ge [sflag:s28], $0x80  }
0xb2: {  	[sflag:s28] =	ssyncset.done $0x0  }
0xb3: {  	[sflag:s28] =	ssyncadd.s32 $0xFFFFFF80  }
0xb4: {  	_ =	swait.ge [sflag:s29], $0x4000  }
0xb5: {  	[sflag:s29] =	ssyncset.done $0x0  }
0xb6: {  	[sflag:s29] =	ssyncadd.s32 $0xFFFFC000  }
0xb7: {  	[spmem:s2] =	stream.indirect.scatter.add.f32 [tilespmem:s21], [sflag:$0x5], $0x80, s23, s25, $0xb8;
	[tilespmem:$0x1D500] =	vst v63  }
0xb8: {  	_ =	swait.ge [sflag:s22], $0x4000  }
0xb9: {  	[sflag:s22] =	ssyncset.done $0x0  }
0xba: {  	[sflag:s22] =	ssyncadd.s32 $0xFFFFC000  }
0xbb: {  	_ =	swait.ge [sflag:s30], $0x80  }
0xbc: {  	[sflag:s30] =	ssyncset.done $0x0  }
0xbd: {  	[sflag:s30] =	ssyncadd.s32 $0xFFFFFF80  }
0xbe: {  	_ =	swait.ge [sflag:s31], $0x4000  }
.Ltmp1:
0xbf: {  	[sflag:s31] =	ssyncset.done $0x0;
	(pc) =	sbr.rel @p0 .LBB2_4-.Ltmp1, $4  }
0xc0: {  	[sflag:s31] =	ssyncadd.s32 $0xFFFFC000  }
0xc1: {  	[spmem:s2] =	stream.indirect.scatter.add.f32 [tilespmem:s26], [sflag:$0x5], $0x80, s24, s25, $0xb8;
	[tilespmem:$0x1D500] =	vst v63  }
0xc2: {  	_ =	swait.ge [sflag:s22], $0x4000  }
0xc3: {  	[sflag:s22] =	ssyncset.done $0x0  }
0xc4: {  	[sflag:s22] =	ssyncadd.s32 $0xFFFFC000  }
0xc5: {  	[bflag:$0x0] =	sbarrier.arrive $0xFFFF  }
0xc6: {  	[tilespmem:s21], [sflag:$0x5] =	stream.linear.gather [spmem:s6], $0x4000, $0x38;
	[tilespmem:$0x1D500] =	vst v63  }
0xc7: {  	_ =	swait.ge [sflag:s22], $0x4000  }
0xc8: {  	[sflag:s22] =	ssyncset.done $0x0  }
0xc9: {  	[sflag:s22] =	ssyncadd.s32 $0xFFFFC000  }
0xca: {  	[hbm4b:s14+s3] =	stream.linear.scatter [tilespmem:s21], [sflag:$0x5], $0x4000, $0x38;
	[tilespmem:$0x1D500] =	vst v63  }
0xcb: {  	_ =	swait.ge [sflag:s22], $0x4000  }
0xcc: {  	[sflag:s22] =	ssyncset.done $0x0  }
0xcd: {  	[sflag:s22] =	ssyncadd.s32 $0xFFFFC000  }
0xce: {  	[tilespmem:s21], [sflag:$0x5] =	stream.linear.gather [spmem:s7], $0x4000, $0x38;
	[tilespmem:$0x1D500] =	vst v63  }
0xcf: {  	_ =	swait.ge [sflag:s22], $0x4000  }
0xd0: {  	[sflag:s22] =	ssyncset.done $0x0  }
0xd1: {  	[sflag:s22] =	ssyncadd.s32 $0xFFFFC000  }
0xd2: {  	[hbm4b:s15+s3] =	stream.linear.scatter [tilespmem:s21], [sflag:$0x5], $0x4000, $0x38;
	[tilespmem:$0x1D500] =	vst v63  }
0xd3: {  	_ =	swait.ge [sflag:s22], $0x4000  }
0xd4: {  	[sflag:s22] =	ssyncset.done $0x0  }
0xd5: {  	[sflag:s22] =	ssyncadd.s32 $0xFFFFC000  }
0xd6: {  	[tilespmem:s21], [sflag:$0x5] =	stream.linear.gather [spmem:s8], $0x4000, $0x38;
	[tilespmem:$0x1D500] =	vst v63  }
0xd7: {  	_ =	swait.ge [sflag:s22], $0x4000  }
0xd8: {  	[sflag:s22] =	ssyncset.done $0x0  }
0xd9: {  	[sflag:s22] =	ssyncadd.s32 $0xFFFFC000  }
0xda: {  	[hbm4b:s16+s3] =	stream.linear.scatter [tilespmem:s21], [sflag:$0x5], $0x4000, $0x38;
	[tilespmem:$0x1D500] =	vst v63  }
0xdb: {  	_ =	swait.ge [sflag:s22], $0x4000  }
0xdc: {  	[sflag:s22] =	ssyncset.done $0x0  }
0xdd: {  	[sflag:s22] =	ssyncadd.s32 $0xFFFFC000  }
0xde: {  	[tilespmem:s21], [sflag:$0x5] =	stream.linear.gather [spmem:s9], $0x4000, $0x38;
	[tilespmem:$0x1D500] =	vst v63  }
0xdf: {  	_ =	swait.ge [sflag:s22], $0x4000  }
0xe0: {  	[sflag:s22] =	ssyncset.done $0x0  }
0xe1: {  	[sflag:s22] =	ssyncadd.s32 $0xFFFFC000  }
0xe2: {  	[hbm4b:s17+s3] =	stream.linear.scatter [tilespmem:s21], [sflag:$0x5], $0x4000, $0x38;
	[tilespmem:$0x1D500] =	vst v63  }
0xe3: {  	_ =	swait.ge [sflag:s22], $0x4000  }
0xe4: {  	[sflag:s22] =	ssyncset.done $0x0  }
0xe5: {  	[sflag:s22] =	ssyncadd.s32 $0xFFFFC000  }
0xe6: {  	[tilespmem:s21], [sflag:$0x5] =	stream.linear.gather [spmem:s10], $0x4000, $0x38;
	[tilespmem:$0x1D500] =	vst v63  }
0xe7: {  	_ =	swait.ge [sflag:s22], $0x4000  }
0xe8: {  	[sflag:s22] =	ssyncset.done $0x0  }
0xe9: {  	[sflag:s22] =	ssyncadd.s32 $0xFFFFC000  }
0xea: {  	[hbm4b:s18+s3] =	stream.linear.scatter [tilespmem:s21], [sflag:$0x5], $0x4000, $0x38;
	[tilespmem:$0x1D500] =	vst v63  }
0xeb: {  	_ =	swait.ge [sflag:s22], $0x4000  }
0xec: {  	s1 =	sadd.s32 $0x1, s1;
	s0 =	rddreg [dreg:$0x6]  }
0xed: {  	p0 =	sne.s32 s1, s0  }
.Ltmp2:
0xee: {  	_ = 	snop;
	(pc) =	sbr.rel @p0 .LBB2_1-.Ltmp2, $3  }
0xef: {  	_ =	sdelay $0x1  }
0xf0: {  	[sflag:s22] =	ssyncset.done $0x0  }
0xf1: {  	[sflag:s22] =	ssyncadd.s32 $0xFFFFC000  }
0xf2: {  	_ =	sfence.sel $0x180000  }
0xf3: {  	[bflag:$0x0] =	sbarrier.arrive $0xFFFF  }
0xf4: {  	_ =	strace $0x9000004A  }
0xf5: {  	s0 =	stileid.u32;
	[bflag:$0x2] =	sbarrier.arrive $0xFFFF  }
0xf6: {  	p0 =	sne.s32 s0, $0x0;
	s0 =	rddreg [dreg:$0x2]  }
0xf7: {  	s0 =	sadd.s32 @!p0 $0x100000, s0  }
0xf8: {  	[sflag:s0] =	ssyncadd.tile.s32 @!p0 $0x1;
	_ =	shalt  }
.Lfunc_end2:
_tile_overlayer_lowered:
.L_overlay_start_2:
0xf9: {  	(tag) =	ssettag $0x2  }
0xfa: {  	s0 =	rddreg [dreg:$0x0];
	s2 =	stileid.u32  }
0xfb: {  	s1 =	rddreg [dreg:$0x1];
	p0 =	sne.s32 s2, $0x0  }
0xfc: {  	s3 =	rddreg [dreg:$0x2];
	[bflag:$0x3] =	sbarrier.arrive $0xFFFF;
	s2 =	simm.s32 @!p0 $0x1C05  }
0xfd: {  	[timem:s3], [sflag:s2] =	dma.local @!p0 [hbm:s0], s1  }
0xfe: {  	s0 =	simm.s32 @!p0 $0x5  }
0xff: {  	_ =	swait.ge @!p0 [sflag:s0], s1  }
0x100: {  	s1 =	ssub.s32 @!p0 $0x0, s1;
	[sflag:s0] =	ssyncset.done @!p0 $0x0  }
0x101: {  	[sflag:s0] =	ssyncadd.s32 @!p0 s1  }
0x102: {  	[bflag:$0x3] =	sbarrier.arrive $0xFFFF  }
0x103: {  	_ =	shalt  }

// kernel: kernel.15.cloned.1.call-start
scs
__scs_entry_jumppad:
0x0: {  	(pc) =	sbr.rel $0x88, $3  }
0x1: {  	(tag) =	ssettag $0x0;
	lr =	simm.s32 $0x1  }
0x2: {  	[smem:$0x3F93] =	sst lr;
	_ =	strace $0xD0000000  }
0x3: {  	_ = 	snop  }
0x4: {  	_ = 	snop  }
0x5: {  	_ = 	snop  }
0x6: {  	_ = 	snop  }
0x7: {  	_ = 	snop  }
__scs_overlays_trampoline_lowered:
0x8: {  	[smem:$0x3FA2] =	sst s0  }
0x9: {  	[smem:$0x3FA3] =	sst s1  }
0xa: {  	[smem:$0x3FA4] =	sst s2  }
0xb: {  	[smem:$0x3FA5] =	sst s3  }
0xc: {  	[smem:$0x3FA6] =	sst s4  }
0xd: {  	[smem:$0x3FA7] =	sst s5  }
0xe: {  	[smem:$0x3FA8] =	sst s6  }
0xf: {  	[smem:$0x3FA9] =	sst s7  }
0x10: {  	[smem:$0x3FAA] =	sst s8  }
0x11: {  	[smem:$0x3FAB] =	sst s9;
	s0 =	simm.s32 @!p0 $0x0  }
0x12: {  	s1 =	sld [smem:$0x3F91];
	s0 =	simm.s32 @p0 $0x1  }
0x13: {  	[smem:$0x3FAC] =	sst s0;
	s0 =	simm.s32 @!p1 $0x0  }
0x14: {  	s2 =	sld [smem:$0x3F90];
	s0 =	simm.s32 @p1 $0x1  }
0x15: {  	[smem:$0x3FAD] =	sst s0;
	s0 =	simm.s32 @!p2 $0x0  }
0x16: {  	s3 =	sld [smem:$0x3FDB];
	s0 =	simm.s32 @p2 $0x1  }
0x17: {  	s4 =	simm.s32 $0x1BF5;
	[smem:$0x3FAF] =	sst s0  }
0x18: {  	s0 =	sld [smem:$0x3F92];
	_ =	swait.ge [sflag:s4], $0x0  }
0x19: {  	s7 =	sld [smem:$0x3F93]  }
0x1a: {  	s8 =	sadd.s32 $0xFFFFE003, lr  }
0x1b: {  	s9 =	sadd.s32 $0xFFFFFEF7, lr;
	s5 =	simm.s32 $0xFFFFFFFF;
	p2 =	slt.u32 s8, $0xFFFFF086  }
0x1c: {  	p1 =	slt.u32 s9, $0xF7A;
	s5 =	simm.s32 @!p2 $0x0  }
0x1d: {  	s5 =	simm.s32 @p1 $0x1;
	p0 =	seq.s32 s7, s2  }
0x1e: {  	s7 =	smul.u32 @!p0 $0xF7A, s2;
	p2 =	seq.s32 @!p0 s5, $0x0  }
0x1f: {  	s9 =	smul.u32 $0xF7A, s1;
	s8 =	simm.s32 @!p0 $0x1BF5;
	p2 =	por !p2, p0  }
0x20: {  	[sflag:s8] =	ssyncset.s32 @!p0 $0xFFFFF086;
	s6 =	sadd.s32 @!p0 s3, s7;
	s7 =	simm.s32 @!p0 $0x108  }
0x21: {  	s3 =	sadd.s32 s3, s9;
	s6 =	sadd.s32 @!p0 $0x88, s6;
	s7 =	simm.s32 @p2 $0x1082  }
0x22: {  	[simem:s7], [sflag:s8] =	dma.local @!p0 [hbm:s6], $0xF7A  }
0x23: {  	s9 =	sor.u32 $0xD0000000, s2;
	s6 =	simm.s32 $0x108;
	_ =	swait.ge @!p0 [sflag:s8], $0x0  }
0x24: {  	s3 =	sadd.s32 $0x88, s3;
	s6 =	simm.s32 @!p1 $0x1082;
	[sflag:s4] =	ssyncset.s32 $0xFFFFF086  }
0x25: {  	[simem:s6], [sflag:s4] =	dma.local [hbm:s3], $0xF7A  }
0x26: {  	[smem:$0x3F93] =	sst s1;
	(tag) =	ssettag s2;
	_ =	strace s9  }
0x27: {  	s1 =	sld [smem:$0x3FA3]  }
0x28: {  	s2 =	sld [smem:$0x3FA4]  }
0x29: {  	s4 =	sld [smem:$0x3FA6]  }
0x2a: {  	p0 =	seq.s32 s5, $0x0;
	s5 =	sld [smem:$0x3FA7]  }
0x2b: {  	s6 =	sld [smem:$0x3FA8]  }
0x2c: {  	s7 =	sld [smem:$0x3FA9]  }
0x2d: {  	s3 =	simm.s32 $0x108;
	s8 =	sld [smem:$0x3FAA]  }
0x2e: {  	s3 =	simm.s32 @!p0 $0x1082;
	s9 =	sld [smem:$0x3FAB]  }
0x2f: {  	lr =	sadd.s32 s0, s3;
	s0 =	sld [smem:$0x3FA2]  }
0x30: {  	s3 =	sld [smem:$0x3FA5]  }
0x31: {  	[smem:$0x3FAE] =	sst s10  }
0x32: {  	s10 =	sld [smem:$0x3FAC];
	_ =	sdelay $0x3  }
0x33: {  	p0 =	seq.s32 s10, $0x1;
	s10 =	sld [smem:$0x3FAE];
	_ =	sdelay $0x3  }
0x34: {  	[smem:$0x3FAE] =	sst s10  }
0x35: {  	s10 =	sld [smem:$0x3FAD];
	_ =	sdelay $0x3  }
0x36: {  	p1 =	seq.s32 s10, $0x1;
	s10 =	sld [smem:$0x3FAE];
	_ =	sdelay $0x3  }
0x37: {  	[smem:$0x3FAE] =	sst s10  }
0x38: {  	s10 =	sld [smem:$0x3FAF]  }
0x39: {  	_ = 	snop;
	(pc) =	sbr.ind lr, $3  }
0x3a: {  	_ = 	snop  }
0x3b: {  	_ = 	snop  }
0x3c: {  	p2 =	seq.s32 s10, $0x1;
	s10 =	sld [smem:$0x3FAE]  }
0x3d: {  	_ =	shalt  }
0x3e: {  	_ =	shalt  }
0x3f: {  	_ =	shalt  }
0x40: {  	_ =	shalt  }
0x41: {  	_ =	shalt  }
0x42: {  	_ =	shalt  }
0x43: {  	_ =	shalt  }
0x44: {  	_ =	shalt  }
0x45: {  	_ =	shalt  }
0x46: {  	_ =	shalt  }
0x47: {  	_ =	shalt  }
0x48: {  	_ =	shalt  }
0x49: {  	_ =	shalt  }
0x4a: {  	_ =	shalt  }
0x4b: {  	_ =	shalt  }
0x4c: {  	_ =	shalt  }
0x4d: {  	_ =	shalt  }
0x4e: {  	_ =	shalt  }
0x4f: {  	_ =	shalt  }
0x50: {  	_ =	shalt  }
0x51: {  	_ =	shalt  }
0x52: {  	_ =	shalt  }
0x53: {  	_ =	shalt  }
0x54: {  	_ =	shalt  }
0x55: {  	_ =	shalt  }
0x56: {  	_ =	shalt  }
0x57: {  	_ =	shalt  }
0x58: {  	_ =	shalt  }
0x59: {  	_ =	shalt  }
0x5a: {  	_ =	shalt  }
0x5b: {  	_ =	shalt  }
0x5c: {  	_ =	shalt  }
0x5d: {  	_ =	shalt  }
0x5e: {  	_ =	shalt  }
0x5f: {  	_ =	shalt  }
0x60: {  	_ =	shalt  }
0x61: {  	_ =	shalt  }
0x62: {  	_ =	shalt  }
0x63: {  	_ =	shalt  }
0x64: {  	_ =	shalt  }
0x65: {  	_ =	shalt  }
0x66: {  	_ =	shalt  }
0x67: {  	_ =	shalt  }
0x68: {  	_ =	shalt  }
0x69: {  	_ =	shalt  }
0x6a: {  	_ =	shalt  }
0x6b: {  	_ =	shalt  }
0x6c: {  	_ =	shalt  }
0x6d: {  	_ =	shalt  }
0x6e: {  	_ =	shalt  }
0x6f: {  	_ =	shalt  }
0x70: {  	_ =	shalt  }
0x71: {  	_ =	shalt  }
0x72: {  	_ =	shalt  }
0x73: {  	_ =	shalt  }
0x74: {  	_ =	shalt  }
0x75: {  	_ =	shalt  }
0x76: {  	_ =	shalt  }
0x77: {  	_ =	shalt  }
0x78: {  	_ =	shalt  }
0x79: {  	_ =	shalt  }
0x7a: {  	_ =	shalt  }
0x7b: {  	_ =	shalt  }
0x7c: {  	_ =	shalt  }
0x7d: {  	_ =	shalt  }
0x7e: {  	_ =	shalt  }
0x7f: {  	_ =	shalt  }
0x80: {  	_ =	shalt  }
0x81: {  	_ =	shalt  }
0x82: {  	_ =	shalt  }
0x83: {  	_ =	shalt  }
0x84: {  	_ =	shalt  }
0x85: {  	_ =	shalt  }
0x86: {  	_ =	shalt  }
0x87: {  	_ =	shalt  }
.Lfunc_end0:
.L_simem_size_0:
called_computation.2_lowered:
.L_overlay_start_0:
0x88: {  	s2 =	sld [smem:$0x3FD9]  }
0x89: {  	s3 =	sld [smem:$0x3FFE];
	_ =	sdelay $0x1  }
0x8a: {  	s1 =	srdreg.scid  }
0x8b: {  	s0 =	sand.u32 $0x1, s1  }
0x8c: {  	s16 =	sshll.u32 s0, $0xA;
	s2 =	sadd.s32 s3, s2  }
0x8d: {  	s2 =	sadd.s32 s2, s16  }
0x8e: {  	[smem:$0x3FBA] =	sst s2  }
0x8f: {  	_ = 	snop  }
0x90: {  	(tm) =	ssettm $0x1  }
0x91: {  	s17 =	sld [smem:$0x3FFB];
	_ =	sdelay $0x3  }
0x92: {  	_ =	strace s17  }
0x93: {  	s2 =	sld [smem:$0x3FFC];
	_ =	sdelay $0x3  }
0x94: {  	_ =	strace s2  }
0x95: {  	s2 =	sld [smem:$0x3FFD];
	_ =	sdelay $0x3  }
0x96: {  	_ =	strace s2  }
0x97: {  	_ =	strace $0x8FFFFFFF  }
0x98: {  	s18 =	sld [smem:$0x3FDB];
	_ =	sdelay $0x1  }
0x99: {  	s19 =	simm.s32 $_scs_section_size  }
0x9a: {  	s4 =	simm.s32 $_size__tile_overlayer_lowered;
	s5 =	simm.s32 $_tile_overlayer_lowered  }
0x9b: {  	s22 =	simm.s32 $0x1BFF;
	s21 =	sshll.u32 s5, $0x1;
	s2 =	sadd.s32 s19, s18  }
0x9c: {  	s6 =	simm.s32 $0x0;
	s20 =	sshll.u32 s4, $0x1;
	s4 =	sadd.s32 s21, s2  }
0x9d: {  	[timem:s6], [sflag:s22] =	dma.local [hbm:s4], s20  }
0x9e: {  	_ =	swait.ge [sflag:s22], s20  }
0x9f: {  	s3 =	ssub.s32 $0x0, s20;
	[sflag:s22] =	ssyncset.done $0x0  }
0xa0: {  	[sflag:s22] =	ssyncadd.s32 s3;
	_ =	sdelay $0x1  }
0xa1: {  	s23 =	simm.s32 $0x1B8B  }
0xa2: {  	_ =	swait.ge [sflag:s23], $0x1  }
0xa3: {  	[sflag:s23] =	ssyncset.done $0x0  }
0xa4: {  	s25 =	simm.s32 $0x1B8E;
	s24 =	sld [smem:$0x3FFE];
	[sflag:s23] =	ssyncadd.s32 $0xFFFFFFFF  }
0xa5: {  	s26 =	simm.s32 $execute0_lowered;
	[smem:$0x3FD2] =	sst s25  }
0xa6: {  	s4 =	sshll.u32 s26, $0x1;
	_ =	strace $0x8000004C;
	[dreg:$0x1] =	wrdreg $0xFFFFFFFF  }
0xa7: {  	s28 =	simm.s32 $_size_execute0_lowered;
	s2 =	sadd.s32 s2, s4;
	[dreg:$0x0] =	wrdreg $0x0  }
0xa8: {  	s4 =	sshll.u32 s28, $0x1;
	[dreg:$0x2] =	wrdreg s2  }
0xa9: {  	[dreg:$0x3] =	wrdreg s4  }
0xaa: {  	[dreg:$0x4] =	wrdreg $0xC0  }
0xab: {  	_ =	task [dreg:s6], $0x5FFFF  }
0xac: {  	[dreg:$0x1] =	wrdreg $0xFFFFFFFF  }
0xad: {  	[dreg:$0x0] =	wrdreg $0x60  }
0xae: {  	[dreg:$0x2] =	wrdreg s24  }
0xaf: {  	[dreg:$0x3] =	wrdreg $0x95000  }
0xb0: {  	[dreg:$0x4] =	wrdreg $0x9  }
0xb1: {  	_ =	task.clear_ibuf [dreg:s6], $0x5FFFF;
	_ =	strace $0x9000004C  }
0xb2: {  	s29 =	simm.s32 $0x9;
	_ =	strace $0x8000004E  }
0xb3: {  	_ =	swait.ge [sflag:s29], $0x1  }
0xb4: {  	[sflag:s29] =	ssyncadd.s32 $0xFFFFFFFF  }
0xb5: {  	_ =	strace $0x9000004E  }
0xb6: {  	_ =	sfence  }
0xb7: {  	s30 =	sld [smem:$0x0];
	_ =	sdelay $0x2  }
0xb8: {  	s31 =	sshll.u32 s1, $0xD;
	s1 =	sshrl.u32 s1, $0x2  }
0xb9: {  	s3 =	sand.u32 $0x4000, s31;
	s1 =	sadd.s32 s1, s30  }
0xba: {  	s0 =	sor.u32 s3, s0;
	s1 =	sshll.u32 s1, $0x11  }
0xbb: {  	s0 =	sor.u32 s1, s0  }
0xbc: {  	s0 =	sadd.s32 $0x8F2B, s0  }
0xbd: {  	[sflag:s0] =	ssyncadd.remote.s32 $0x1  }
0xbe: {  	_ =	sfence.sel $0xFFFF  }
0xbf: {  	[dreg:$0x0] =	wrdreg $0xFFFFFFFF;
	(pc) =	sbr.abs _section_cstart, $3  }
0xc0: {  	[dreg:$0x1] =	wrdreg $0xFFFFFFFF  }
0xc1: {  	_ =	task.clear_ibuf [dreg:s6], $0x2FFFF;
	_ =	strace $0x9FFFFFFF  }
0xc2: {  	(tm) =	ssettm $0x7FFFFFFF  }
0xc3: {  	_ =	shalt  }
tec
execute0_lowered:
.L_overlay_start_1:
0x0: {  	(tag) =	ssettag $0x1  }
0x1: {  	s0 =	srdreg.scid  }
0x2: {  	s1 =	rddreg [dreg:$0x0];
	s12 =	stileid.u32  }
0x3: {  	s2 =	rddreg [dreg:$0x1];
	s8 =	smul.u32 $0x280, s12  }
0x4: {  	s28 =	simm.s32 $0x3;
	s29 =	simm.s32 $0x1;
	s7 =	smul.u32 $0x50000, s12  }
0x5: {  	s30 =	simm.s32 $0x4;
	s31 =	simm.s32 $0x2;
	s22 =	smul.u32 $0x2800, s12  }
0x6: {  	s0 =	sand.u32 $0x1, s0;
	s17 =	sadd.s32 $0x3EC00, s1;
	s24 =	smul.u32 $0x500, s12  }
0x7: {  	s3 =	sshll.u32 s0, $0x4;
	s6 =	smul.u32 $0x5000, s0;
	s18 =	ssub.s32 $0x2, s0  }
0x8: {  	p0 =	seq.s32 s0, $0x1;
	s4 =	sor.u32 s12, s3;
	s3 =	simm.s32 $0x0  }
0x9: {  	s9 =	sshrl.u32 s18, $0x1;
	s7 =	sshrl.u32 s7, $0x2;
	s13 =	sadd.s32 $0x80, s8  }
0xa: {  	s15 =	sadd.s32 $0x100, s8;
	s16 =	sadd.s32 $0x180, s8;
	s5 =	smul.u32 $0x500, s4  }
0xb: {  	[smem:$0x7FF] =	sst s3;
	s4 =	sadd.s32 $0x17A00, s1;
	s11 =	sadd.s32 s6, s1  }
0xc: {  	s14 =	ssub.s32 s18, s9;
	s6 =	sadd.s32 s7, s2;
	s19 =	sshll.u32 s13, $0x7  }
0xd: {  	s20 =	sshll.u32 s15, $0x7;
	s10 =	sshll.u32 s16, $0x7;
	s23 =	sshll.u32 s13, $0x4  }
0xe: {  	_ =	strace $0x8000004D;
	[dreg:$0x3] =	wrdreg s17;
	s7 =	sadd.s32 s19, s2  }
0xf: {  	s17 =	sadd.s32 $0x200, s8;
	s8 =	sadd.s32 s20, s2;
	s9 =	sadd.s32 s10, s2  }
0x10: {  	s19 =	sshll.u32 s15, $0x4;
	s20 =	sshll.u32 s16, $0x4;
	s25 =	smax.u32 s14, $0x1  }
0x11: {  	s26 =	sadd.s32 s24, s11;
	s24 =	simm.s32 $0x1480;
	s5 =	sadd.s32 s5, s1  }
0x12: {  	[dreg:$0x6] =	wrdreg s25;
	s18 =	sadd.s32 $0x3A00, s5;
	s5 =	sadd.s32 $0x3C80, s5  }
0x13: {  	s21 =	sshll.u32 s17, $0x7;
	[dreg:$0x5] =	wrdreg s5;
	s5 =	simm.s32 $0x67400  }
0x14: {  	s25 =	simm.s32 $0x80;
	s10 =	sadd.s32 s21, s2;
	s5 =	simm.s32 @!p0 $0x3F400  }
0x15: {  	s21 =	sshll.u32 s17, $0x4;
	[dreg:$0x4] =	wrdreg s18;
	s1 =	sadd.s32 s5, s1  }
0x16: {  	s14 =	sadd.s32 s1, s22;
	s15 =	sadd.s32 s1, s23;
	s16 =	sadd.s32 s1, s19  }
0x17: {  	s17 =	sadd.s32 s1, s20;
	s18 =	sadd.s32 s1, s21;
	s19 =	sadd.s32 $0xDA00, s26  }
0x18: {  	s20 =	sadd.s32 $0xDC80, s26;
	s21 =	simm.s32 $0x1500;
	s22 =	simm.s32 $0x5  }
0x19: {  	s23 =	simm.s32 $0x1400;
	s26 =	simm.s32 $0x5500;
	s1 =	simm.s32 $0x0  }
.LBB2_1:
0x1a: {  	s0 =	rddreg [dreg:$0x3]  }
0x1b: {  	[tilespmem:s21], [sflag:$0x5] =	stream.linear.gather [hbm4b:s0+s3], $0x4000, $0x38;
	[tilespmem:$0x1D500] =	vst v63  }
0x1c: {  	_ =	swait.ge [sflag:s22], $0x4000  }
0x1d: {  	[sflag:s22] =	ssyncset.done $0x0  }
0x1e: {  	[sflag:s22] =	ssyncadd.s32 $0xFFFFC000  }
0x1f: {  	[spmem:s6] =	stream.linear.scatter [tilespmem:s21], [sflag:$0x5], $0x4000, $0x38;
	[tilespmem:$0x1D500] =	vst v63  }
0x20: {  	_ =	swait.ge [sflag:s22], $0x4000  }
0x21: {  	[sflag:s22] =	ssyncset.done $0x0  }
0x22: {  	[sflag:s22] =	ssyncadd.s32 $0xFFFFC000  }
0x23: {  	[spmem:s7] =	stream.linear.scatter [tilespmem:s21], [sflag:$0x5], $0x4000, $0x38;
	[tilespmem:$0x1D500] =	vst v63  }
0x24: {  	_ =	swait.ge [sflag:s22], $0x4000  }
0x25: {  	[sflag:s22] =	ssyncset.done $0x0  }
0x26: {  	[sflag:s22] =	ssyncadd.s32 $0xFFFFC000  }
0x27: {  	[spmem:s8] =	stream.linear.scatter [tilespmem:s21], [sflag:$0x5], $0x4000, $0x38;
	[tilespmem:$0x1D500] =	vst v63  }
0x28: {  	_ =	swait.ge [sflag:s22], $0x4000  }
0x29: {  	[sflag:s22] =	ssyncset.done $0x0  }
0x2a: {  	[sflag:s22] =	ssyncadd.s32 $0xFFFFC000  }
0x2b: {  	[spmem:s9] =	stream.linear.scatter [tilespmem:s21], [sflag:$0x5], $0x4000, $0x38;
	[tilespmem:$0x1D500] =	vst v63  }
0x2c: {  	_ =	swait.ge [sflag:s22], $0x4000  }
0x2d: {  	[sflag:s22] =	ssyncset.done $0x0  }
0x2e: {  	[sflag:s22] =	ssyncadd.s32 $0xFFFFC000  }
0x2f: {  	[spmem:s10] =	stream.linear.scatter [tilespmem:s21], [sflag:$0x5], $0x4000, $0x38;
	[tilespmem:$0x1D500] =	vst v63  }
0x30: {  	_ =	swait.ge [sflag:s22], $0x4000  }
0x31: {  	[sflag:s22] =	ssyncset.done $0x0  }
0x32: {  	[sflag:s22] =	ssyncadd.s32 $0xFFFFC000  }
0x33: {  	[bflag:$0x0] =	sbarrier.arrive $0xFFFF  }
0x34: {  	s11 =	rddreg [dreg:$0x4]  }
0x35: {  	[tilespmem:s3], [sflag:$0x5] =	stream.linear.gather [hbm4b:s11+s3], $0x1400, $0x38;
	[tilespmem:$0x1D500] =	vst v63  }
0x36: {  	_ =	swait.ge [sflag:s22], $0x1400  }
0x37: {  	[sflag:s22] =	ssyncset.done $0x0  }
0x38: {  	s12 =	sadd.s32 $0x0, s19;
	[sflag:s22] =	ssyncadd.s32 $0xFFFFEC00  }
0x39: {  	[tilespmem:s23], [sflag:$0x3] =	stream.linear.gather [hbm4b:s12+s3], $0x80, $0x38;
	[tilespmem:$0x1D500] =	vst v63  }
0x3a: {  	s0 =	sadd.s32 $0x10, s12  }
0x3b: {  	[tilespmem:s24], [sflag:$0x4] =	stream.linear.gather [hbm4b:s0+s3], $0x80, $0x38;
	[tilespmem:$0x1D500] =	vst v63  }
0x3c: {  	s13 =	simm.s32 $0x0  }
0x3d: {  	[tilespmem:s21], [sflag:$0x1] =	stream.indirect.gather [hbm4b:s4+s25], $0x80, s13, s25, $0xb8;
	[tilespmem:$0x1D500] =	vst v63  }
0x3e: {  	_ = 	snop  }
0x3f: {  	[tilespmem:s26], [sflag:$0x2] =	stream.indirect.gather [hbm4b:s4+s25], $0x80, s25, s25, $0xb8;
	[tilespmem:$0x1D500] =	vst v63  }
0x40: {  	_ =	swait.ge [sflag:s28], $0x80  }
0x41: {  	[sflag:s28] =	ssyncset.done $0x0  }
0x42: {  	[sflag:s28] =	ssyncadd.s32 $0xFFFFFF80  }
0x43: {  	_ =	swait.ge [sflag:s29], $0x4000  }
0x44: {  	[sflag:s29] =	ssyncset.done $0x0  }
0x45: {  	[sflag:s29] =	ssyncadd.s32 $0xFFFFC000  }
0x46: {  	[spmem:s2] =	stream.indirect.scatter.add.f32 [tilespmem:s21], [sflag:$0x5], $0x80, s23, s25, $0xb8;
	[tilespmem:$0x1D500] =	vst v63  }
0x47: {  	_ =	swait.ge [sflag:s22], $0x4000  }
0x48: {  	[sflag:s22] =	ssyncset.done $0x0  }
0x49: {  	[sflag:s22] =	ssyncadd.s32 $0xFFFFC000  }
0x4a: {  	_ =	swait.ge [sflag:s30], $0x80  }
0x4b: {  	[sflag:s30] =	ssyncset.done $0x0  }
0x4c: {  	[sflag:s30] =	ssyncadd.s32 $0xFFFFFF80  }
0x4d: {  	_ =	swait.ge [sflag:s31], $0x4000  }
0x4e: {  	[sflag:s31] =	ssyncset.done $0x0  }
0x4f: {  	[sflag:s31] =	ssyncadd.s32 $0xFFFFC000  }
0x50: {  	[spmem:s2] =	stream.indirect.scatter.add.f32 [tilespmem:s26], [sflag:$0x5], $0x80, s24, s25, $0xb8;
	[tilespmem:$0x1D500] =	vst v63  }
0x51: {  	s5 =	simm.s32 $0x20;
	_ =	swait.ge [sflag:s22], $0x4000  }
0x52: {  	s11 =	simm.s32 $0x40;
	s0 =	simm.s32 $0x180;
	[sflag:s22] =	ssyncset.done $0x0  }
.LBB2_2:
0x53: {  	s12 =	sadd.s32 s5, s19  }
0x54: {  	[sflag:s22] =	ssyncadd.s32 $0xFFFFC000;
	s5 =	smov.u32 s11;
	s13 =	sadd.s32 $0x20, s11  }
0x55: {  	[tilespmem:s23], [sflag:$0x3] =	stream.linear.gather [hbm4b:s12+s3], $0x80, $0x38;
	[tilespmem:$0x1D500] =	vst v63  }
0x56: {  	p0 =	sne.s32 s11, $0x260;
	s11 =	sadd.s32 $0x10, s12  }
0x57: {  	[tilespmem:s24], [sflag:$0x4] =	stream.linear.gather [hbm4b:s11+s3], $0x80, $0x38;
	[tilespmem:$0x1D500] =	vst v63  }
0x58: {  	s11 =	sadd.s32 $0xFFFFFF80, s0  }
0x59: {  	[tilespmem:s21], [sflag:$0x1] =	stream.indirect.gather [hbm4b:s4+s25], $0x80, s11, s25, $0xb8;
	[tilespmem:$0x1D500] =	vst v63  }
0x5a: {  	_ = 	snop  }
0x5b: {  	[tilespmem:s26], [sflag:$0x2] =	stream.indirect.gather [hbm4b:s4+s25], $0x80, s0, s25, $0xb8;
	[tilespmem:$0x1D500] =	vst v63  }
0x5c: {  	_ =	swait.ge [sflag:s28], $0x80  }
0x5d: {  	[sflag:s28] =	ssyncset.done $0x0  }
0x5e: {  	[sflag:s28] =	ssyncadd.s32 $0xFFFFFF80  }
0x5f: {  	_ =	swait.ge [sflag:s29], $0x4000  }
0x60: {  	[sflag:s29] =	ssyncset.done $0x0  }
0x61: {  	[sflag:s29] =	ssyncadd.s32 $0xFFFFC000  }
0x62: {  	[spmem:s2] =	stream.indirect.scatter.add.f32 [tilespmem:s21], [sflag:$0x5], $0x80, s23, s25, $0xb8;
	[tilespmem:$0x1D500] =	vst v63  }
0x63: {  	_ =	swait.ge [sflag:s22], $0x4000  }
0x64: {  	[sflag:s22] =	ssyncset.done $0x0  }
0x65: {  	[sflag:s22] =	ssyncadd.s32 $0xFFFFC000  }
0x66: {  	_ =	swait.ge [sflag:s30], $0x80  }
0x67: {  	[sflag:s30] =	ssyncset.done $0x0  }
0x68: {  	[sflag:s30] =	ssyncadd.s32 $0xFFFFFF80  }
0x69: {  	_ =	swait.ge [sflag:s31], $0x4000  }
.Ltmp0:
0x6a: {  	[sflag:s31] =	ssyncset.done $0x0;
	(pc) =	sbr.rel @p0 .LBB2_2-.Ltmp0, $4  }
0x6b: {  	[sflag:s31] =	ssyncadd.s32 $0xFFFFC000  }
0x6c: {  	[spmem:s2] =	stream.indirect.scatter.add.f32 [tilespmem:s26], [sflag:$0x5], $0x80, s24, s25, $0xb8;
	[tilespmem:$0x1D500] =	vst v63  }
0x6d: {  	_ =	swait.ge [sflag:s22], $0x4000  }
0x6e: {  	s11 =	smov.u32 s13;
	s0 =	sadd.s32 $0x100, s0;
	[sflag:s22] =	ssyncset.done $0x0  }
0x6f: {  	s5 =	sadd.s32 s5, s19;
	[sflag:s22] =	ssyncadd.s32 $0xFFFFC000  }
0x70: {  	[tilespmem:s23], [sflag:$0x3] =	stream.linear.gather [hbm4b:s5+s3], $0x80, $0x38;
	[tilespmem:$0x1D500] =	vst v63  }
0x71: {  	s5 =	sadd.s32 $0x10, s5  }
0x72: {  	[tilespmem:s24], [sflag:$0x4] =	stream.linear.gather [hbm4b:s5+s3], $0x80, $0x38;
	[tilespmem:$0x1D500] =	vst v63  }
0x73: {  	s11 =	sadd.s32 $0xFFFFFF80, s0  }
0x74: {  	[tilespmem:s21], [sflag:$0x1] =	stream.indirect.gather [hbm4b:s4+s25], $0x80, s11, s25, $0xb8;
	[tilespmem:$0x1D500] =	vst v63  }
0x75: {  	_ = 	snop  }
0x76: {  	[tilespmem:s26], [sflag:$0x2] =	stream.indirect.gather [hbm4b:s4+s25], $0x80, s0, s25, $0xb8;
	[tilespmem:$0x1D500] =	vst v63  }
0x77: {  	_ =	swait.ge [sflag:s28], $0x80  }
0x78: {  	[sflag:s28] =	ssyncset.done $0x0  }
0x79: {  	[sflag:s28] =	ssyncadd.s32 $0xFFFFFF80  }
0x7a: {  	_ =	swait.ge [sflag:s29], $0x4000  }
0x7b: {  	[sflag:s29] =	ssyncset.done $0x0  }
0x7c: {  	[sflag:s29] =	ssyncadd.s32 $0xFFFFC000  }
0x7d: {  	[spmem:s2] =	stream.indirect.scatter.add.f32 [tilespmem:s21], [sflag:$0x5], $0x80, s23, s25, $0xb8;
	[tilespmem:$0x1D500] =	vst v63  }
0x7e: {  	_ =	swait.ge [sflag:s22], $0x4000  }
0x7f: {  	[sflag:s22] =	ssyncset.done $0x0  }
0x80: {  	[sflag:s22] =	ssyncadd.s32 $0xFFFFC000  }
0x81: {  	_ =	swait.ge [sflag:s30], $0x80  }
0x82: {  	[sflag:s30] =	ssyncset.done $0x0  }
0x83: {  	[sflag:s30] =	ssyncadd.s32 $0xFFFFFF80  }
0x84: {  	_ =	swait.ge [sflag:s31], $0x4000  }
0x85: {  	[sflag:s31] =	ssyncset.done $0x0  }
0x86: {  	[sflag:s31] =	ssyncadd.s32 $0xFFFFC000  }
0x87: {  	[spmem:s2] =	stream.indirect.scatter.add.f32 [tilespmem:s26], [sflag:$0x5], $0x80, s24, s25, $0xb8;
	[tilespmem:$0x1D500] =	vst v63  }
0x88: {  	_ =	swait.ge [sflag:s22], $0x4000  }
0x89: {  	[sflag:s22] =	ssyncset.done $0x0  }
0x8a: {  	s12 =	simm.s32 $0x0;
	s13 =	rddreg [dreg:$0x5];
	[sflag:s22] =	ssyncadd.s32 $0xFFFFC000  }
0x8b: {  	[tilespmem:s12], [sflag:$0x5] =	stream.linear.gather [hbm4b:s13+s12], $0x1400, $0x38;
	[tilespmem:$0x1D500] =	vst v63  }
0x8c: {  	_ =	swait.ge [sflag:s22], $0x1400  }
0x8d: {  	[sflag:s22] =	ssyncset.done $0x0  }
0x8e: {  	[sflag:s22] =	ssyncadd.s32 $0xFFFFEC00  }
0x8f: {  	[tilespmem:s23], [sflag:$0x3] =	stream.linear.gather [hbm4b:s20+s3], $0x80, $0x38;
	[tilespmem:$0x1D500] =	vst v63  }
0x90: {  	s11 =	sadd.s32 $0x10, s20  }
0x91: {  	[tilespmem:s24], [sflag:$0x4] =	stream.linear.gather [hbm4b:s11+s3], $0x80, $0x38;
	[tilespmem:$0x1D500] =	vst v63  }
0x92: {  	s12 =	simm.s32 $0x0  }
0x93: {  	[tilespmem:s21], [sflag:$0x1] =	stream.indirect.gather [hbm4b:s4+s25], $0x80, s12, s25, $0xb8;
	[tilespmem:$0x1D500] =	vst v63  }
0x94: {  	s13 =	simm.s32 $0x80  }
0x95: {  	[tilespmem:s26], [sflag:$0x2] =	stream.indirect.gather [hbm4b:s4+s25], $0x80, s13, s25, $0xb8;
	[tilespmem:$0x1D500] =	vst v63  }
0x96: {  	_ =	swait.ge [sflag:s28], $0x80  }
0x97: {  	[sflag:s28] =	ssyncset.done $0x0  }
0x98: {  	[sflag:s28] =	ssyncadd.s32 $0xFFFFFF80  }
0x99: {  	_ =	swait.ge [sflag:s29], $0x4000  }
0x9a: {  	[sflag:s29] =	ssyncset.done $0x0  }
0x9b: {  	[sflag:s29] =	ssyncadd.s32 $0xFFFFC000  }
0x9c: {  	[spmem:s2] =	stream.indirect.scatter.add.f32 [tilespmem:s21], [sflag:$0x5], $0x80, s23, s25, $0xb8;
	[tilespmem:$0x1D500] =	vst v63  }
0x9d: {  	_ =	swait.ge [sflag:s22], $0x4000  }
0x9e: {  	[sflag:s22] =	ssyncset.done $0x0  }
0x9f: {  	[sflag:s22] =	ssyncadd.s32 $0xFFFFC000  }
0xa0: {  	_ =	swait.ge [sflag:s30], $0x80  }
0xa1: {  	[sflag:s30] =	ssyncset.done $0x0  }
0xa2: {  	[sflag:s30] =	ssyncadd.s32 $0xFFFFFF80  }
0xa3: {  	_ =	swait.ge [sflag:s31], $0x4000  }
0xa4: {  	[sflag:s31] =	ssyncset.done $0x0  }
0xa5: {  	[sflag:s31] =	ssyncadd.s32 $0xFFFFC000  }
0xa6: {  	[spmem:s2] =	stream.indirect.scatter.add.f32 [tilespmem:s26], [sflag:$0x5], $0x80, s24, s25, $0xb8;
	[tilespmem:$0x1D500] =	vst v63  }
0xa7: {  	_ =	swait.ge [sflag:s22], $0x4000  }
0xa8: {  	s5 =	smov.u32 s20;
	s0 =	simm.s32 $0x400;
	[sflag:s22] =	ssyncset.done $0x0  }
.LBB2_4:
0xa9: {  	p0 =	sne.s32 s0, $0x4C00;
	[sflag:s22] =	ssyncadd.s32 $0xFFFFC000;
	s5 =	sadd.s32 $0x20, s5  }
0xaa: {  	[tilespmem:s23], [sflag:$0x3] =	stream.linear.gather [hbm4b:s5+s3], $0x80, $0x38;
	[tilespmem:$0x1D500] =	vst v63  }
0xab: {  	s12 =	smov.u32 s0;
	s0 =	sadd.s32 $0x400, s0;
	s11 =	sadd.s32 $0x10, s5  }
0xac: {  	[tilespmem:s24], [sflag:$0x4] =	stream.linear.gather [hbm4b:s11+s3], $0x80, $0x38;
	[tilespmem:$0x1D500] =	vst v63  }
0xad: {  	s11 =	sshra.s32 s12, $0x2  }
0xae: {  	[tilespmem:s21], [sflag:$0x1] =	stream.indirect.gather [hbm4b:s4+s25], $0x80, s11, s25, $0xb8;
	[tilespmem:$0x1D500] =	vst v63  }
0xaf: {  	s11 =	sadd.s32 $0x80, s11  }
0xb0: {  	[tilespmem:s26], [sflag:$0x2] =	stream.indirect.gather [hbm4b:s4+s25], $0x80, s11, s25, $0xb8;
	[tilespmem:$0x1D500] =	vst v63  }
0xb1: {  	_ =	swait.ge [sflag:s28], $0x80  }
0xb2: {  	[sflag:s28] =	ssyncset.done $0x0  }
0xb3: {  	[sflag:s28] =	ssyncadd.s32 $0xFFFFFF80  }
0xb4: {  	_ =	swait.ge [sflag:s29], $0x4000  }
0xb5: {  	[sflag:s29] =	ssyncset.done $0x0  }
0xb6: {  	[sflag:s29] =	ssyncadd.s32 $0xFFFFC000  }
0xb7: {  	[spmem:s2] =	stream.indirect.scatter.add.f32 [tilespmem:s21], [sflag:$0x5], $0x80, s23, s25, $0xb8;
	[tilespmem:$0x1D500] =	vst v63  }
0xb8: {  	_ =	swait.ge [sflag:s22], $0x4000  }
0xb9: {  	[sflag:s22] =	ssyncset.done $0x0  }
0xba: {  	[sflag:s22] =	ssyncadd.s32 $0xFFFFC000  }
0xbb: {  	_ =	swait.ge [sflag:s30], $0x80  }
0xbc: {  	[sflag:s30] =	ssyncset.done $0x0  }
0xbd: {  	[sflag:s30] =	ssyncadd.s32 $0xFFFFFF80  }
0xbe: {  	_ =	swait.ge [sflag:s31], $0x4000  }
.Ltmp1:
0xbf: {  	[sflag:s31] =	ssyncset.done $0x0;
	(pc) =	sbr.rel @p0 .LBB2_4-.Ltmp1, $4  }
0xc0: {  	[sflag:s31] =	ssyncadd.s32 $0xFFFFC000  }
0xc1: {  	[spmem:s2] =	stream.indirect.scatter.add.f32 [tilespmem:s26], [sflag:$0x5], $0x80, s24, s25, $0xb8;
	[tilespmem:$0x1D500] =	vst v63  }
0xc2: {  	_ =	swait.ge [sflag:s22], $0x4000  }
0xc3: {  	[sflag:s22] =	ssyncset.done $0x0  }
0xc4: {  	[sflag:s22] =	ssyncadd.s32 $0xFFFFC000  }
0xc5: {  	[bflag:$0x0] =	sbarrier.arrive $0xFFFF  }
0xc6: {  	[tilespmem:s21], [sflag:$0x5] =	stream.linear.gather [spmem:s6], $0x4000, $0x38;
	[tilespmem:$0x1D500] =	vst v63  }
0xc7: {  	_ =	swait.ge [sflag:s22], $0x4000  }
0xc8: {  	[sflag:s22] =	ssyncset.done $0x0  }
0xc9: {  	[sflag:s22] =	ssyncadd.s32 $0xFFFFC000  }
0xca: {  	[hbm4b:s14+s3] =	stream.linear.scatter [tilespmem:s21], [sflag:$0x5], $0x4000, $0x38;
	[tilespmem:$0x1D500] =	vst v63  }
0xcb: {  	_ =	swait.ge [sflag:s22], $0x4000  }
0xcc: {  	[sflag:s22] =	ssyncset.done $0x0  }
0xcd: {  	[sflag:s22] =	ssyncadd.s32 $0xFFFFC000  }
0xce: {  	[tilespmem:s21], [sflag:$0x5] =	stream.linear.gather [spmem:s7], $0x4000, $0x38;
	[tilespmem:$0x1D500] =	vst v63  }
0xcf: {  	_ =	swait.ge [sflag:s22], $0x4000  }
0xd0: {  	[sflag:s22] =	ssyncset.done $0x0  }
0xd1: {  	[sflag:s22] =	ssyncadd.s32 $0xFFFFC000  }
0xd2: {  	[hbm4b:s15+s3] =	stream.linear.scatter [tilespmem:s21], [sflag:$0x5], $0x4000, $0x38;
	[tilespmem:$0x1D500] =	vst v63  }
0xd3: {  	_ =	swait.ge [sflag:s22], $0x4000  }
0xd4: {  	[sflag:s22] =	ssyncset.done $0x0  }
0xd5: {  	[sflag:s22] =	ssyncadd.s32 $0xFFFFC000  }
0xd6: {  	[tilespmem:s21], [sflag:$0x5] =	stream.linear.gather [spmem:s8], $0x4000, $0x38;
	[tilespmem:$0x1D500] =	vst v63  }
0xd7: {  	_ =	swait.ge [sflag:s22], $0x4000  }
0xd8: {  	[sflag:s22] =	ssyncset.done $0x0  }
0xd9: {  	[sflag:s22] =	ssyncadd.s32 $0xFFFFC000  }
0xda: {  	[hbm4b:s16+s3] =	stream.linear.scatter [tilespmem:s21], [sflag:$0x5], $0x4000, $0x38;
	[tilespmem:$0x1D500] =	vst v63  }
0xdb: {  	_ =	swait.ge [sflag:s22], $0x4000  }
0xdc: {  	[sflag:s22] =	ssyncset.done $0x0  }
0xdd: {  	[sflag:s22] =	ssyncadd.s32 $0xFFFFC000  }
0xde: {  	[tilespmem:s21], [sflag:$0x5] =	stream.linear.gather [spmem:s9], $0x4000, $0x38;
	[tilespmem:$0x1D500] =	vst v63  }
0xdf: {  	_ =	swait.ge [sflag:s22], $0x4000  }
0xe0: {  	[sflag:s22] =	ssyncset.done $0x0  }
0xe1: {  	[sflag:s22] =	ssyncadd.s32 $0xFFFFC000  }
0xe2: {  	[hbm4b:s17+s3] =	stream.linear.scatter [tilespmem:s21], [sflag:$0x5], $0x4000, $0x38;
	[tilespmem:$0x1D500] =	vst v63  }
0xe3: {  	_ =	swait.ge [sflag:s22], $0x4000  }
0xe4: {  	[sflag:s22] =	ssyncset.done $0x0  }
0xe5: {  	[sflag:s22] =	ssyncadd.s32 $0xFFFFC000  }
0xe6: {  	[tilespmem:s21], [sflag:$0x5] =	stream.linear.gather [spmem:s10], $0x4000, $0x38;
	[tilespmem:$0x1D500] =	vst v63  }
0xe7: {  	_ =	swait.ge [sflag:s22], $0x4000  }
0xe8: {  	[sflag:s22] =	ssyncset.done $0x0  }
0xe9: {  	[sflag:s22] =	ssyncadd.s32 $0xFFFFC000  }
0xea: {  	[hbm4b:s18+s3] =	stream.linear.scatter [tilespmem:s21], [sflag:$0x5], $0x4000, $0x38;
	[tilespmem:$0x1D500] =	vst v63  }
0xeb: {  	_ =	swait.ge [sflag:s22], $0x4000  }
0xec: {  	s1 =	sadd.s32 $0x1, s1;
	s0 =	rddreg [dreg:$0x6]  }
0xed: {  	p0 =	sne.s32 s1, s0  }
.Ltmp2:
0xee: {  	_ = 	snop;
	(pc) =	sbr.rel @p0 .LBB2_1-.Ltmp2, $3  }
0xef: {  	_ =	sdelay $0x1  }
0xf0: {  	[sflag:s22] =	ssyncset.done $0x0  }
0xf1: {  	[sflag:s22] =	ssyncadd.s32 $0xFFFFC000  }
0xf2: {  	_ =	sfence.sel $0x180000  }
0xf3: {  	[bflag:$0x0] =	sbarrier.arrive $0xFFFF  }
0xf4: {  	_ =	strace $0x9000004D  }
0xf5: {  	s0 =	stileid.u32;
	[bflag:$0x2] =	sbarrier.arrive $0xFFFF  }
0xf6: {  	p0 =	sne.s32 s0, $0x0;
	s0 =	rddreg [dreg:$0x2]  }
0xf7: {  	s0 =	sadd.s32 @!p0 $0x100000, s0  }
0xf8: {  	[sflag:s0] =	ssyncadd.tile.s32 @!p0 $0x1;
	_ =	shalt  }
.Lfunc_end2:
_tile_overlayer_lowered:
.L_overlay_start_2:
0xf9: {  	(tag) =	ssettag $0x2  }
0xfa: {  	s0 =	rddreg [dreg:$0x0];
	s2 =	stileid.u32  }
0xfb: {  	s1 =	rddreg [dreg:$0x1];
	p0 =	sne.s32 s2, $0x0  }
0xfc: {  	s3 =	rddreg [dreg:$0x2];
	[bflag:$0x3] =	sbarrier.arrive $0xFFFF;
	s2 =	simm.s32 @!p0 $0x1C05  }
0xfd: {  	[timem:s3], [sflag:s2] =	dma.local @!p0 [hbm:s0], s1  }
0xfe: {  	s0 =	simm.s32 @!p0 $0x5  }
0xff: {  	_ =	swait.ge @!p0 [sflag:s0], s1  }
0x100: {  	s1 =	ssub.s32 @!p0 $0x0, s1;
	[sflag:s0] =	ssyncset.done @!p0 $0x0  }
0x101: {  	[sflag:s0] =	ssyncadd.s32 @!p0 s1  }
0x102: {  	[bflag:$0x3] =	sbarrier.arrive $0xFFFF  }
0x103: {  	_ =	shalt  }

// kernel: kernel.9.cloned.1.call-start
scs
__scs_entry_jumppad:
0x0: {  	(pc) =	sbr.rel $0x88, $3  }
0x1: {  	(tag) =	ssettag $0x0;
	lr =	simm.s32 $0x1  }
0x2: {  	[smem:$0x3F93] =	sst lr;
	_ =	strace $0xD0000000  }
0x3: {  	_ = 	snop  }
0x4: {  	_ = 	snop  }
0x5: {  	_ = 	snop  }
0x6: {  	_ = 	snop  }
0x7: {  	_ = 	snop  }
__scs_overlays_trampoline_lowered:
0x8: {  	[smem:$0x3FA2] =	sst s0  }
0x9: {  	[smem:$0x3FA3] =	sst s1  }
0xa: {  	[smem:$0x3FA4] =	sst s2  }
0xb: {  	[smem:$0x3FA5] =	sst s3  }
0xc: {  	[smem:$0x3FA6] =	sst s4  }
0xd: {  	[smem:$0x3FA7] =	sst s5  }
0xe: {  	[smem:$0x3FA8] =	sst s6  }
0xf: {  	[smem:$0x3FA9] =	sst s7  }
0x10: {  	[smem:$0x3FAA] =	sst s8  }
0x11: {  	[smem:$0x3FAB] =	sst s9;
	s0 =	simm.s32 @!p0 $0x0  }
0x12: {  	s1 =	sld [smem:$0x3F91];
	s0 =	simm.s32 @p0 $0x1  }
0x13: {  	[smem:$0x3FAC] =	sst s0;
	s0 =	simm.s32 @!p1 $0x0  }
0x14: {  	s2 =	sld [smem:$0x3F90];
	s0 =	simm.s32 @p1 $0x1  }
0x15: {  	[smem:$0x3FAD] =	sst s0;
	s0 =	simm.s32 @!p2 $0x0  }
0x16: {  	s3 =	sld [smem:$0x3FDB];
	s0 =	simm.s32 @p2 $0x1  }
0x17: {  	s4 =	simm.s32 $0x1BF5;
	[smem:$0x3FAF] =	sst s0  }
0x18: {  	s0 =	sld [smem:$0x3F92];
	_ =	swait.ge [sflag:s4], $0x0  }
0x19: {  	s7 =	sld [smem:$0x3F93]  }
0x1a: {  	s8 =	sadd.s32 $0xFFFFE003, lr  }
0x1b: {  	s9 =	sadd.s32 $0xFFFFFEF7, lr;
	s5 =	simm.s32 $0xFFFFFFFF;
	p2 =	slt.u32 s8, $0xFFFFF086  }
0x1c: {  	p1 =	slt.u32 s9, $0xF7A;
	s5 =	simm.s32 @!p2 $0x0  }
0x1d: {  	s5 =	simm.s32 @p1 $0x1;
	p0 =	seq.s32 s7, s2  }
0x1e: {  	s7 =	smul.u32 @!p0 $0xF7A, s2;
	p2 =	seq.s32 @!p0 s5, $0x0  }
0x1f: {  	s9 =	smul.u32 $0xF7A, s1;
	s8 =	simm.s32 @!p0 $0x1BF5;
	p2 =	por !p2, p0  }
0x20: {  	[sflag:s8] =	ssyncset.s32 @!p0 $0xFFFFF086;
	s6 =	sadd.s32 @!p0 s3, s7;
	s7 =	simm.s32 @!p0 $0x108  }
0x21: {  	s3 =	sadd.s32 s3, s9;
	s6 =	sadd.s32 @!p0 $0x88, s6;
	s7 =	simm.s32 @p2 $0x1082  }
0x22: {  	[simem:s7], [sflag:s8] =	dma.local @!p0 [hbm:s6], $0xF7A  }
0x23: {  	s9 =	sor.u32 $0xD0000000, s2;
	s6 =	simm.s32 $0x108;
	_ =	swait.ge @!p0 [sflag:s8], $0x0  }
0x24: {  	s3 =	sadd.s32 $0x88, s3;
	s6 =	simm.s32 @!p1 $0x1082;
	[sflag:s4] =	ssyncset.s32 $0xFFFFF086  }
0x25: {  	[simem:s6], [sflag:s4] =	dma.local [hbm:s3], $0xF7A  }
0x26: {  	[smem:$0x3F93] =	sst s1;
	(tag) =	ssettag s2;
	_ =	strace s9  }
0x27: {  	s1 =	sld [smem:$0x3FA3]  }
0x28: {  	s2 =	sld [smem:$0x3FA4]  }
0x29: {  	s4 =	sld [smem:$0x3FA6]  }
0x2a: {  	p0 =	seq.s32 s5, $0x0;
	s5 =	sld [smem:$0x3FA7]  }
0x2b: {  	s6 =	sld [smem:$0x3FA8]  }
0x2c: {  	s7 =	sld [smem:$0x3FA9]  }
0x2d: {  	s3 =	simm.s32 $0x108;
	s8 =	sld [smem:$0x3FAA]  }
0x2e: {  	s3 =	simm.s32 @!p0 $0x1082;
	s9 =	sld [smem:$0x3FAB]  }
0x2f: {  	lr =	sadd.s32 s0, s3;
	s0 =	sld [smem:$0x3FA2]  }
0x30: {  	s3 =	sld [smem:$0x3FA5]  }
0x31: {  	[smem:$0x3FAE] =	sst s10  }
0x32: {  	s10 =	sld [smem:$0x3FAC];
	_ =	sdelay $0x3  }
0x33: {  	p0 =	seq.s32 s10, $0x1;
	s10 =	sld [smem:$0x3FAE];
	_ =	sdelay $0x3  }
0x34: {  	[smem:$0x3FAE] =	sst s10  }
0x35: {  	s10 =	sld [smem:$0x3FAD];
	_ =	sdelay $0x3  }
0x36: {  	p1 =	seq.s32 s10, $0x1;
	s10 =	sld [smem:$0x3FAE];
	_ =	sdelay $0x3  }
0x37: {  	[smem:$0x3FAE] =	sst s10  }
0x38: {  	s10 =	sld [smem:$0x3FAF]  }
0x39: {  	_ = 	snop;
	(pc) =	sbr.ind lr, $3  }
0x3a: {  	_ = 	snop  }
0x3b: {  	_ = 	snop  }
0x3c: {  	p2 =	seq.s32 s10, $0x1;
	s10 =	sld [smem:$0x3FAE]  }
0x3d: {  	_ =	shalt  }
0x3e: {  	_ =	shalt  }
0x3f: {  	_ =	shalt  }
0x40: {  	_ =	shalt  }
0x41: {  	_ =	shalt  }
0x42: {  	_ =	shalt  }
0x43: {  	_ =	shalt  }
0x44: {  	_ =	shalt  }
0x45: {  	_ =	shalt  }
0x46: {  	_ =	shalt  }
0x47: {  	_ =	shalt  }
0x48: {  	_ =	shalt  }
0x49: {  	_ =	shalt  }
0x4a: {  	_ =	shalt  }
0x4b: {  	_ =	shalt  }
0x4c: {  	_ =	shalt  }
0x4d: {  	_ =	shalt  }
0x4e: {  	_ =	shalt  }
0x4f: {  	_ =	shalt  }
0x50: {  	_ =	shalt  }
0x51: {  	_ =	shalt  }
0x52: {  	_ =	shalt  }
0x53: {  	_ =	shalt  }
0x54: {  	_ =	shalt  }
0x55: {  	_ =	shalt  }
0x56: {  	_ =	shalt  }
0x57: {  	_ =	shalt  }
0x58: {  	_ =	shalt  }
0x59: {  	_ =	shalt  }
0x5a: {  	_ =	shalt  }
0x5b: {  	_ =	shalt  }
0x5c: {  	_ =	shalt  }
0x5d: {  	_ =	shalt  }
0x5e: {  	_ =	shalt  }
0x5f: {  	_ =	shalt  }
0x60: {  	_ =	shalt  }
0x61: {  	_ =	shalt  }
0x62: {  	_ =	shalt  }
0x63: {  	_ =	shalt  }
0x64: {  	_ =	shalt  }
0x65: {  	_ =	shalt  }
0x66: {  	_ =	shalt  }
0x67: {  	_ =	shalt  }
0x68: {  	_ =	shalt  }
0x69: {  	_ =	shalt  }
0x6a: {  	_ =	shalt  }
0x6b: {  	_ =	shalt  }
0x6c: {  	_ =	shalt  }
0x6d: {  	_ =	shalt  }
0x6e: {  	_ =	shalt  }
0x6f: {  	_ =	shalt  }
0x70: {  	_ =	shalt  }
0x71: {  	_ =	shalt  }
0x72: {  	_ =	shalt  }
0x73: {  	_ =	shalt  }
0x74: {  	_ =	shalt  }
0x75: {  	_ =	shalt  }
0x76: {  	_ =	shalt  }
0x77: {  	_ =	shalt  }
0x78: {  	_ =	shalt  }
0x79: {  	_ =	shalt  }
0x7a: {  	_ =	shalt  }
0x7b: {  	_ =	shalt  }
0x7c: {  	_ =	shalt  }
0x7d: {  	_ =	shalt  }
0x7e: {  	_ =	shalt  }
0x7f: {  	_ =	shalt  }
0x80: {  	_ =	shalt  }
0x81: {  	_ =	shalt  }
0x82: {  	_ =	shalt  }
0x83: {  	_ =	shalt  }
0x84: {  	_ =	shalt  }
0x85: {  	_ =	shalt  }
0x86: {  	_ =	shalt  }
0x87: {  	_ =	shalt  }
.Lfunc_end0:
.L_simem_size_0:
called_computation_lowered:
.L_overlay_start_0:
0x88: {  	s2 =	sld [smem:$0x3FD9]  }
0x89: {  	s3 =	sld [smem:$0x3FFE];
	_ =	sdelay $0x1  }
0x8a: {  	s1 =	srdreg.scid  }
0x8b: {  	s0 =	sand.u32 $0x1, s1  }
0x8c: {  	s16 =	sshll.u32 s0, $0xA;
	s2 =	sadd.s32 s3, s2  }
0x8d: {  	s2 =	sadd.s32 s2, s16  }
0x8e: {  	[smem:$0x3FBA] =	sst s2  }
0x8f: {  	_ = 	snop  }
0x90: {  	(tm) =	ssettm $0x1  }
0x91: {  	s17 =	sld [smem:$0x3FFB];
	_ =	sdelay $0x3  }
0x92: {  	_ =	strace s17  }
0x93: {  	s2 =	sld [smem:$0x3FFC];
	_ =	sdelay $0x3  }
0x94: {  	_ =	strace s2  }
0x95: {  	s2 =	sld [smem:$0x3FFD];
	_ =	sdelay $0x3  }
0x96: {  	_ =	strace s2  }
0x97: {  	_ =	strace $0x8FFFFFFF  }
0x98: {  	s18 =	sld [smem:$0x3FDB];
	_ =	sdelay $0x1  }
0x99: {  	s19 =	simm.s32 $_scs_section_size  }
0x9a: {  	s4 =	simm.s32 $_size__tile_overlayer_lowered;
	s5 =	simm.s32 $_tile_overlayer_lowered  }
0x9b: {  	s22 =	simm.s32 $0x1BFF;
	s21 =	sshll.u32 s5, $0x1;
	s2 =	sadd.s32 s19, s18  }
0x9c: {  	s6 =	simm.s32 $0x0;
	s20 =	sshll.u32 s4, $0x1;
	s4 =	sadd.s32 s21, s2  }
0x9d: {  	[timem:s6], [sflag:s22] =	dma.local [hbm:s4], s20  }
0x9e: {  	_ =	swait.ge [sflag:s22], s20  }
0x9f: {  	s3 =	ssub.s32 $0x0, s20;
	[sflag:s22] =	ssyncset.done $0x0  }
0xa0: {  	[sflag:s22] =	ssyncadd.s32 s3;
	_ =	sdelay $0x1  }
0xa1: {  	s23 =	simm.s32 $0x1B8B  }
0xa2: {  	_ =	swait.ge [sflag:s23], $0x1  }
0xa3: {  	[sflag:s23] =	ssyncset.done $0x0  }
0xa4: {  	s25 =	simm.s32 $0x1B8E;
	s24 =	sld [smem:$0x3FFE];
	[sflag:s23] =	ssyncadd.s32 $0xFFFFFFFF  }
0xa5: {  	s26 =	simm.s32 $execute0_lowered;
	[smem:$0x3FD2] =	sst s25  }
0xa6: {  	s4 =	sshll.u32 s26, $0x1;
	_ =	strace $0x80000046;
	[dreg:$0x1] =	wrdreg $0xFFFFFFFF  }
0xa7: {  	s28 =	simm.s32 $_size_execute0_lowered;
	s2 =	sadd.s32 s2, s4;
	[dreg:$0x0] =	wrdreg $0x0  }
0xa8: {  	s4 =	sshll.u32 s28, $0x1;
	[dreg:$0x2] =	wrdreg s2  }
0xa9: {  	[dreg:$0x3] =	wrdreg s4  }
0xaa: {  	[dreg:$0x4] =	wrdreg $0xC0  }
0xab: {  	_ =	task [dreg:s6], $0x5FFFF  }
0xac: {  	[dreg:$0x1] =	wrdreg $0xFFFFFFFF  }
0xad: {  	[dreg:$0x0] =	wrdreg $0x60  }
0xae: {  	[dreg:$0x2] =	wrdreg s24  }
0xaf: {  	[dreg:$0x3] =	wrdreg $0x95000  }
0xb0: {  	[dreg:$0x4] =	wrdreg $0x9  }
0xb1: {  	_ =	task.clear_ibuf [dreg:s6], $0x5FFFF;
	_ =	strace $0x90000046  }
0xb2: {  	s29 =	simm.s32 $0x9;
	_ =	strace $0x80000048  }
0xb3: {  	_ =	swait.ge [sflag:s29], $0x1  }
0xb4: {  	[sflag:s29] =	ssyncadd.s32 $0xFFFFFFFF  }
0xb5: {  	_ =	strace $0x90000048  }
0xb6: {  	_ =	sfence  }
0xb7: {  	s30 =	sld [smem:$0x0];
	_ =	sdelay $0x2  }
0xb8: {  	s31 =	sshll.u32 s1, $0xD;
	s1 =	sshrl.u32 s1, $0x2  }
0xb9: {  	s3 =	sand.u32 $0x4000, s31;
	s1 =	sadd.s32 s1, s30  }
0xba: {  	s0 =	sor.u32 s3, s0;
	s1 =	sshll.u32 s1, $0x11  }
0xbb: {  	s0 =	sor.u32 s1, s0  }
0xbc: {  	s0 =	sadd.s32 $0x8F2B, s0  }
0xbd: {  	[sflag:s0] =	ssyncadd.remote.s32 $0x1  }
0xbe: {  	_ =	sfence.sel $0xFFFF  }
0xbf: {  	[dreg:$0x0] =	wrdreg $0xFFFFFFFF;
	(pc) =	sbr.abs _section_cstart, $3  }
0xc0: {  	[dreg:$0x1] =	wrdreg $0xFFFFFFFF  }
0xc1: {  	_ =	task.clear_ibuf [dreg:s6], $0x2FFFF;
	_ =	strace $0x9FFFFFFF  }
0xc2: {  	(tm) =	ssettm $0x7FFFFFFF  }
0xc3: {  	_ =	shalt  }
tec
execute0_lowered:
.L_overlay_start_1:
0x0: {  	(tag) =	ssettag $0x1  }
0x1: {  	s0 =	srdreg.scid  }
0x2: {  	s1 =	rddreg [dreg:$0x0];
	s12 =	stileid.u32  }
0x3: {  	s2 =	rddreg [dreg:$0x1];
	s8 =	smul.u32 $0x280, s12  }
0x4: {  	s28 =	simm.s32 $0x3;
	s29 =	simm.s32 $0x1;
	s7 =	smul.u32 $0x50000, s12  }
0x5: {  	s30 =	simm.s32 $0x4;
	s31 =	simm.s32 $0x2;
	s22 =	smul.u32 $0x2800, s12  }
0x6: {  	s0 =	sand.u32 $0x1, s0;
	s17 =	sadd.s32 $0x3EC00, s1;
	s24 =	smul.u32 $0x500, s12  }
0x7: {  	s3 =	sshll.u32 s0, $0x4;
	s6 =	smul.u32 $0x5000, s0;
	s18 =	ssub.s32 $0x2, s0  }
0x8: {  	p0 =	seq.s32 s0, $0x1;
	s4 =	sor.u32 s12, s3;
	s3 =	simm.s32 $0x0  }
0x9: {  	s9 =	sshrl.u32 s18, $0x1;
	s7 =	sshrl.u32 s7, $0x2;
	s13 =	sadd.s32 $0x80, s8  }
0xa: {  	s15 =	sadd.s32 $0x100, s8;
	s16 =	sadd.s32 $0x180, s8;
	s5 =	smul.u32 $0x500, s4  }
0xb: {  	[smem:$0x7FF] =	sst s3;
	s4 =	sadd.s32 $0x17A00, s1;
	s11 =	sadd.s32 s6, s1  }
0xc: {  	s14 =	ssub.s32 s18, s9;
	s6 =	sadd.s32 s7, s2;
	s19 =	sshll.u32 s13, $0x7  }
0xd: {  	s20 =	sshll.u32 s15, $0x7;
	s10 =	sshll.u32 s16, $0x7;
	s23 =	sshll.u32 s13, $0x4  }
0xe: {  	_ =	strace $0x80000047;
	[dreg:$0x3] =	wrdreg s17;
	s7 =	sadd.s32 s19, s2  }
0xf: {  	s17 =	sadd.s32 $0x200, s8;
	s8 =	sadd.s32 s20, s2;
	s9 =	sadd.s32 s10, s2  }
0x10: {  	s19 =	sshll.u32 s15, $0x4;
	s20 =	sshll.u32 s16, $0x4;
	s25 =	smax.u32 s14, $0x1  }
0x11: {  	s26 =	sadd.s32 s24, s11;
	s24 =	simm.s32 $0x1480;
	s5 =	sadd.s32 s5, s1  }
0x12: {  	[dreg:$0x6] =	wrdreg s25;
	s18 =	sadd.s32 $0x3A00, s5;
	s5 =	sadd.s32 $0x3C80, s5  }
0x13: {  	s21 =	sshll.u32 s17, $0x7;
	[dreg:$0x5] =	wrdreg s5;
	s5 =	simm.s32 $0x67400  }
0x14: {  	s25 =	simm.s32 $0x80;
	s10 =	sadd.s32 s21, s2;
	s5 =	simm.s32 @!p0 $0x3F400  }
0x15: {  	s21 =	sshll.u32 s17, $0x4;
	[dreg:$0x4] =	wrdreg s18;
	s1 =	sadd.s32 s5, s1  }
0x16: {  	s14 =	sadd.s32 s1, s22;
	s15 =	sadd.s32 s1, s23;
	s16 =	sadd.s32 s1, s19  }
0x17: {  	s17 =	sadd.s32 s1, s20;
	s18 =	sadd.s32 s1, s21;
	s19 =	sadd.s32 $0xDA00, s26  }
0x18: {  	s20 =	sadd.s32 $0xDC80, s26;
	s21 =	simm.s32 $0x1500;
	s22 =	simm.s32 $0x5  }
0x19: {  	s23 =	simm.s32 $0x1400;
	s26 =	simm.s32 $0x5500;
	s1 =	simm.s32 $0x0  }
.LBB2_1:
0x1a: {  	s0 =	rddreg [dreg:$0x3]  }
0x1b: {  	[tilespmem:s21], [sflag:$0x5] =	stream.linear.gather [hbm4b:s0+s3], $0x4000, $0x38;
	[tilespmem:$0x1D500] =	vst v63  }
0x1c: {  	_ =	swait.ge [sflag:s22], $0x4000  }
0x1d: {  	[sflag:s22] =	ssyncset.done $0x0  }
0x1e: {  	[sflag:s22] =	ssyncadd.s32 $0xFFFFC000  }
0x1f: {  	[spmem:s6] =	stream.linear.scatter [tilespmem:s21], [sflag:$0x5], $0x4000, $0x38;
	[tilespmem:$0x1D500] =	vst v63  }
0x20: {  	_ =	swait.ge [sflag:s22], $0x4000  }
0x21: {  	[sflag:s22] =	ssyncset.done $0x0  }
0x22: {  	[sflag:s22] =	ssyncadd.s32 $0xFFFFC000  }
0x23: {  	[spmem:s7] =	stream.linear.scatter [tilespmem:s21], [sflag:$0x5], $0x4000, $0x38;
	[tilespmem:$0x1D500] =	vst v63  }
0x24: {  	_ =	swait.ge [sflag:s22], $0x4000  }
0x25: {  	[sflag:s22] =	ssyncset.done $0x0  }
0x26: {  	[sflag:s22] =	ssyncadd.s32 $0xFFFFC000  }
0x27: {  	[spmem:s8] =	stream.linear.scatter [tilespmem:s21], [sflag:$0x5], $0x4000, $0x38;
	[tilespmem:$0x1D500] =	vst v63  }
0x28: {  	_ =	swait.ge [sflag:s22], $0x4000  }
0x29: {  	[sflag:s22] =	ssyncset.done $0x0  }
0x2a: {  	[sflag:s22] =	ssyncadd.s32 $0xFFFFC000  }
0x2b: {  	[spmem:s9] =	stream.linear.scatter [tilespmem:s21], [sflag:$0x5], $0x4000, $0x38;
	[tilespmem:$0x1D500] =	vst v63  }
0x2c: {  	_ =	swait.ge [sflag:s22], $0x4000  }
0x2d: {  	[sflag:s22] =	ssyncset.done $0x0  }
0x2e: {  	[sflag:s22] =	ssyncadd.s32 $0xFFFFC000  }
0x2f: {  	[spmem:s10] =	stream.linear.scatter [tilespmem:s21], [sflag:$0x5], $0x4000, $0x38;
	[tilespmem:$0x1D500] =	vst v63  }
0x30: {  	_ =	swait.ge [sflag:s22], $0x4000  }
0x31: {  	[sflag:s22] =	ssyncset.done $0x0  }
0x32: {  	[sflag:s22] =	ssyncadd.s32 $0xFFFFC000  }
0x33: {  	[bflag:$0x0] =	sbarrier.arrive $0xFFFF  }
0x34: {  	s11 =	rddreg [dreg:$0x4]  }
0x35: {  	[tilespmem:s3], [sflag:$0x5] =	stream.linear.gather [hbm4b:s11+s3], $0x1400, $0x38;
	[tilespmem:$0x1D500] =	vst v63  }
0x36: {  	_ =	swait.ge [sflag:s22], $0x1400  }
0x37: {  	[sflag:s22] =	ssyncset.done $0x0  }
0x38: {  	s12 =	sadd.s32 $0x0, s19;
	[sflag:s22] =	ssyncadd.s32 $0xFFFFEC00  }
0x39: {  	[tilespmem:s23], [sflag:$0x3] =	stream.linear.gather [hbm4b:s12+s3], $0x80, $0x38;
	[tilespmem:$0x1D500] =	vst v63  }
0x3a: {  	s0 =	sadd.s32 $0x10, s12  }
0x3b: {  	[tilespmem:s24], [sflag:$0x4] =	stream.linear.gather [hbm4b:s0+s3], $0x80, $0x38;
	[tilespmem:$0x1D500] =	vst v63  }
0x3c: {  	s13 =	simm.s32 $0x0  }
0x3d: {  	[tilespmem:s21], [sflag:$0x1] =	stream.indirect.gather [hbm4b:s4+s25], $0x80, s13, s25, $0xb8;
	[tilespmem:$0x1D500] =	vst v63  }
0x3e: {  	_ = 	snop  }
0x3f: {  	[tilespmem:s26], [sflag:$0x2] =	stream.indirect.gather [hbm4b:s4+s25], $0x80, s25, s25, $0xb8;
	[tilespmem:$0x1D500] =	vst v63  }
0x40: {  	_ =	swait.ge [sflag:s28], $0x80  }
0x41: {  	[sflag:s28] =	ssyncset.done $0x0  }
0x42: {  	[sflag:s28] =	ssyncadd.s32 $0xFFFFFF80  }
0x43: {  	_ =	swait.ge [sflag:s29], $0x4000  }
0x44: {  	[sflag:s29] =	ssyncset.done $0x0  }
0x45: {  	[sflag:s29] =	ssyncadd.s32 $0xFFFFC000  }
0x46: {  	[spmem:s2] =	stream.indirect.scatter.add.f32 [tilespmem:s21], [sflag:$0x5], $0x80, s23, s25, $0xb8;
	[tilespmem:$0x1D500] =	vst v63  }
0x47: {  	_ =	swait.ge [sflag:s22], $0x4000  }
0x48: {  	[sflag:s22] =	ssyncset.done $0x0  }
0x49: {  	[sflag:s22] =	ssyncadd.s32 $0xFFFFC000  }
0x4a: {  	_ =	swait.ge [sflag:s30], $0x80  }
0x4b: {  	[sflag:s30] =	ssyncset.done $0x0  }
0x4c: {  	[sflag:s30] =	ssyncadd.s32 $0xFFFFFF80  }
0x4d: {  	_ =	swait.ge [sflag:s31], $0x4000  }
0x4e: {  	[sflag:s31] =	ssyncset.done $0x0  }
0x4f: {  	[sflag:s31] =	ssyncadd.s32 $0xFFFFC000  }
0x50: {  	[spmem:s2] =	stream.indirect.scatter.add.f32 [tilespmem:s26], [sflag:$0x5], $0x80, s24, s25, $0xb8;
	[tilespmem:$0x1D500] =	vst v63  }
0x51: {  	s5 =	simm.s32 $0x20;
	_ =	swait.ge [sflag:s22], $0x4000  }
0x52: {  	s11 =	simm.s32 $0x40;
	s0 =	simm.s32 $0x180;
	[sflag:s22] =	ssyncset.done $0x0  }
.LBB2_2:
0x53: {  	s12 =	sadd.s32 s5, s19  }
0x54: {  	[sflag:s22] =	ssyncadd.s32 $0xFFFFC000;
	s5 =	smov.u32 s11;
	s13 =	sadd.s32 $0x20, s11  }
0x55: {  	[tilespmem:s23], [sflag:$0x3] =	stream.linear.gather [hbm4b:s12+s3], $0x80, $0x38;
	[tilespmem:$0x1D500] =	vst v63  }
0x56: {  	p0 =	sne.s32 s11, $0x260;
	s11 =	sadd.s32 $0x10, s12  }
0x57: {  	[tilespmem:s24], [sflag:$0x4] =	stream.linear.gather [hbm4b:s11+s3], $0x80, $0x38;
	[tilespmem:$0x1D500] =	vst v63  }
0x58: {  	s11 =	sadd.s32 $0xFFFFFF80, s0  }
0x59: {  	[tilespmem:s21], [sflag:$0x1] =	stream.indirect.gather [hbm4b:s4+s25], $0x80, s11, s25, $0xb8;
	[tilespmem:$0x1D500] =	vst v63  }
0x5a: {  	_ = 	snop  }
0x5b: {  	[tilespmem:s26], [sflag:$0x2] =	stream.indirect.gather [hbm4b:s4+s25], $0x80, s0, s25, $0xb8;
	[tilespmem:$0x1D500] =	vst v63  }
0x5c: {  	_ =	swait.ge [sflag:s28], $0x80  }
0x5d: {  	[sflag:s28] =	ssyncset.done $0x0  }
0x5e: {  	[sflag:s28] =	ssyncadd.s32 $0xFFFFFF80  }
0x5f: {  	_ =	swait.ge [sflag:s29], $0x4000  }
0x60: {  	[sflag:s29] =	ssyncset.done $0x0  }
0x61: {  	[sflag:s29] =	ssyncadd.s32 $0xFFFFC000  }
0x62: {  	[spmem:s2] =	stream.indirect.scatter.add.f32 [tilespmem:s21], [sflag:$0x5], $0x80, s23, s25, $0xb8;
	[tilespmem:$0x1D500] =	vst v63  }
0x63: {  	_ =	swait.ge [sflag:s22], $0x4000  }
0x64: {  	[sflag:s22] =	ssyncset.done $0x0  }
0x65: {  	[sflag:s22] =	ssyncadd.s32 $0xFFFFC000  }
0x66: {  	_ =	swait.ge [sflag:s30], $0x80  }
0x67: {  	[sflag:s30] =	ssyncset.done $0x0  }
0x68: {  	[sflag:s30] =	ssyncadd.s32 $0xFFFFFF80  }
0x69: {  	_ =	swait.ge [sflag:s31], $0x4000  }
.Ltmp0:
0x6a: {  	[sflag:s31] =	ssyncset.done $0x0;
	(pc) =	sbr.rel @p0 .LBB2_2-.Ltmp0, $4  }
0x6b: {  	[sflag:s31] =	ssyncadd.s32 $0xFFFFC000  }
0x6c: {  	[spmem:s2] =	stream.indirect.scatter.add.f32 [tilespmem:s26], [sflag:$0x5], $0x80, s24, s25, $0xb8;
	[tilespmem:$0x1D500] =	vst v63  }
0x6d: {  	_ =	swait.ge [sflag:s22], $0x4000  }
0x6e: {  	s11 =	smov.u32 s13;
	s0 =	sadd.s32 $0x100, s0;
	[sflag:s22] =	ssyncset.done $0x0  }
0x6f: {  	s5 =	sadd.s32 s5, s19;
	[sflag:s22] =	ssyncadd.s32 $0xFFFFC000  }
0x70: {  	[tilespmem:s23], [sflag:$0x3] =	stream.linear.gather [hbm4b:s5+s3], $0x80, $0x38;
	[tilespmem:$0x1D500] =	vst v63  }
0x71: {  	s5 =	sadd.s32 $0x10, s5  }
0x72: {  	[tilespmem:s24], [sflag:$0x4] =	stream.linear.gather [hbm4b:s5+s3], $0x80, $0x38;
	[tilespmem:$0x1D500] =	vst v63  }
0x73: {  	s11 =	sadd.s32 $0xFFFFFF80, s0  }
0x74: {  	[tilespmem:s21], [sflag:$0x1] =	stream.indirect.gather [hbm4b:s4+s25], $0x80, s11, s25, $0xb8;
	[tilespmem:$0x1D500] =	vst v63  }
0x75: {  	_ = 	snop  }
0x76: {  	[tilespmem:s26], [sflag:$0x2] =	stream.indirect.gather [hbm4b:s4+s25], $0x80, s0, s25, $0xb8;
	[tilespmem:$0x1D500] =	vst v63  }
0x77: {  	_ =	swait.ge [sflag:s28], $0x80  }
0x78: {  	[sflag:s28] =	ssyncset.done $0x0  }
0x79: {  	[sflag:s28] =	ssyncadd.s32 $0xFFFFFF80  }
0x7a: {  	_ =	swait.ge [sflag:s29], $0x4000  }
0x7b: {  	[sflag:s29] =	ssyncset.done $0x0  }
0x7c: {  	[sflag:s29] =	ssyncadd.s32 $0xFFFFC000  }
0x7d: {  	[spmem:s2] =	stream.indirect.scatter.add.f32 [tilespmem:s21], [sflag:$0x5], $0x80, s23, s25, $0xb8;
	[tilespmem:$0x1D500] =	vst v63  }
0x7e: {  	_ =	swait.ge [sflag:s22], $0x4000  }
0x7f: {  	[sflag:s22] =	ssyncset.done $0x0  }
0x80: {  	[sflag:s22] =	ssyncadd.s32 $0xFFFFC000  }
0x81: {  	_ =	swait.ge [sflag:s30], $0x80  }
0x82: {  	[sflag:s30] =	ssyncset.done $0x0  }
0x83: {  	[sflag:s30] =	ssyncadd.s32 $0xFFFFFF80  }
0x84: {  	_ =	swait.ge [sflag:s31], $0x4000  }
0x85: {  	[sflag:s31] =	ssyncset.done $0x0  }
0x86: {  	[sflag:s31] =	ssyncadd.s32 $0xFFFFC000  }
0x87: {  	[spmem:s2] =	stream.indirect.scatter.add.f32 [tilespmem:s26], [sflag:$0x5], $0x80, s24, s25, $0xb8;
	[tilespmem:$0x1D500] =	vst v63  }
0x88: {  	_ =	swait.ge [sflag:s22], $0x4000  }
0x89: {  	[sflag:s22] =	ssyncset.done $0x0  }
0x8a: {  	s12 =	simm.s32 $0x0;
	s13 =	rddreg [dreg:$0x5];
	[sflag:s22] =	ssyncadd.s32 $0xFFFFC000  }
0x8b: {  	[tilespmem:s12], [sflag:$0x5] =	stream.linear.gather [hbm4b:s13+s12], $0x1400, $0x38;
	[tilespmem:$0x1D500] =	vst v63  }
0x8c: {  	_ =	swait.ge [sflag:s22], $0x1400  }
0x8d: {  	[sflag:s22] =	ssyncset.done $0x0  }
0x8e: {  	[sflag:s22] =	ssyncadd.s32 $0xFFFFEC00  }
0x8f: {  	[tilespmem:s23], [sflag:$0x3] =	stream.linear.gather [hbm4b:s20+s3], $0x80, $0x38;
	[tilespmem:$0x1D500] =	vst v63  }
0x90: {  	s11 =	sadd.s32 $0x10, s20  }
0x91: {  	[tilespmem:s24], [sflag:$0x4] =	stream.linear.gather [hbm4b:s11+s3], $0x80, $0x38;
	[tilespmem:$0x1D500] =	vst v63  }
0x92: {  	s12 =	simm.s32 $0x0  }
0x93: {  	[tilespmem:s21], [sflag:$0x1] =	stream.indirect.gather [hbm4b:s4+s25], $0x80, s12, s25, $0xb8;
	[tilespmem:$0x1D500] =	vst v63  }
0x94: {  	s13 =	simm.s32 $0x80  }
0x95: {  	[tilespmem:s26], [sflag:$0x2] =	stream.indirect.gather [hbm4b:s4+s25], $0x80, s13, s25, $0xb8;
	[tilespmem:$0x1D500] =	vst v63  }
0x96: {  	_ =	swait.ge [sflag:s28], $0x80  }
0x97: {  	[sflag:s28] =	ssyncset.done $0x0  }
0x98: {  	[sflag:s28] =	ssyncadd.s32 $0xFFFFFF80  }
0x99: {  	_ =	swait.ge [sflag:s29], $0x4000  }
0x9a: {  	[sflag:s29] =	ssyncset.done $0x0  }
0x9b: {  	[sflag:s29] =	ssyncadd.s32 $0xFFFFC000  }
0x9c: {  	[spmem:s2] =	stream.indirect.scatter.add.f32 [tilespmem:s21], [sflag:$0x5], $0x80, s23, s25, $0xb8;
	[tilespmem:$0x1D500] =	vst v63  }
0x9d: {  	_ =	swait.ge [sflag:s22], $0x4000  }
0x9e: {  	[sflag:s22] =	ssyncset.done $0x0  }
0x9f: {  	[sflag:s22] =	ssyncadd.s32 $0xFFFFC000  }
0xa0: {  	_ =	swait.ge [sflag:s30], $0x80  }
0xa1: {  	[sflag:s30] =	ssyncset.done $0x0  }
0xa2: {  	[sflag:s30] =	ssyncadd.s32 $0xFFFFFF80  }
0xa3: {  	_ =	swait.ge [sflag:s31], $0x4000  }
0xa4: {  	[sflag:s31] =	ssyncset.done $0x0  }
0xa5: {  	[sflag:s31] =	ssyncadd.s32 $0xFFFFC000  }
0xa6: {  	[spmem:s2] =	stream.indirect.scatter.add.f32 [tilespmem:s26], [sflag:$0x5], $0x80, s24, s25, $0xb8;
	[tilespmem:$0x1D500] =	vst v63  }
0xa7: {  	_ =	swait.ge [sflag:s22], $0x4000  }
0xa8: {  	s5 =	smov.u32 s20;
	s0 =	simm.s32 $0x400;
	[sflag:s22] =	ssyncset.done $0x0  }
.LBB2_4:
0xa9: {  	p0 =	sne.s32 s0, $0x4C00;
	[sflag:s22] =	ssyncadd.s32 $0xFFFFC000;
	s5 =	sadd.s32 $0x20, s5  }
0xaa: {  	[tilespmem:s23], [sflag:$0x3] =	stream.linear.gather [hbm4b:s5+s3], $0x80, $0x38;
	[tilespmem:$0x1D500] =	vst v63  }
0xab: {  	s12 =	smov.u32 s0;
	s0 =	sadd.s32 $0x400, s0;
	s11 =	sadd.s32 $0x10, s5  }
0xac: {  	[tilespmem:s24], [sflag:$0x4] =	stream.linear.gather [hbm4b:s11+s3], $0x80, $0x38;
	[tilespmem:$0x1D500] =	vst v63  }
0xad: {  	s11 =	sshra.s32 s12, $0x2  }
0xae: {  	[tilespmem:s21], [sflag:$0x1] =	stream.indirect.gather [hbm4b:s4+s25], $0x80, s11, s25, $0xb8;
	[tilespmem:$0x1D500] =	vst v63  }
0xaf: {  	s11 =	sadd.s32 $0x80, s11  }
0xb0: {  	[tilespmem:s26], [sflag:$0x2] =	stream.indirect.gather [hbm4b:s4+s25], $0x80, s11, s25, $0xb8;
	[tilespmem:$0x1D500] =	vst v63  }
0xb1: {  	_ =	swait.ge [sflag:s28], $0x80  }
0xb2: {  	[sflag:s28] =	ssyncset.done $0x0  }
0xb3: {  	[sflag:s28] =	ssyncadd.s32 $0xFFFFFF80  }
0xb4: {  	_ =	swait.ge [sflag:s29], $0x4000  }
0xb5: {  	[sflag:s29] =	ssyncset.done $0x0  }
0xb6: {  	[sflag:s29] =	ssyncadd.s32 $0xFFFFC000  }
0xb7: {  	[spmem:s2] =	stream.indirect.scatter.add.f32 [tilespmem:s21], [sflag:$0x5], $0x80, s23, s25, $0xb8;
	[tilespmem:$0x1D500] =	vst v63  }
0xb8: {  	_ =	swait.ge [sflag:s22], $0x4000  }
0xb9: {  	[sflag:s22] =	ssyncset.done $0x0  }
0xba: {  	[sflag:s22] =	ssyncadd.s32 $0xFFFFC000  }
0xbb: {  	_ =	swait.ge [sflag:s30], $0x80  }
0xbc: {  	[sflag:s30] =	ssyncset.done $0x0  }
0xbd: {  	[sflag:s30] =	ssyncadd.s32 $0xFFFFFF80  }
0xbe: {  	_ =	swait.ge [sflag:s31], $0x4000  }
.Ltmp1:
0xbf: {  	[sflag:s31] =	ssyncset.done $0x0;
	(pc) =	sbr.rel @p0 .LBB2_4-.Ltmp1, $4  }
0xc0: {  	[sflag:s31] =	ssyncadd.s32 $0xFFFFC000  }
0xc1: {  	[spmem:s2] =	stream.indirect.scatter.add.f32 [tilespmem:s26], [sflag:$0x5], $0x80, s24, s25, $0xb8;
	[tilespmem:$0x1D500] =	vst v63  }
0xc2: {  	_ =	swait.ge [sflag:s22], $0x4000  }
0xc3: {  	[sflag:s22] =	ssyncset.done $0x0  }
0xc4: {  	[sflag:s22] =	ssyncadd.s32 $0xFFFFC000  }
0xc5: {  	[bflag:$0x0] =	sbarrier.arrive $0xFFFF  }
0xc6: {  	[tilespmem:s21], [sflag:$0x5] =	stream.linear.gather [spmem:s6], $0x4000, $0x38;
	[tilespmem:$0x1D500] =	vst v63  }
0xc7: {  	_ =	swait.ge [sflag:s22], $0x4000  }
0xc8: {  	[sflag:s22] =	ssyncset.done $0x0  }
0xc9: {  	[sflag:s22] =	ssyncadd.s32 $0xFFFFC000  }
0xca: {  	[hbm4b:s14+s3] =	stream.linear.scatter [tilespmem:s21], [sflag:$0x5], $0x4000, $0x38;
	[tilespmem:$0x1D500] =	vst v63  }
0xcb: {  	_ =	swait.ge [sflag:s22], $0x4000  }
0xcc: {  	[sflag:s22] =	ssyncset.done $0x0  }
0xcd: {  	[sflag:s22] =	ssyncadd.s32 $0xFFFFC000  }
0xce: {  	[tilespmem:s21], [sflag:$0x5] =	stream.linear.gather [spmem:s7], $0x4000, $0x38;
	[tilespmem:$0x1D500] =	vst v63  }
0xcf: {  	_ =	swait.ge [sflag:s22], $0x4000  }
0xd0: {  	[sflag:s22] =	ssyncset.done $0x0  }
0xd1: {  	[sflag:s22] =	ssyncadd.s32 $0xFFFFC000  }
0xd2: {  	[hbm4b:s15+s3] =	stream.linear.scatter [tilespmem:s21], [sflag:$0x5], $0x4000, $0x38;
	[tilespmem:$0x1D500] =	vst v63  }
0xd3: {  	_ =	swait.ge [sflag:s22], $0x4000  }
0xd4: {  	[sflag:s22] =	ssyncset.done $0x0  }
0xd5: {  	[sflag:s22] =	ssyncadd.s32 $0xFFFFC000  }
0xd6: {  	[tilespmem:s21], [sflag:$0x5] =	stream.linear.gather [spmem:s8], $0x4000, $0x38;
	[tilespmem:$0x1D500] =	vst v63  }
0xd7: {  	_ =	swait.ge [sflag:s22], $0x4000  }
0xd8: {  	[sflag:s22] =	ssyncset.done $0x0  }
0xd9: {  	[sflag:s22] =	ssyncadd.s32 $0xFFFFC000  }
0xda: {  	[hbm4b:s16+s3] =	stream.linear.scatter [tilespmem:s21], [sflag:$0x5], $0x4000, $0x38;
	[tilespmem:$0x1D500] =	vst v63  }
0xdb: {  	_ =	swait.ge [sflag:s22], $0x4000  }
0xdc: {  	[sflag:s22] =	ssyncset.done $0x0  }
0xdd: {  	[sflag:s22] =	ssyncadd.s32 $0xFFFFC000  }
0xde: {  	[tilespmem:s21], [sflag:$0x5] =	stream.linear.gather [spmem:s9], $0x4000, $0x38;
	[tilespmem:$0x1D500] =	vst v63  }
0xdf: {  	_ =	swait.ge [sflag:s22], $0x4000  }
0xe0: {  	[sflag:s22] =	ssyncset.done $0x0  }
0xe1: {  	[sflag:s22] =	ssyncadd.s32 $0xFFFFC000  }
0xe2: {  	[hbm4b:s17+s3] =	stream.linear.scatter [tilespmem:s21], [sflag:$0x5], $0x4000, $0x38;
	[tilespmem:$0x1D500] =	vst v63  }
0xe3: {  	_ =	swait.ge [sflag:s22], $0x4000  }
0xe4: {  	[sflag:s22] =	ssyncset.done $0x0  }
0xe5: {  	[sflag:s22] =	ssyncadd.s32 $0xFFFFC000  }
0xe6: {  	[tilespmem:s21], [sflag:$0x5] =	stream.linear.gather [spmem:s10], $0x4000, $0x38;
	[tilespmem:$0x1D500] =	vst v63  }
0xe7: {  	_ =	swait.ge [sflag:s22], $0x4000  }
0xe8: {  	[sflag:s22] =	ssyncset.done $0x0  }
0xe9: {  	[sflag:s22] =	ssyncadd.s32 $0xFFFFC000  }
0xea: {  	[hbm4b:s18+s3] =	stream.linear.scatter [tilespmem:s21], [sflag:$0x5], $0x4000, $0x38;
	[tilespmem:$0x1D500] =	vst v63  }
0xeb: {  	_ =	swait.ge [sflag:s22], $0x4000  }
0xec: {  	s1 =	sadd.s32 $0x1, s1;
	s0 =	rddreg [dreg:$0x6]  }
0xed: {  	p0 =	sne.s32 s1, s0  }
.Ltmp2:
0xee: {  	_ = 	snop;
	(pc) =	sbr.rel @p0 .LBB2_1-.Ltmp2, $3  }
0xef: {  	_ =	sdelay $0x1  }
0xf0: {  	[sflag:s22] =	ssyncset.done $0x0  }
0xf1: {  	[sflag:s22] =	ssyncadd.s32 $0xFFFFC000  }
0xf2: {  	_ =	sfence.sel $0x180000  }
0xf3: {  	[bflag:$0x0] =	sbarrier.arrive $0xFFFF  }
0xf4: {  	_ =	strace $0x90000047  }
0xf5: {  	s0 =	stileid.u32;
	[bflag:$0x2] =	sbarrier.arrive $0xFFFF  }
0xf6: {  	p0 =	sne.s32 s0, $0x0;
	s0 =	rddreg [dreg:$0x2]  }
0xf7: {  	s0 =	sadd.s32 @!p0 $0x100000, s0  }
0xf8: {  	[sflag:s0] =	ssyncadd.tile.s32 @!p0 $0x1;
	_ =	shalt  }
.Lfunc_end2:
_tile_overlayer_lowered:
.L_overlay_start_2:
0xf9: {  	(tag) =	ssettag $0x2  }
0xfa: {  	s0 =	rddreg [dreg:$0x0];
	s2 =	stileid.u32  }
0xfb: {  	s1 =	rddreg [dreg:$0x1];
	p0 =	sne.s32 s2, $0x0  }
0xfc: {  	s3 =	rddreg [dreg:$0x2];
	[bflag:$0x3] =	sbarrier.arrive $0xFFFF;
	s2 =	simm.s32 @!p0 $0x1C05  }
0xfd: {  	[timem:s3], [sflag:s2] =	dma.local @!p0 [hbm:s0], s1  }
0xfe: {  	s0 =	simm.s32 @!p0 $0x5  }
0xff: {  	_ =	swait.ge @!p0 [sflag:s0], s1  }
0x100: {  	s1 =	ssub.s32 @!p0 $0x0, s1;
	[sflag:s0] =	ssyncset.done @!p0 $0x0  }
0x101: {  	[sflag:s0] =	ssyncadd.s32 @!p0 s1  }
0x102: {  	[bflag:$0x3] =	sbarrier.arrive $0xFFFF  }
0x103: {  	_ =	shalt  }

</sc_bundles>
